<compile_context>
chip_gen: v7x
topology: tpu7x:2x2x1
jax: 0.10.2.dev20260603
libtpu: 0.0.44.dev20260713+nightly
codegen_flags: <defaults>
</compile_context>

<pallas_src>
import functools

import jax
import jax.numpy as jnp
import numpy as np
from jax import lax
from jax.experimental import pallas as pl
from jax.experimental.pallas import tpu as pltpu
from jax.experimental.pallas import tpu_sc as plsc

N = 10000
E = 320000
NPAD = 10240
D = 16
NC, NS = 2, 16
NW = NC * NS
EPW = E // NW
CHUNK = 128
NFULL = EPW // CHUNK
TAIL = EPW - NFULL * CHUNK
NBUF = 6
RPW = NPAD // NS

_H27 = np.zeros((9, 27), np.float32)
_G27 = np.zeros((D, 27), np.float32)
for _c in range(3):
    for _a in range(3):
        for _b in range(3):
            _H27[3 * _c + _a, 9 * _c + 3 * _a + _b] = 1.0
            _G27[3 * _b + _c, 9 * _c + 3 * _a + _b] = 1.0


def _sc_body(row_hbm, fr_hbm, zrows_hbm, out_hbm, idx2, dflat, dat2, idx_t,
             dat_t, obuf, shared, sem0, sem1):
    c = lax.axis_index("c")
    sid = lax.axis_index("s")
    wid = sid * NC + c
    sl = pl.ds(sid * RPW, RPW)
    sems = (sem0, sem1)

    pltpu.sync_copy(zrows_hbm, obuf)
    pltpu.sync_copy(obuf, shared.at[sl])
    plsc.subcore_barrier()

    base0 = wid * EPW

    sem_l, sem_s = sems

    def issue(chunk, b):
        base = base0 + chunk * CHUNK
        pltpu.async_copy(row_hbm.at[pl.ds(base, CHUNK)], idx2.at[b], sem_l)
        pltpu.async_copy(fr_hbm.at[pl.ds(base * D, CHUNK * D)],
                         dflat.at[b], sem_l)

    def wait_load(b):
        pltpu.make_async_copy(row_hbm.at[pl.ds(0, CHUNK)], idx2.at[b],
                              sem_l).wait()
        pltpu.make_async_copy(fr_hbm.at[pl.ds(0, CHUNK * D)], dflat.at[b],
                              sem_l).wait()

    def repack(b):
        def rb(i, _):
            for u in range(4):
                r = i * 4 + u
                val = dflat[b, pl.ds(r * 2 * D, 2 * D)]
                dat2[b, pl.ds(2 * r, 2), :] = val.reshape(2, D)
            return 0

        lax.fori_loop(0, CHUNK // 8, rb, 0)

    for b in range(NBUF):
        issue(b, b)

    def body(g, _):
        for b in range(NBUF):
            wait_load(b)
            repack(b)
        for b in range(NBUF):
            pltpu.async_copy(dat2.at[b], shared.at[idx2.at[b]], sem_s,
                             add=True)
        for b in range(NBUF):
            pltpu.make_async_copy(dat2.at[b], shared.at[idx2.at[b]],
                                  sem_s).wait()
        nxt = jnp.minimum((g + 1) * NBUF, NFULL - NBUF)
        for b in range(NBUF):
            issue(nxt + b, b)
        return 0

    lax.fori_loop(0, NFULL // NBUF, body, 0)
    for b in range(NBUF):
        wait_load(b)

    tbase = base0 + NFULL * CHUNK
    pltpu.sync_copy(row_hbm.at[pl.ds(tbase, TAIL)], idx_t)
    pltpu.sync_copy(fr_hbm.at[pl.ds(tbase * D, TAIL * D)],
                    dflat.at[0, pl.ds(0, TAIL * D)])
    for r in range(TAIL // 2):
        val = dflat[0, pl.ds(r * 2 * D, 2 * D)]
        dat_t[pl.ds(2 * r, 2), :] = val.reshape(2, D)
    pltpu.sync_copy(dat_t, shared.at[idx_t], add=True)

    plsc.subcore_barrier()

    pltpu.sync_copy(shared.at[sl], obuf)

    @pl.when(c == 0)
    def _():
        pltpu.sync_copy(obuf, out_hbm.at[0, sl])

    @pl.when(c == 1)
    def _():
        pltpu.sync_copy(obuf, out_hbm.at[1, sl])


@functools.lru_cache(maxsize=None)
def _build_sc_segsum():
    return pl.kernel(
        _sc_body,
        out_type=jax.ShapeDtypeStruct((NC, NPAD, D), jnp.bfloat16),
        mesh=plsc.VectorSubcoreMesh(core_axis_name="c", subcore_axis_name="s"),
        compiler_params=pltpu.CompilerParams(use_tc_tiling_on_sc=False),
        scratch_types=[
            pltpu.VMEM((NBUF, CHUNK), jnp.int32),
            pltpu.VMEM((NBUF, CHUNK * D), jnp.bfloat16),
            pltpu.VMEM((NBUF, CHUNK, D), jnp.bfloat16),
            pltpu.VMEM((TAIL,), jnp.int32),
            pltpu.VMEM((TAIL, D), jnp.bfloat16),
            pltpu.VMEM((RPW, D), jnp.bfloat16),
            pltpu.VMEM_SHARED((NPAD, D), jnp.bfloat16),
            pltpu.SemaphoreType.DMA,
            pltpu.SemaphoreType.DMA,
        ],
    )


def _tc_body(s_ref, vf_ref, fp_ref, a_ref, s48_ref, bm_ref, h27_ref, g27_ref,
             wss_ref, wsn_ref, wsh_ref, bso_ref, a2_ref, wvos_ref, bvos_ref,
             rm_ref, so_ref, vec_ref):
    f32 = jnp.float32
    vf = vf_ref[...]
    vhr = jnp.dot(vf, a_ref[...], preferred_element_type=f32)
    nsq = jnp.dot(vhr * vhr, s48_ref[...], preferred_element_type=f32)
    norm = jnp.sqrt(nsq + 1e-8)
    vdf = jnp.dot(vf, bm_ref[...], preferred_element_type=f32)

    fsum = (fp_ref[0].astype(f32) + fp_ref[1].astype(f32))
    cnt = jnp.maximum(fsum[:, 9:10], 1.0)
    pr = (jnp.dot(vdf, h27_ref[...], preferred_element_type=f32)
          * jnp.dot(fsum, g27_ref[...], preferred_element_type=f32))
    shr = (pr[:, :9] + pr[:, 9:18] + pr[:, 18:27]) / cnt

    srep = (jnp.dot(s_ref[...], wss_ref[...], preferred_element_type=f32)
            + jnp.dot(norm, wsn_ref[...], preferred_element_type=f32)
            + jnp.dot(shr, wsh_ref[...], preferred_element_type=f32)
            + bso_ref[...])
    silu = srep * jax.nn.sigmoid(srep)
    gate = jnp.dot(silu, wvos_ref[...], preferred_element_type=f32) + bvos_ref[...]
    sig = jax.nn.sigmoid(gate)
    vec = jnp.dot(vhr, a2_ref[...], preferred_element_type=f32)
    sig48 = jnp.dot(sig, rm_ref[...], preferred_element_type=f32)
    so_ref[...] = silu
    vec_ref[...] = vec * sig48


BN = 1000


def _tc_dense(s, v_flat, fp, A, S48, Bm, H27, G27, Wss, Wsn, Wsh, bso, A2,
              Wvos, bvos, Rm):
    full = lambda shape: pl.BlockSpec(shape, lambda i: (0,) * len(shape))
    return pl.pallas_call(
        _tc_body,
        grid=(N // BN,),
        in_specs=[
            pl.BlockSpec((BN, 128), lambda i: (i, 0)),
            pl.BlockSpec((BN, 48), lambda i: (i, 0)),
            pl.BlockSpec((NC, BN, D), lambda i: (0, i, 0)),
            full((48, 48)),
            full((48, 16)),
            full((48, 9)),
            full((9, 27)),
            full((D, 27)),
            full((128, 128)),
            full((16, 128)),
            full((9, 128)),
            full((1, 128)),
            full((48, 48)),
            full((128, 16)),
            full((1, 16)),
            full((16, 48)),
        ],
        out_specs=[
            pl.BlockSpec((BN, 128), lambda i: (i, 0)),
            pl.BlockSpec((BN, 48), lambda i: (i, 0)),
        ],
        out_shape=[
            jax.ShapeDtypeStruct((N, 128), jnp.float32),
            jax.ShapeDtypeStruct((N, 48), jnp.float32),
        ],
    )(s, v_flat, fp, A, S48, Bm, H27, G27, Wss, Wsn, Wsh, bso, A2, Wvos,
      bvos, Rm)


def kernel(s, v, edge_index, frames, W_vd, W_vdf, W_so, b_so, W_vu, W_vos,
           b_vos):
    f32 = jnp.float32
    row = edge_index[0].astype(jnp.int32)
    bf16 = jnp.bfloat16
    fr_flat = jnp.concatenate(
        [frames.astype(bf16).reshape(E, 9),
         jnp.ones((E, 1), bf16),
         jnp.zeros((E, D - 10), bf16)], axis=1).reshape(E * D)
    zrows = jnp.zeros((RPW, D), bf16)

    fp = _build_sc_segsum()(row, fr_flat, zrows)

    eye3 = jnp.eye(3, dtype=f32)
    A = jnp.kron(W_vd.T, eye3)
    A2 = jnp.kron(W_vu.T, eye3)
    S48 = jnp.kron(jnp.eye(16, dtype=f32), jnp.ones((3, 1), f32))
    Bm = jnp.einsum('kp,do->dkpo', eye3, W_vdf.T).reshape(48, 9)
    Rm = jnp.kron(jnp.eye(16, dtype=f32), jnp.ones((1, 3), f32))

    so, vec48 = _tc_dense(
        s, v.reshape(N, 48), fp, A, S48, Bm,
        jnp.asarray(_H27), jnp.asarray(_G27),
        W_so[:, :128].T, W_so[:, 128:144].T, W_so[:, 144:].T,
        b_so.reshape(1, 128), A2, W_vos.T, b_vos.reshape(1, 16), Rm)

    return (so, vec48.reshape(N, 16, 3))

# --- scband reference (transcript-rebuilt; emitter-appended) ---
"""Pipeline reference for scband-gcp-10531259810601 (READ-ONLY COPY).

The authoritative reference and input builder live on the scoring server;
editing this copy changes nothing except your own understanding.
"""

import jax, jax.numpy as jnp
import numpy as np

N = 10000
E = 320000
DS = 128
DV = 16
H = 16  # hidden = max(vector_in, vector_out), bottleneck=1
SVD = 3  # scalarization_vectorization_output_dim


def safe_norm(x, axis):
    return jnp.sqrt(jnp.sum(x * x, axis=axis) + 1e-8)


def setup_inputs(seed: int = 0) -> dict:
    key = jax.random.key(seed)
    ks = jax.random.split(key, 12)
    s = jax.random.normal(ks[0], (N, DS), dtype=jnp.float32)
    v = jax.random.normal(ks[1], (N, DV, 3), dtype=jnp.float32)
    edge_index = jax.random.randint(ks[2], (2, E), 0, N)
    frames = jax.random.normal(ks[3], (E, 3, 3), dtype=jnp.float32)
    # learned parameters (Linear weights stored as [out, in], matching torch)
    W_vd = jax.random.normal(ks[4], (H, DV), dtype=jnp.float32) * 0.1    # vector_down, no bias
    W_vdf = jax.random.normal(ks[5], (SVD, DV), dtype=jnp.float32) * 0.1  # vector_down_frames, no bias
    W_so = jax.random.normal(ks[6], (DS, H + DS + 9), dtype=jnp.float32) * 0.05  # scalar_out
    b_so = jnp.zeros((DS,), dtype=jnp.float32)
    W_vu = jax.random.normal(ks[7], (DV, H), dtype=jnp.float32) * 0.1    # vector_up, no bias
    W_vos = jax.random.normal(ks[8], (DV, DS), dtype=jnp.float32) * 0.05  # vector_out_scale
    b_vos = jnp.zeros((DV,), dtype=jnp.float32)
    return {"s": s, "v": v, "edge_index": edge_index, "frames": frames,
            "W_vd": W_vd, "W_vdf": W_vdf, "W_so": W_so, "b_so": b_so,
            "W_vu": W_vu, "W_vos": W_vos, "b_vos": b_vos}


def reference(s, v, edge_index, frames, W_vd, W_vdf, W_so, b_so, W_vu, W_vos, b_vos):
    # forward with node_inputs=True, vector_gate=True, scalar_gate=0, e3_equivariance=False
    v_pre = jnp.swapaxes(v, -1, -2)               # [N, 3, DV]
    vector_hidden_rep = v_pre @ W_vd.T            # [N, 3, H]
    vector_norm = safe_norm(vector_hidden_rep, axis=-2)  # [N, H]
    merged = jnp.concatenate([s, vector_norm], axis=-1)  # [N, DS+H]
    vdf = v_pre @ W_vdf.T                         # [N, 3, 3] (spatial, out)
    # --- scalarize (node_inputs=True) ---
    row = edge_index[0]
    vr = jnp.swapaxes(vdf, -1, -2)                # [N, 3, 3] as passed into scalarize
    vri = vr[row]                                 # gather: [E, 3, 3]
    vri = jnp.swapaxes(vri, -1, -2)               # [E, 3(spatial), 3(out)]
    local = jnp.swapaxes(frames @ vri, -1, -2)    # [E, 3, 3]
    local = local.reshape(local.shape[0], 9)      # [E, 9]
    sums = jax.ops.segment_sum(local, row, num_segments=N)
    cnt = jax.ops.segment_sum(jnp.ones((local.shape[0], 1), dtype=local.dtype), row, num_segments=N)
    scalar_hidden_rep = sums / jnp.maximum(cnt, 1.0)  # scatter-mean, [N, 9]
    merged = jnp.concatenate([merged, scalar_hidden_rep], axis=-1)  # [N, DS+H+9]
    scalar_rep = merged @ W_so.T + b_so           # [N, DS]
    # --- vectorize (vector_gate=True) ---
    vec = jnp.swapaxes(vector_hidden_rep @ W_vu.T, -1, -2)  # [N, DV, 3]
    gate = jax.nn.silu(scalar_rep) @ W_vos.T + b_vos         # [N, DV]
    vec = vec * jax.nn.sigmoid(gate)[..., None]
    scalar_out = jax.nn.silu(scalar_rep)
    return (scalar_out, vec)


if False:  # reference __main__ guard neutralized (emitter)
    out = reference(**setup_inputs())
    print(out[0].shape, out[1].shape)

if __name__ == "__main__":
    import jax
    _d = setup_inputs()
    print(jax.jit(kernel)(*tuple(_d.values())))

</pallas_src>

<mosaic_0001>
#map = affine_map<(d0, d1) -> (0)>
#map1 = affine_map<(d0, d1) -> (0, 0)>
#map2 = affine_map<(d0, d1) -> (0, 0, 0)>
module attributes {stable_mosaic.version = 14 : i64} {
  func.func @_sc_body(%arg0: i32, %arg1: i32, %arg2: memref<320000xi32, #tpu.memory_space<hbm>>, %arg3: memref<5120000xbf16, #tpu.memory_space<hbm>>, %arg4: memref<640x16xbf16, #tpu.memory_space<hbm>>, %arg5: memref<2x10240x16xbf16, #tpu.memory_space<hbm>>, %arg6: memref<6x128xi32, #tpu.memory_space<vmem>>, %arg7: memref<6x2048xbf16, #tpu.memory_space<vmem>>, %arg8: memref<6x128x16xbf16, #tpu.memory_space<vmem>>, %arg9: memref<16xi32, #tpu.memory_space<vmem>>, %arg10: memref<16x16xbf16, #tpu.memory_space<vmem>>, %arg11: memref<640x16xbf16, #tpu.memory_space<vmem>>, %arg12: memref<10240x16xbf16, #tpu.memory_space<vmem_shared>>, %arg13: memref<!tpu.dma_semaphore, #tpu.memory_space<semaphore_mem>>, %arg14: memref<!tpu.dma_semaphore, #tpu.memory_space<semaphore_mem>>) attributes {dimension_semantics = [#tpu.dimension_semantics<core_parallel>, #tpu.dimension_semantics<subcore_parallel>], iteration_bounds = array<i64: 2, 16>, scalar_prefetch = 0 : i64, scratch_operands = 9 : i64, tpu.core_type = #tpu.core_type<sc_vector_subcore>, window_params = [{transform_indices = #map}, {transform_indices = #map}, {transform_indices = #map1}, {transform_indices = #map2}]} {
    %mul3A = arith.constant 2 : i32
    %mul3A_0 = arith.muli %arg1, %mul3A : i32
    %add3A = arith.addi %mul3A_0, %arg0 : i32
    %mul3A_1 = arith.constant 640 : i32
    %mul3A_2 = arith.muli %arg1, %mul3A_1 : i32
    "tpu.region"() ({
      %run_scoped3A_370 = tpu.sem_alloc : memref<!tpu.dma_semaphore, #tpu.memory_space<semaphore_mem>>
      tpu.enqueue_dma source(%arg4 : memref<640x16xbf16, #tpu.memory_space<hbm>>) target(%arg11 : memref<640x16xbf16, #tpu.memory_space<vmem>>) target_semaphore(%run_scoped3A_370 : memref<!tpu.dma_semaphore, #tpu.memory_space<semaphore_mem>>)
      tpu.wait_dma2 semaphore(%run_scoped3A_370 : memref<!tpu.dma_semaphore, #tpu.memory_space<semaphore_mem>>) src(%arg4 : memref<640x16xbf16, #tpu.memory_space<hbm>>) dst(%arg11 : memref<640x16xbf16, #tpu.memory_space<vmem>>)
      tpu.yield
    }) : () -> ()
    "tpu.region"() ({
      %run_scoped3A_370 = tpu.sem_alloc : memref<!tpu.dma_semaphore, #tpu.memory_space<semaphore_mem>>
      %dma_start3A_371 = arith.constant 0 : i32
      %dma_start3A_372 = tpu.memref_slice %arg12[%mul3A_2, %dma_start3A_371] : memref<10240x16xbf16, #tpu.memory_space<vmem_shared>> -> memref<640x16xbf16, #tpu.memory_space<vmem_shared>>
      %dma_start3A_373 = arith.constant 0 : i32
      %dma_start3A_374 = tpu.memref_slice %arg12[%mul3A_2, %dma_start3A_373] : memref<10240x16xbf16, #tpu.memory_space<vmem_shared>> -> memref<640x16xbf16, #tpu.memory_space<vmem_shared>>
      tpu.enqueue_dma source(%arg11 : memref<640x16xbf16, #tpu.memory_space<vmem>>) target(%dma_start3A_374 : memref<640x16xbf16, #tpu.memory_space<vmem_shared>>) target_semaphore(%run_scoped3A_370 : memref<!tpu.dma_semaphore, #tpu.memory_space<semaphore_mem>>)
      %dma_wait3A_375 = arith.constant 0 : i32
      %dma_wait3A_376 = tpu.memref_slice %arg12[%mul3A_2, %dma_wait3A_375] : memref<10240x16xbf16, #tpu.memory_space<vmem_shared>> -> memref<640x16xbf16, #tpu.memory_space<vmem_shared>>
      %dma_wait3A_377 = arith.constant 0 : i32
      %dma_wait3A_378 = tpu.memref_slice %arg12[%mul3A_2, %dma_wait3A_377] : memref<10240x16xbf16, #tpu.memory_space<vmem_shared>> -> memref<640x16xbf16, #tpu.memory_space<vmem_shared>>
      tpu.wait_dma2 semaphore(%run_scoped3A_370 : memref<!tpu.dma_semaphore, #tpu.memory_space<semaphore_mem>>) src(%arg11 : memref<640x16xbf16, #tpu.memory_space<vmem>>) dst(%dma_wait3A_378 : memref<640x16xbf16, #tpu.memory_space<vmem_shared>>)
      tpu.yield
    }) : () -> ()
    %barrier3A = arith.constant 0 : index
    tpu.barrier barrier_id(%barrier3A)
    %mul3A_3 = arith.constant 10000 : i32
    %mul3A_4 = arith.muli %add3A, %mul3A_3 : i32
    %add3A_5 = arith.constant 0 : i32
    %add3A_6 = arith.addi %mul3A_4, %add3A_5 : i32
    %dma_start3A = arith.constant 0 : i32
    %dma_start3A_7 = arith.constant 0 : i32
    %dma_start3A_8 = tpu.memref_slice %arg6[%dma_start3A, %dma_start3A_7] : memref<6x128xi32, #tpu.memory_space<vmem>> -> memref<1x128xi32, #tpu.memory_space<vmem>>
    %dma_start3A_9 = tpu.memref_squeeze %dma_start3A_8 : memref<1x128xi32, #tpu.memory_space<vmem>> -> memref<128xi32, #tpu.memory_space<vmem>>
    %dma_start3A_10 = tpu.memref_slice %arg2[%add3A_6] : memref<320000xi32, #tpu.memory_space<hbm>> -> memref<128xi32, #tpu.memory_space<hbm>>
    %dma_start3A_11 = arith.constant 0 : i32
    %dma_start3A_12 = tpu.memref_slice %arg6[%dma_start3A, %dma_start3A_11] : memref<6x128xi32, #tpu.memory_space<vmem>> -> memref<1x128xi32, #tpu.memory_space<vmem>>
    %dma_start3A_13 = tpu.memref_squeeze %dma_start3A_12 : memref<1x128xi32, #tpu.memory_space<vmem>> -> memref<128xi32, #tpu.memory_space<vmem>>
    %dma_start3A_14 = tpu.memref_slice %arg2[%add3A_6] : memref<320000xi32, #tpu.memory_space<hbm>> -> memref<128xi32, #tpu.memory_space<hbm>>
    tpu.enqueue_dma source(%dma_start3A_14 : memref<128xi32, #tpu.memory_space<hbm>>) target(%dma_start3A_13 : memref<128xi32, #tpu.memory_space<vmem>>) target_semaphore(%arg13 : memref<!tpu.dma_semaphore, #tpu.memory_space<semaphore_mem>>)
    %mul3A_15 = arith.constant 16 : i32
    %mul3A_16 = arith.muli %add3A_6, %mul3A_15 : i32
    %dma_start3A_17 = arith.constant 0 : i32
    %dma_start3A_18 = arith.constant 0 : i32
    %dma_start3A_19 = tpu.memref_slice %arg7[%dma_start3A_17, %dma_start3A_18] : memref<6x2048xbf16, #tpu.memory_space<vmem>> -> memref<1x2048xbf16, #tpu.memory_space<vmem>>
    %dma_start3A_20 = tpu.memref_squeeze %dma_start3A_19 : memref<1x2048xbf16, #tpu.memory_space<vmem>> -> memref<2048xbf16, #tpu.memory_space<vmem>>
    %dma_start3A_21 = tpu.memref_slice %arg3[%mul3A_16] : memref<5120000xbf16, #tpu.memory_space<hbm>> -> memref<2048xbf16, #tpu.memory_space<hbm>>
    %dma_start3A_22 = arith.constant 0 : i32
    %dma_start3A_23 = tpu.memref_slice %arg7[%dma_start3A_17, %dma_start3A_22] : memref<6x2048xbf16, #tpu.memory_space<vmem>> -> memref<1x2048xbf16, #tpu.memory_space<vmem>>
    %dma_start3A_24 = tpu.memref_squeeze %dma_start3A_23 : memref<1x2048xbf16, #tpu.memory_space<vmem>> -> memref<2048xbf16, #tpu.memory_space<vmem>>
    %dma_start3A_25 = tpu.memref_slice %arg3[%mul3A_16] : memref<5120000xbf16, #tpu.memory_space<hbm>> -> memref<2048xbf16, #tpu.memory_space<hbm>>
    tpu.enqueue_dma source(%dma_start3A_25 : memref<2048xbf16, #tpu.memory_space<hbm>>) target(%dma_start3A_24 : memref<2048xbf16, #tpu.memory_space<vmem>>) target_semaphore(%arg13 : memref<!tpu.dma_semaphore, #tpu.memory_space<semaphore_mem>>)
    %add3A_26 = arith.constant 128 : i32
    %add3A_27 = arith.addi %mul3A_4, %add3A_26 : i32
    %dma_start3A_28 = arith.constant 1 : i32
    %dma_start3A_29 = arith.constant 0 : i32
    %dma_start3A_30 = tpu.memref_slice %arg6[%dma_start3A_28, %dma_start3A_29] : memref<6x128xi32, #tpu.memory_space<vmem>> -> memref<1x128xi32, #tpu.memory_space<vmem>>
    %dma_start3A_31 = tpu.memref_squeeze %dma_start3A_30 : memref<1x128xi32, #tpu.memory_space<vmem>> -> memref<128xi32, #tpu.memory_space<vmem>>
    %dma_start3A_32 = tpu.memref_slice %arg2[%add3A_27] : memref<320000xi32, #tpu.memory_space<hbm>> -> memref<128xi32, #tpu.memory_space<hbm>>
    %dma_start3A_33 = arith.constant 0 : i32
    %dma_start3A_34 = tpu.memref_slice %arg6[%dma_start3A_28, %dma_start3A_33] : memref<6x128xi32, #tpu.memory_space<vmem>> -> memref<1x128xi32, #tpu.memory_space<vmem>>
    %dma_start3A_35 = tpu.memref_squeeze %dma_start3A_34 : memref<1x128xi32, #tpu.memory_space<vmem>> -> memref<128xi32, #tpu.memory_space<vmem>>
    %dma_start3A_36 = tpu.memref_slice %arg2[%add3A_27] : memref<320000xi32, #tpu.memory_space<hbm>> -> memref<128xi32, #tpu.memory_space<hbm>>
    tpu.enqueue_dma source(%dma_start3A_36 : memref<128xi32, #tpu.memory_space<hbm>>) target(%dma_start3A_35 : memref<128xi32, #tpu.memory_space<vmem>>) target_semaphore(%arg13 : memref<!tpu.dma_semaphore, #tpu.memory_space<semaphore_mem>>)
    %mul3A_37 = arith.constant 16 : i32
    %mul3A_38 = arith.muli %add3A_27, %mul3A_37 : i32
    %dma_start3A_39 = arith.constant 1 : i32
    %dma_start3A_40 = arith.constant 0 : i32
    %dma_start3A_41 = tpu.memref_slice %arg7[%dma_start3A_39, %dma_start3A_40] : memref<6x2048xbf16, #tpu.memory_space<vmem>> -> memref<1x2048xbf16, #tpu.memory_space<vmem>>
    %dma_start3A_42 = tpu.memref_squeeze %dma_start3A_41 : memref<1x2048xbf16, #tpu.memory_space<vmem>> -> memref<2048xbf16, #tpu.memory_space<vmem>>
    %dma_start3A_43 = tpu.memref_slice %arg3[%mul3A_38] : memref<5120000xbf16, #tpu.memory_space<hbm>> -> memref<2048xbf16, #tpu.memory_space<hbm>>
    %dma_start3A_44 = arith.constant 0 : i32
    %dma_start3A_45 = tpu.memref_slice %arg7[%dma_start3A_39, %dma_start3A_44] : memref<6x2048xbf16, #tpu.memory_space<vmem>> -> memref<1x2048xbf16, #tpu.memory_space<vmem>>
    %dma_start3A_46 = tpu.memref_squeeze %dma_start3A_45 : memref<1x2048xbf16, #tpu.memory_space<vmem>> -> memref<2048xbf16, #tpu.memory_space<vmem>>
    %dma_start3A_47 = tpu.memref_slice %arg3[%mul3A_38] : memref<5120000xbf16, #tpu.memory_space<hbm>> -> memref<2048xbf16, #tpu.memory_space<hbm>>
    tpu.enqueue_dma source(%dma_start3A_47 : memref<2048xbf16, #tpu.memory_space<hbm>>) target(%dma_start3A_46 : memref<2048xbf16, #tpu.memory_space<vmem>>) target_semaphore(%arg13 : memref<!tpu.dma_semaphore, #tpu.memory_space<semaphore_mem>>)
    %add3A_48 = arith.constant 256 : i32
    %add3A_49 = arith.addi %mul3A_4, %add3A_48 : i32
    %dma_start3A_50 = arith.constant 2 : i32
    %dma_start3A_51 = arith.constant 0 : i32
    %dma_start3A_52 = tpu.memref_slice %arg6[%dma_start3A_50, %dma_start3A_51] : memref<6x128xi32, #tpu.memory_space<vmem>> -> memref<1x128xi32, #tpu.memory_space<vmem>>
    %dma_start3A_53 = tpu.memref_squeeze %dma_start3A_52 : memref<1x128xi32, #tpu.memory_space<vmem>> -> memref<128xi32, #tpu.memory_space<vmem>>
    %dma_start3A_54 = tpu.memref_slice %arg2[%add3A_49] : memref<320000xi32, #tpu.memory_space<hbm>> -> memref<128xi32, #tpu.memory_space<hbm>>
    %dma_start3A_55 = arith.constant 0 : i32
    %dma_start3A_56 = tpu.memref_slice %arg6[%dma_start3A_50, %dma_start3A_55] : memref<6x128xi32, #tpu.memory_space<vmem>> -> memref<1x128xi32, #tpu.memory_space<vmem>>
    %dma_start3A_57 = tpu.memref_squeeze %dma_start3A_56 : memref<1x128xi32, #tpu.memory_space<vmem>> -> memref<128xi32, #tpu.memory_space<vmem>>
    %dma_start3A_58 = tpu.memref_slice %arg2[%add3A_49] : memref<320000xi32, #tpu.memory_space<hbm>> -> memref<128xi32, #tpu.memory_space<hbm>>
    tpu.enqueue_dma source(%dma_start3A_58 : memref<128xi32, #tpu.memory_space<hbm>>) target(%dma_start3A_57 : memref<128xi32, #tpu.memory_space<vmem>>) target_semaphore(%arg13 : memref<!tpu.dma_semaphore, #tpu.memory_space<semaphore_mem>>)
    %mul3A_59 = arith.constant 16 : i32
    %mul3A_60 = arith.muli %add3A_49, %mul3A_59 : i32
    %dma_start3A_61 = arith.constant 2 : i32
    %dma_start3A_62 = arith.constant 0 : i32
    %dma_start3A_63 = tpu.memref_slice %arg7[%dma_start3A_61, %dma_start3A_62] : memref<6x2048xbf16, #tpu.memory_space<vmem>> -> memref<1x2048xbf16, #tpu.memory_space<vmem>>
    %dma_start3A_64 = tpu.memref_squeeze %dma_start3A_63 : memref<1x2048xbf16, #tpu.memory_space<vmem>> -> memref<2048xbf16, #tpu.memory_space<vmem>>
    %dma_start3A_65 = tpu.memref_slice %arg3[%mul3A_60] : memref<5120000xbf16, #tpu.memory_space<hbm>> -> memref<2048xbf16, #tpu.memory_space<hbm>>
    %dma_start3A_66 = arith.constant 0 : i32
    %dma_start3A_67 = tpu.memref_slice %arg7[%dma_start3A_61, %dma_start3A_66] : memref<6x2048xbf16, #tpu.memory_space<vmem>> -> memref<1x2048xbf16, #tpu.memory_space<vmem>>
    %dma_start3A_68 = tpu.memref_squeeze %dma_start3A_67 : memref<1x2048xbf16, #tpu.memory_space<vmem>> -> memref<2048xbf16, #tpu.memory_space<vmem>>
    %dma_start3A_69 = tpu.memref_slice %arg3[%mul3A_60] : memref<5120000xbf16, #tpu.memory_space<hbm>> -> memref<2048xbf16, #tpu.memory_space<hbm>>
    tpu.enqueue_dma source(%dma_start3A_69 : memref<2048xbf16, #tpu.memory_space<hbm>>) target(%dma_start3A_68 : memref<2048xbf16, #tpu.memory_space<vmem>>) target_semaphore(%arg13 : memref<!tpu.dma_semaphore, #tpu.memory_space<semaphore_mem>>)
    %add3A_70 = arith.constant 384 : i32
    %add3A_71 = arith.addi %mul3A_4, %add3A_70 : i32
    %dma_start3A_72 = arith.constant 3 : i32
    %dma_start3A_73 = arith.constant 0 : i32
    %dma_start3A_74 = tpu.memref_slice %arg6[%dma_start3A_72, %dma_start3A_73] : memref<6x128xi32, #tpu.memory_space<vmem>> -> memref<1x128xi32, #tpu.memory_space<vmem>>
    %dma_start3A_75 = tpu.memref_squeeze %dma_start3A_74 : memref<1x128xi32, #tpu.memory_space<vmem>> -> memref<128xi32, #tpu.memory_space<vmem>>
    %dma_start3A_76 = tpu.memref_slice %arg2[%add3A_71] : memref<320000xi32, #tpu.memory_space<hbm>> -> memref<128xi32, #tpu.memory_space<hbm>>
    %dma_start3A_77 = arith.constant 0 : i32
    %dma_start3A_78 = tpu.memref_slice %arg6[%dma_start3A_72, %dma_start3A_77] : memref<6x128xi32, #tpu.memory_space<vmem>> -> memref<1x128xi32, #tpu.memory_space<vmem>>
    %dma_start3A_79 = tpu.memref_squeeze %dma_start3A_78 : memref<1x128xi32, #tpu.memory_space<vmem>> -> memref<128xi32, #tpu.memory_space<vmem>>
    %dma_start3A_80 = tpu.memref_slice %arg2[%add3A_71] : memref<320000xi32, #tpu.memory_space<hbm>> -> memref<128xi32, #tpu.memory_space<hbm>>
    tpu.enqueue_dma source(%dma_start3A_80 : memref<128xi32, #tpu.memory_space<hbm>>) target(%dma_start3A_79 : memref<128xi32, #tpu.memory_space<vmem>>) target_semaphore(%arg13 : memref<!tpu.dma_semaphore, #tpu.memory_space<semaphore_mem>>)
    %mul3A_81 = arith.constant 16 : i32
    %mul3A_82 = arith.muli %add3A_71, %mul3A_81 : i32
    %dma_start3A_83 = arith.constant 3 : i32
    %dma_start3A_84 = arith.constant 0 : i32
    %dma_start3A_85 = tpu.memref_slice %arg7[%dma_start3A_83, %dma_start3A_84] : memref<6x2048xbf16, #tpu.memory_space<vmem>> -> memref<1x2048xbf16, #tpu.memory_space<vmem>>
    %dma_start3A_86 = tpu.memref_squeeze %dma_start3A_85 : memref<1x2048xbf16, #tpu.memory_space<vmem>> -> memref<2048xbf16, #tpu.memory_space<vmem>>
    %dma_start3A_87 = tpu.memref_slice %arg3[%mul3A_82] : memref<5120000xbf16, #tpu.memory_space<hbm>> -> memref<2048xbf16, #tpu.memory_space<hbm>>
    %dma_start3A_88 = arith.constant 0 : i32
    %dma_start3A_89 = tpu.memref_slice %arg7[%dma_start3A_83, %dma_start3A_88] : memref<6x2048xbf16, #tpu.memory_space<vmem>> -> memref<1x2048xbf16, #tpu.memory_space<vmem>>
    %dma_start3A_90 = tpu.memref_squeeze %dma_start3A_89 : memref<1x2048xbf16, #tpu.memory_space<vmem>> -> memref<2048xbf16, #tpu.memory_space<vmem>>
    %dma_start3A_91 = tpu.memref_slice %arg3[%mul3A_82] : memref<5120000xbf16, #tpu.memory_space<hbm>> -> memref<2048xbf16, #tpu.memory_space<hbm>>
    tpu.enqueue_dma source(%dma_start3A_91 : memref<2048xbf16, #tpu.memory_space<hbm>>) target(%dma_start3A_90 : memref<2048xbf16, #tpu.memory_space<vmem>>) target_semaphore(%arg13 : memref<!tpu.dma_semaphore, #tpu.memory_space<semaphore_mem>>)
    %add3A_92 = arith.constant 512 : i32
    %add3A_93 = arith.addi %mul3A_4, %add3A_92 : i32
    %dma_start3A_94 = arith.constant 4 : i32
    %dma_start3A_95 = arith.constant 0 : i32
    %dma_start3A_96 = tpu.memref_slice %arg6[%dma_start3A_94, %dma_start3A_95] : memref<6x128xi32, #tpu.memory_space<vmem>> -> memref<1x128xi32, #tpu.memory_space<vmem>>
    %dma_start3A_97 = tpu.memref_squeeze %dma_start3A_96 : memref<1x128xi32, #tpu.memory_space<vmem>> -> memref<128xi32, #tpu.memory_space<vmem>>
    %dma_start3A_98 = tpu.memref_slice %arg2[%add3A_93] : memref<320000xi32, #tpu.memory_space<hbm>> -> memref<128xi32, #tpu.memory_space<hbm>>
    %dma_start3A_99 = arith.constant 0 : i32
    %dma_start3A_100 = tpu.memref_slice %arg6[%dma_start3A_94, %dma_start3A_99] : memref<6x128xi32, #tpu.memory_space<vmem>> -> memref<1x128xi32, #tpu.memory_space<vmem>>
    %dma_start3A_101 = tpu.memref_squeeze %dma_start3A_100 : memref<1x128xi32, #tpu.memory_space<vmem>> -> memref<128xi32, #tpu.memory_space<vmem>>
    %dma_start3A_102 = tpu.memref_slice %arg2[%add3A_93] : memref<320000xi32, #tpu.memory_space<hbm>> -> memref<128xi32, #tpu.memory_space<hbm>>
    tpu.enqueue_dma source(%dma_start3A_102 : memref<128xi32, #tpu.memory_space<hbm>>) target(%dma_start3A_101 : memref<128xi32, #tpu.memory_space<vmem>>) target_semaphore(%arg13 : memref<!tpu.dma_semaphore, #tpu.memory_space<semaphore_mem>>)
    %mul3A_103 = arith.constant 16 : i32
    %mul3A_104 = arith.muli %add3A_93, %mul3A_103 : i32
    %dma_start3A_105 = arith.constant 4 : i32
    %dma_start3A_106 = arith.constant 0 : i32
    %dma_start3A_107 = tpu.memref_slice %arg7[%dma_start3A_105, %dma_start3A_106] : memref<6x2048xbf16, #tpu.memory_space<vmem>> -> memref<1x2048xbf16, #tpu.memory_space<vmem>>
    %dma_start3A_108 = tpu.memref_squeeze %dma_start3A_107 : memref<1x2048xbf16, #tpu.memory_space<vmem>> -> memref<2048xbf16, #tpu.memory_space<vmem>>
    %dma_start3A_109 = tpu.memref_slice %arg3[%mul3A_104] : memref<5120000xbf16, #tpu.memory_space<hbm>> -> memref<2048xbf16, #tpu.memory_space<hbm>>
    %dma_start3A_110 = arith.constant 0 : i32
    %dma_start3A_111 = tpu.memref_slice %arg7[%dma_start3A_105, %dma_start3A_110] : memref<6x2048xbf16, #tpu.memory_space<vmem>> -> memref<1x2048xbf16, #tpu.memory_space<vmem>>
    %dma_start3A_112 = tpu.memref_squeeze %dma_start3A_111 : memref<1x2048xbf16, #tpu.memory_space<vmem>> -> memref<2048xbf16, #tpu.memory_space<vmem>>
    %dma_start3A_113 = tpu.memref_slice %arg3[%mul3A_104] : memref<5120000xbf16, #tpu.memory_space<hbm>> -> memref<2048xbf16, #tpu.memory_space<hbm>>
    tpu.enqueue_dma source(%dma_start3A_113 : memref<2048xbf16, #tpu.memory_space<hbm>>) target(%dma_start3A_112 : memref<2048xbf16, #tpu.memory_space<vmem>>) target_semaphore(%arg13 : memref<!tpu.dma_semaphore, #tpu.memory_space<semaphore_mem>>)
    %add3A_114 = arith.constant 640 : i32
    %add3A_115 = arith.addi %mul3A_4, %add3A_114 : i32
    %dma_start3A_116 = arith.constant 5 : i32
    %dma_start3A_117 = arith.constant 0 : i32
    %dma_start3A_118 = tpu.memref_slice %arg6[%dma_start3A_116, %dma_start3A_117] : memref<6x128xi32, #tpu.memory_space<vmem>> -> memref<1x128xi32, #tpu.memory_space<vmem>>
    %dma_start3A_119 = tpu.memref_squeeze %dma_start3A_118 : memref<1x128xi32, #tpu.memory_space<vmem>> -> memref<128xi32, #tpu.memory_space<vmem>>
    %dma_start3A_120 = tpu.memref_slice %arg2[%add3A_115] : memref<320000xi32, #tpu.memory_space<hbm>> -> memref<128xi32, #tpu.memory_space<hbm>>
    %dma_start3A_121 = arith.constant 0 : i32
    %dma_start3A_122 = tpu.memref_slice %arg6[%dma_start3A_116, %dma_start3A_121] : memref<6x128xi32, #tpu.memory_space<vmem>> -> memref<1x128xi32, #tpu.memory_space<vmem>>
    %dma_start3A_123 = tpu.memref_squeeze %dma_start3A_122 : memref<1x128xi32, #tpu.memory_space<vmem>> -> memref<128xi32, #tpu.memory_space<vmem>>
    %dma_start3A_124 = tpu.memref_slice %arg2[%add3A_115] : memref<320000xi32, #tpu.memory_space<hbm>> -> memref<128xi32, #tpu.memory_space<hbm>>
    tpu.enqueue_dma source(%dma_start3A_124 : memref<128xi32, #tpu.memory_space<hbm>>) target(%dma_start3A_123 : memref<128xi32, #tpu.memory_space<vmem>>) target_semaphore(%arg13 : memref<!tpu.dma_semaphore, #tpu.memory_space<semaphore_mem>>)
    %mul3A_125 = arith.constant 16 : i32
    %mul3A_126 = arith.muli %add3A_115, %mul3A_125 : i32
    %dma_start3A_127 = arith.constant 5 : i32
    %dma_start3A_128 = arith.constant 0 : i32
    %dma_start3A_129 = tpu.memref_slice %arg7[%dma_start3A_127, %dma_start3A_128] : memref<6x2048xbf16, #tpu.memory_space<vmem>> -> memref<1x2048xbf16, #tpu.memory_space<vmem>>
    %dma_start3A_130 = tpu.memref_squeeze %dma_start3A_129 : memref<1x2048xbf16, #tpu.memory_space<vmem>> -> memref<2048xbf16, #tpu.memory_space<vmem>>
    %dma_start3A_131 = tpu.memref_slice %arg3[%mul3A_126] : memref<5120000xbf16, #tpu.memory_space<hbm>> -> memref<2048xbf16, #tpu.memory_space<hbm>>
    %dma_start3A_132 = arith.constant 0 : i32
    %dma_start3A_133 = tpu.memref_slice %arg7[%dma_start3A_127, %dma_start3A_132] : memref<6x2048xbf16, #tpu.memory_space<vmem>> -> memref<1x2048xbf16, #tpu.memory_space<vmem>>
    %dma_start3A_134 = tpu.memref_squeeze %dma_start3A_133 : memref<1x2048xbf16, #tpu.memory_space<vmem>> -> memref<2048xbf16, #tpu.memory_space<vmem>>
    %dma_start3A_135 = tpu.memref_slice %arg3[%mul3A_126] : memref<5120000xbf16, #tpu.memory_space<hbm>> -> memref<2048xbf16, #tpu.memory_space<hbm>>
    tpu.enqueue_dma source(%dma_start3A_135 : memref<2048xbf16, #tpu.memory_space<hbm>>) target(%dma_start3A_134 : memref<2048xbf16, #tpu.memory_space<vmem>>) target_semaphore(%arg13 : memref<!tpu.dma_semaphore, #tpu.memory_space<semaphore_mem>>)
    %scan3A = arith.constant 0 : i32
    %scan3A_136 = arith.constant 0 : i32
    %scan3A_137 = arith.constant 13 : i32
    %scan3A_138 = arith.addi %scan3A_136, %scan3A_137 : i32
    %scan3A_139 = arith.constant 1 : i32
    %scan3A_140 = scf.for %scan3A_370 = %scan3A_136 to %scan3A_138 step %scan3A_139 iter_args(%scan3A_371 = %scan3A) -> (i32)  : i32 {
      %dma_wait3A_372 = arith.constant 0 : i32
      %dma_wait3A_373 = arith.constant 0 : i32
      %dma_wait3A_374 = tpu.memref_slice %arg6[%dma_wait3A_372, %dma_wait3A_373] : memref<6x128xi32, #tpu.memory_space<vmem>> -> memref<1x128xi32, #tpu.memory_space<vmem>>
      %dma_wait3A_375 = tpu.memref_squeeze %dma_wait3A_374 : memref<1x128xi32, #tpu.memory_space<vmem>> -> memref<128xi32, #tpu.memory_space<vmem>>
      %dma_wait3A_376 = arith.constant 0 : i32
      %dma_wait3A_377 = tpu.memref_slice %arg2[%dma_wait3A_376] : memref<320000xi32, #tpu.memory_space<hbm>> -> memref<128xi32, #tpu.memory_space<hbm>>
      %dma_wait3A_378 = arith.constant 0 : i32
      %dma_wait3A_379 = tpu.memref_slice %arg6[%dma_wait3A_372, %dma_wait3A_378] : memref<6x128xi32, #tpu.memory_space<vmem>> -> memref<1x128xi32, #tpu.memory_space<vmem>>
      %dma_wait3A_380 = tpu.memref_squeeze %dma_wait3A_379 : memref<1x128xi32, #tpu.memory_space<vmem>> -> memref<128xi32, #tpu.memory_space<vmem>>
      %dma_wait3A_381 = arith.constant 0 : i32
      %dma_wait3A_382 = tpu.memref_slice %arg2[%dma_wait3A_381] : memref<320000xi32, #tpu.memory_space<hbm>> -> memref<128xi32, #tpu.memory_space<hbm>>
      tpu.wait_dma2 semaphore(%arg13 : memref<!tpu.dma_semaphore, #tpu.memory_space<semaphore_mem>>) src(%dma_wait3A_382 : memref<128xi32, #tpu.memory_space<hbm>>) dst(%dma_wait3A_380 : memref<128xi32, #tpu.memory_space<vmem>>)
      %dma_wait3A_383 = arith.constant 0 : i32
      %dma_wait3A_384 = arith.constant 0 : i32
      %dma_wait3A_385 = tpu.memref_slice %arg7[%dma_wait3A_383, %dma_wait3A_384] : memref<6x2048xbf16, #tpu.memory_space<vmem>> -> memref<1x2048xbf16, #tpu.memory_space<vmem>>
      %dma_wait3A_386 = tpu.memref_squeeze %dma_wait3A_385 : memref<1x2048xbf16, #tpu.memory_space<vmem>> -> memref<2048xbf16, #tpu.memory_space<vmem>>
      %dma_wait3A_387 = arith.constant 0 : i32
      %dma_wait3A_388 = tpu.memref_slice %arg3[%dma_wait3A_387] : memref<5120000xbf16, #tpu.memory_space<hbm>> -> memref<2048xbf16, #tpu.memory_space<hbm>>
      %dma_wait3A_389 = arith.constant 0 : i32
      %dma_wait3A_390 = tpu.memref_slice %arg7[%dma_wait3A_383, %dma_wait3A_389] : memref<6x2048xbf16, #tpu.memory_space<vmem>> -> memref<1x2048xbf16, #tpu.memory_space<vmem>>
      %dma_wait3A_391 = tpu.memref_squeeze %dma_wait3A_390 : memref<1x2048xbf16, #tpu.memory_space<vmem>> -> memref<2048xbf16, #tpu.memory_space<vmem>>
      %dma_wait3A_392 = arith.constant 0 : i32
      %dma_wait3A_393 = tpu.memref_slice %arg3[%dma_wait3A_392] : memref<5120000xbf16, #tpu.memory_space<hbm>> -> memref<2048xbf16, #tpu.memory_space<hbm>>
      tpu.wait_dma2 semaphore(%arg13 : memref<!tpu.dma_semaphore, #tpu.memory_space<semaphore_mem>>) src(%dma_wait3A_393 : memref<2048xbf16, #tpu.memory_space<hbm>>) dst(%dma_wait3A_391 : memref<2048xbf16, #tpu.memory_space<vmem>>)
      %scan3A_394 = arith.constant 0 : i32
      %scan3A_395 = arith.constant 0 : i32
      %scan3A_396 = arith.constant 16 : i32
      %scan3A_397 = arith.addi %scan3A_395, %scan3A_396 : i32
      %scan3A_398 = arith.constant 1 : i32
      %scan3A_399 = scf.for %scan3A_846 = %scan3A_395 to %scan3A_397 step %scan3A_398 iter_args(%scan3A_847 = %scan3A_394) -> (i32)  : i32 {
        %mul3A_848 = arith.constant 4 : i32
        %mul3A_849 = arith.muli %scan3A_846, %mul3A_848 : i32
        %add3A_850 = arith.constant 0 : i32
        %add3A_851 = arith.addi %mul3A_849, %add3A_850 : i32
        %mul3A_852 = arith.constant 2 : i32
        %mul3A_853 = arith.muli %add3A_851, %mul3A_852 : i32
        %mul3A_854 = arith.constant 16 : i32
        %mul3A_855 = arith.muli %mul3A_853, %mul3A_854 : i32
        %get3A_856 = arith.constant 0 : i32
        %get3A_857 = arith.index_cast %get3A_856 : i32 to index
        %get3A_858 = arith.index_cast %mul3A_855 : i32 to index
        %get3A_859 = tpu.vector_load %arg7[%get3A_857, %get3A_858] {strides = array<i32>} : memref<6x2048xbf16, #tpu.memory_space<vmem>>, vector<1x32xbf16>,
        %get3A_860 = vector.shape_cast %get3A_859 : vector<1x32xbf16> to vector<32xbf16>
        %reshape3A_861 = vector.shape_cast %get3A_860 : vector<32xbf16> to vector<2x16xbf16>
        %mul3A_862 = arith.constant 2 : i32
        %mul3A_863 = arith.muli %mul3A_862, %add3A_851 : i32
        %swap3A_864 = arith.constant 0 : i32
        %swap3A_865 = arith.index_cast %swap3A_864 : i32 to index
        %swap3A_866 = arith.index_cast %mul3A_863 : i32 to index
        %swap3A_867 = arith.constant 0 : index
        %swap3A_868 = tpu.vector_load %arg8[%swap3A_865, %swap3A_866, %swap3A_867] {strides = array<i32>} : memref<6x128x16xbf16, #tpu.memory_space<vmem>>, vector<1x2x16xbf16>,
        %swap3A_869 = vector.shape_cast %swap3A_868 : vector<1x2x16xbf16> to vector<2x16xbf16>
        %swap3A_870 = vector.shape_cast %reshape3A_861 : vector<2x16xbf16> to vector<1x2x16xbf16>
        tpu.vector_store %arg8[%swap3A_865, %swap3A_866, %swap3A_867], %swap3A_870 {strides = array<i32>} : memref<6x128x16xbf16, #tpu.memory_space<vmem>>, vector<1x2x16xbf16>,
        %mul3A_871 = arith.constant 4 : i32
        %mul3A_872 = arith.muli %scan3A_846, %mul3A_871 : i32
        %add3A_873 = arith.constant 1 : i32
        %add3A_874 = arith.addi %mul3A_872, %add3A_873 : i32
        %mul3A_875 = arith.constant 2 : i32
        %mul3A_876 = arith.muli %add3A_874, %mul3A_875 : i32
        %mul3A_877 = arith.constant 16 : i32
        %mul3A_878 = arith.muli %mul3A_876, %mul3A_877 : i32
        %get3A_879 = arith.constant 0 : i32
        %get3A_880 = arith.index_cast %get3A_879 : i32 to index
        %get3A_881 = arith.index_cast %mul3A_878 : i32 to index
        %get3A_882 = tpu.vector_load %arg7[%get3A_880, %get3A_881] {strides = array<i32>} : memref<6x2048xbf16, #tpu.memory_space<vmem>>, vector<1x32xbf16>,
        %get3A_883 = vector.shape_cast %get3A_882 : vector<1x32xbf16> to vector<32xbf16>
        %reshape3A_884 = vector.shape_cast %get3A_883 : vector<32xbf16> to vector<2x16xbf16>
        %mul3A_885 = arith.constant 2 : i32
        %mul3A_886 = arith.muli %mul3A_885, %add3A_874 : i32
        %swap3A_887 = arith.constant 0 : i32
        %swap3A_888 = arith.index_cast %swap3A_887 : i32 to index
        %swap3A_889 = arith.index_cast %mul3A_886 : i32 to index
        %swap3A_890 = arith.constant 0 : index
        %swap3A_891 = tpu.vector_load %arg8[%swap3A_888, %swap3A_889, %swap3A_890] {strides = array<i32>} : memref<6x128x16xbf16, #tpu.memory_space<vmem>>, vector<1x2x16xbf16>,
        %swap3A_892 = vector.shape_cast %swap3A_891 : vector<1x2x16xbf16> to vector<2x16xbf16>
        %swap3A_893 = vector.shape_cast %reshape3A_884 : vector<2x16xbf16> to vector<1x2x16xbf16>
        tpu.vector_store %arg8[%swap3A_888, %swap3A_889, %swap3A_890], %swap3A_893 {strides = array<i32>} : memref<6x128x16xbf16, #tpu.memory_space<vmem>>, vector<1x2x16xbf16>,
        %mul3A_894 = arith.constant 4 : i32
        %mul3A_895 = arith.muli %scan3A_846, %mul3A_894 : i32
        %add3A_896 = arith.constant 2 : i32
        %add3A_897 = arith.addi %mul3A_895, %add3A_896 : i32
        %mul3A_898 = arith.constant 2 : i32
        %mul3A_899 = arith.muli %add3A_897, %mul3A_898 : i32
        %mul3A_900 = arith.constant 16 : i32
        %mul3A_901 = arith.muli %mul3A_899, %mul3A_900 : i32
        %get3A_902 = arith.constant 0 : i32
        %get3A_903 = arith.index_cast %get3A_902 : i32 to index
        %get3A_904 = arith.index_cast %mul3A_901 : i32 to index
        %get3A_905 = tpu.vector_load %arg7[%get3A_903, %get3A_904] {strides = array<i32>} : memref<6x2048xbf16, #tpu.memory_space<vmem>>, vector<1x32xbf16>,
        %get3A_906 = vector.shape_cast %get3A_905 : vector<1x32xbf16> to vector<32xbf16>
        %reshape3A_907 = vector.shape_cast %get3A_906 : vector<32xbf16> to vector<2x16xbf16>
        %mul3A_908 = arith.constant 2 : i32
        %mul3A_909 = arith.muli %mul3A_908, %add3A_897 : i32
        %swap3A_910 = arith.constant 0 : i32
        %swap3A_911 = arith.index_cast %swap3A_910 : i32 to index
        %swap3A_912 = arith.index_cast %mul3A_909 : i32 to index
        %swap3A_913 = arith.constant 0 : index
        %swap3A_914 = tpu.vector_load %arg8[%swap3A_911, %swap3A_912, %swap3A_913] {strides = array<i32>} : memref<6x128x16xbf16, #tpu.memory_space<vmem>>, vector<1x2x16xbf16>,
        %swap3A_915 = vector.shape_cast %swap3A_914 : vector<1x2x16xbf16> to vector<2x16xbf16>
        %swap3A_916 = vector.shape_cast %reshape3A_907 : vector<2x16xbf16> to vector<1x2x16xbf16>
        tpu.vector_store %arg8[%swap3A_911, %swap3A_912, %swap3A_913], %swap3A_916 {strides = array<i32>} : memref<6x128x16xbf16, #tpu.memory_space<vmem>>, vector<1x2x16xbf16>,
        %mul3A_917 = arith.constant 4 : i32
        %mul3A_918 = arith.muli %scan3A_846, %mul3A_917 : i32
        %add3A_919 = arith.constant 3 : i32
        %add3A_920 = arith.addi %mul3A_918, %add3A_919 : i32
        %mul3A_921 = arith.constant 2 : i32
        %mul3A_922 = arith.muli %add3A_920, %mul3A_921 : i32
        %mul3A_923 = arith.constant 16 : i32
        %mul3A_924 = arith.muli %mul3A_922, %mul3A_923 : i32
        %get3A_925 = arith.constant 0 : i32
        %get3A_926 = arith.index_cast %get3A_925 : i32 to index
        %get3A_927 = arith.index_cast %mul3A_924 : i32 to index
        %get3A_928 = tpu.vector_load %arg7[%get3A_926, %get3A_927] {strides = array<i32>} : memref<6x2048xbf16, #tpu.memory_space<vmem>>, vector<1x32xbf16>,
        %get3A_929 = vector.shape_cast %get3A_928 : vector<1x32xbf16> to vector<32xbf16>
        %reshape3A_930 = vector.shape_cast %get3A_929 : vector<32xbf16> to vector<2x16xbf16>
        %mul3A_931 = arith.constant 2 : i32
        %mul3A_932 = arith.muli %mul3A_931, %add3A_920 : i32
        %swap3A_933 = arith.constant 0 : i32
        %swap3A_934 = arith.index_cast %swap3A_933 : i32 to index
        %swap3A_935 = arith.index_cast %mul3A_932 : i32 to index
        %swap3A_936 = arith.constant 0 : index
        %swap3A_937 = tpu.vector_load %arg8[%swap3A_934, %swap3A_935, %swap3A_936] {strides = array<i32>} : memref<6x128x16xbf16, #tpu.memory_space<vmem>>, vector<1x2x16xbf16>,
        %swap3A_938 = vector.shape_cast %swap3A_937 : vector<1x2x16xbf16> to vector<2x16xbf16>
        %swap3A_939 = vector.shape_cast %reshape3A_930 : vector<2x16xbf16> to vector<1x2x16xbf16>
        tpu.vector_store %arg8[%swap3A_934, %swap3A_935, %swap3A_936], %swap3A_939 {strides = array<i32>} : memref<6x128x16xbf16, #tpu.memory_space<vmem>>, vector<1x2x16xbf16>,
        %scan3A_940 = arith.constant 0 : i32
        scf.yield %scan3A_940 : i32
      }
      %scan3A_400 = arith.constant 16 : i32
      %dma_wait3A_401 = arith.constant 1 : i32
      %dma_wait3A_402 = arith.constant 0 : i32
      %dma_wait3A_403 = tpu.memref_slice %arg6[%dma_wait3A_401, %dma_wait3A_402] : memref<6x128xi32, #tpu.memory_space<vmem>> -> memref<1x128xi32, #tpu.memory_space<vmem>>
      %dma_wait3A_404 = tpu.memref_squeeze %dma_wait3A_403 : memref<1x128xi32, #tpu.memory_space<vmem>> -> memref<128xi32, #tpu.memory_space<vmem>>
      %dma_wait3A_405 = arith.constant 0 : i32
      %dma_wait3A_406 = tpu.memref_slice %arg2[%dma_wait3A_405] : memref<320000xi32, #tpu.memory_space<hbm>> -> memref<128xi32, #tpu.memory_space<hbm>>
      %dma_wait3A_407 = arith.constant 0 : i32
      %dma_wait3A_408 = tpu.memref_slice %arg6[%dma_wait3A_401, %dma_wait3A_407] : memref<6x128xi32, #tpu.memory_space<vmem>> -> memref<1x128xi32, #tpu.memory_space<vmem>>
      %dma_wait3A_409 = tpu.memref_squeeze %dma_wait3A_408 : memref<1x128xi32, #tpu.memory_space<vmem>> -> memref<128xi32, #tpu.memory_space<vmem>>
      %dma_wait3A_410 = arith.constant 0 : i32
      %dma_wait3A_411 = tpu.memref_slice %arg2[%dma_wait3A_410] : memref<320000xi32, #tpu.memory_space<hbm>> -> memref<128xi32, #tpu.memory_space<hbm>>
      tpu.wait_dma2 semaphore(%arg13 : memref<!tpu.dma_semaphore, #tpu.memory_space<semaphore_mem>>) src(%dma_wait3A_411 : memref<128xi32, #tpu.memory_space<hbm>>) dst(%dma_wait3A_409 : memref<128xi32, #tpu.memory_space<vmem>>)
      %dma_wait3A_412 = arith.constant 1 : i32
      %dma_wait3A_413 = arith.constant 0 : i32
      %dma_wait3A_414 = tpu.memref_slice %arg7[%dma_wait3A_412, %dma_wait3A_413] : memref<6x2048xbf16, #tpu.memory_space<vmem>> -> memref<1x2048xbf16, #tpu.memory_space<vmem>>
      %dma_wait3A_415 = tpu.memref_squeeze %dma_wait3A_414 : memref<1x2048xbf16, #tpu.memory_space<vmem>> -> memref<2048xbf16, #tpu.memory_space<vmem>>
      %dma_wait3A_416 = arith.constant 0 : i32
      %dma_wait3A_417 = tpu.memref_slice %arg3[%dma_wait3A_416] : memref<5120000xbf16, #tpu.memory_space<hbm>> -> memref<2048xbf16, #tpu.memory_space<hbm>>
      %dma_wait3A_418 = arith.constant 0 : i32
      %dma_wait3A_419 = tpu.memref_slice %arg7[%dma_wait3A_412, %dma_wait3A_418] : memref<6x2048xbf16, #tpu.memory_space<vmem>> -> memref<1x2048xbf16, #tpu.memory_space<vmem>>
      %dma_wait3A_420 = tpu.memref_squeeze %dma_wait3A_419 : memref<1x2048xbf16, #tpu.memory_space<vmem>> -> memref<2048xbf16, #tpu.memory_space<vmem>>
      %dma_wait3A_421 = arith.constant 0 : i32
      %dma_wait3A_422 = tpu.memref_slice %arg3[%dma_wait3A_421] : memref<5120000xbf16, #tpu.memory_space<hbm>> -> memref<2048xbf16, #tpu.memory_space<hbm>>
      tpu.wait_dma2 semaphore(%arg13 : memref<!tpu.dma_semaphore, #tpu.memory_space<semaphore_mem>>) src(%dma_wait3A_422 : memref<2048xbf16, #tpu.memory_space<hbm>>) dst(%dma_wait3A_420 : memref<2048xbf16, #tpu.memory_space<vmem>>)
      %scan3A_423 = arith.constant 0 : i32
      %scan3A_424 = arith.constant 0 : i32
      %scan3A_425 = arith.constant 16 : i32
      %scan3A_426 = arith.addi %scan3A_424, %scan3A_425 : i32
      %scan3A_427 = arith.constant 1 : i32
      %scan3A_428 = scf.for %scan3A_846 = %scan3A_424 to %scan3A_426 step %scan3A_427 iter_args(%scan3A_847 = %scan3A_423) -> (i32)  : i32 {
        %mul3A_848 = arith.constant 4 : i32
        %mul3A_849 = arith.muli %scan3A_846, %mul3A_848 : i32
        %add3A_850 = arith.constant 0 : i32
        %add3A_851 = arith.addi %mul3A_849, %add3A_850 : i32
        %mul3A_852 = arith.constant 2 : i32
        %mul3A_853 = arith.muli %add3A_851, %mul3A_852 : i32
        %mul3A_854 = arith.constant 16 : i32
        %mul3A_855 = arith.muli %mul3A_853, %mul3A_854 : i32
        %get3A_856 = arith.constant 1 : i32
        %get3A_857 = arith.index_cast %get3A_856 : i32 to index
        %get3A_858 = arith.index_cast %mul3A_855 : i32 to index
        %get3A_859 = tpu.vector_load %arg7[%get3A_857, %get3A_858] {strides = array<i32>} : memref<6x2048xbf16, #tpu.memory_space<vmem>>, vector<1x32xbf16>,
        %get3A_860 = vector.shape_cast %get3A_859 : vector<1x32xbf16> to vector<32xbf16>
        %reshape3A_861 = vector.shape_cast %get3A_860 : vector<32xbf16> to vector<2x16xbf16>
        %mul3A_862 = arith.constant 2 : i32
        %mul3A_863 = arith.muli %mul3A_862, %add3A_851 : i32
        %swap3A_864 = arith.constant 1 : i32
        %swap3A_865 = arith.index_cast %swap3A_864 : i32 to index
        %swap3A_866 = arith.index_cast %mul3A_863 : i32 to index
        %swap3A_867 = arith.constant 0 : index
        %swap3A_868 = tpu.vector_load %arg8[%swap3A_865, %swap3A_866, %swap3A_867] {strides = array<i32>} : memref<6x128x16xbf16, #tpu.memory_space<vmem>>, vector<1x2x16xbf16>,
        %swap3A_869 = vector.shape_cast %swap3A_868 : vector<1x2x16xbf16> to vector<2x16xbf16>
        %swap3A_870 = vector.shape_cast %reshape3A_861 : vector<2x16xbf16> to vector<1x2x16xbf16>
        tpu.vector_store %arg8[%swap3A_865, %swap3A_866, %swap3A_867], %swap3A_870 {strides = array<i32>} : memref<6x128x16xbf16, #tpu.memory_space<vmem>>, vector<1x2x16xbf16>,
        %mul3A_871 = arith.constant 4 : i32
        %mul3A_872 = arith.muli %scan3A_846, %mul3A_871 : i32
        %add3A_873 = arith.constant 1 : i32
        %add3A_874 = arith.addi %mul3A_872, %add3A_873 : i32
        %mul3A_875 = arith.constant 2 : i32
        %mul3A_876 = arith.muli %add3A_874, %mul3A_875 : i32
        %mul3A_877 = arith.constant 16 : i32
        %mul3A_878 = arith.muli %mul3A_876, %mul3A_877 : i32
        %get3A_879 = arith.constant 1 : i32
        %get3A_880 = arith.index_cast %get3A_879 : i32 to index
        %get3A_881 = arith.index_cast %mul3A_878 : i32 to index
        %get3A_882 = tpu.vector_load %arg7[%get3A_880, %get3A_881] {strides = array<i32>} : memref<6x2048xbf16, #tpu.memory_space<vmem>>, vector<1x32xbf16>,
        %get3A_883 = vector.shape_cast %get3A_882 : vector<1x32xbf16> to vector<32xbf16>
        %reshape3A_884 = vector.shape_cast %get3A_883 : vector<32xbf16> to vector<2x16xbf16>
        %mul3A_885 = arith.constant 2 : i32
        %mul3A_886 = arith.muli %mul3A_885, %add3A_874 : i32
        %swap3A_887 = arith.constant 1 : i32
        %swap3A_888 = arith.index_cast %swap3A_887 : i32 to index
        %swap3A_889 = arith.index_cast %mul3A_886 : i32 to index
        %swap3A_890 = arith.constant 0 : index
        %swap3A_891 = tpu.vector_load %arg8[%swap3A_888, %swap3A_889, %swap3A_890] {strides = array<i32>} : memref<6x128x16xbf16, #tpu.memory_space<vmem>>, vector<1x2x16xbf16>,
        %swap3A_892 = vector.shape_cast %swap3A_891 : vector<1x2x16xbf16> to vector<2x16xbf16>
        %swap3A_893 = vector.shape_cast %reshape3A_884 : vector<2x16xbf16> to vector<1x2x16xbf16>
        tpu.vector_store %arg8[%swap3A_888, %swap3A_889, %swap3A_890], %swap3A_893 {strides = array<i32>} : memref<6x128x16xbf16, #tpu.memory_space<vmem>>, vector<1x2x16xbf16>,
        %mul3A_894 = arith.constant 4 : i32
        %mul3A_895 = arith.muli %scan3A_846, %mul3A_894 : i32
        %add3A_896 = arith.constant 2 : i32
        %add3A_897 = arith.addi %mul3A_895, %add3A_896 : i32
        %mul3A_898 = arith.constant 2 : i32
        %mul3A_899 = arith.muli %add3A_897, %mul3A_898 : i32
        %mul3A_900 = arith.constant 16 : i32
        %mul3A_901 = arith.muli %mul3A_899, %mul3A_900 : i32
        %get3A_902 = arith.constant 1 : i32
        %get3A_903 = arith.index_cast %get3A_902 : i32 to index
        %get3A_904 = arith.index_cast %mul3A_901 : i32 to index
        %get3A_905 = tpu.vector_load %arg7[%get3A_903, %get3A_904] {strides = array<i32>} : memref<6x2048xbf16, #tpu.memory_space<vmem>>, vector<1x32xbf16>,
        %get3A_906 = vector.shape_cast %get3A_905 : vector<1x32xbf16> to vector<32xbf16>
        %reshape3A_907 = vector.shape_cast %get3A_906 : vector<32xbf16> to vector<2x16xbf16>
        %mul3A_908 = arith.constant 2 : i32
        %mul3A_909 = arith.muli %mul3A_908, %add3A_897 : i32
        %swap3A_910 = arith.constant 1 : i32
        %swap3A_911 = arith.index_cast %swap3A_910 : i32 to index
        %swap3A_912 = arith.index_cast %mul3A_909 : i32 to index
        %swap3A_913 = arith.constant 0 : index
        %swap3A_914 = tpu.vector_load %arg8[%swap3A_911, %swap3A_912, %swap3A_913] {strides = array<i32>} : memref<6x128x16xbf16, #tpu.memory_space<vmem>>, vector<1x2x16xbf16>,
        %swap3A_915 = vector.shape_cast %swap3A_914 : vector<1x2x16xbf16> to vector<2x16xbf16>
        %swap3A_916 = vector.shape_cast %reshape3A_907 : vector<2x16xbf16> to vector<1x2x16xbf16>
        tpu.vector_store %arg8[%swap3A_911, %swap3A_912, %swap3A_913], %swap3A_916 {strides = array<i32>} : memref<6x128x16xbf16, #tpu.memory_space<vmem>>, vector<1x2x16xbf16>,
        %mul3A_917 = arith.constant 4 : i32
        %mul3A_918 = arith.muli %scan3A_846, %mul3A_917 : i32
        %add3A_919 = arith.constant 3 : i32
        %add3A_920 = arith.addi %mul3A_918, %add3A_919 : i32
        %mul3A_921 = arith.constant 2 : i32
        %mul3A_922 = arith.muli %add3A_920, %mul3A_921 : i32
        %mul3A_923 = arith.constant 16 : i32
        %mul3A_924 = arith.muli %mul3A_922, %mul3A_923 : i32
        %get3A_925 = arith.constant 1 : i32
        %get3A_926 = arith.index_cast %get3A_925 : i32 to index
        %get3A_927 = arith.index_cast %mul3A_924 : i32 to index
        %get3A_928 = tpu.vector_load %arg7[%get3A_926, %get3A_927] {strides = array<i32>} : memref<6x2048xbf16, #tpu.memory_space<vmem>>, vector<1x32xbf16>,
        %get3A_929 = vector.shape_cast %get3A_928 : vector<1x32xbf16> to vector<32xbf16>
        %reshape3A_930 = vector.shape_cast %get3A_929 : vector<32xbf16> to vector<2x16xbf16>
        %mul3A_931 = arith.constant 2 : i32
        %mul3A_932 = arith.muli %mul3A_931, %add3A_920 : i32
        %swap3A_933 = arith.constant 1 : i32
        %swap3A_934 = arith.index_cast %swap3A_933 : i32 to index
        %swap3A_935 = arith.index_cast %mul3A_932 : i32 to index
        %swap3A_936 = arith.constant 0 : index
        %swap3A_937 = tpu.vector_load %arg8[%swap3A_934, %swap3A_935, %swap3A_936] {strides = array<i32>} : memref<6x128x16xbf16, #tpu.memory_space<vmem>>, vector<1x2x16xbf16>,
        %swap3A_938 = vector.shape_cast %swap3A_937 : vector<1x2x16xbf16> to vector<2x16xbf16>
        %swap3A_939 = vector.shape_cast %reshape3A_930 : vector<2x16xbf16> to vector<1x2x16xbf16>
        tpu.vector_store %arg8[%swap3A_934, %swap3A_935, %swap3A_936], %swap3A_939 {strides = array<i32>} : memref<6x128x16xbf16, #tpu.memory_space<vmem>>, vector<1x2x16xbf16>,
        %scan3A_940 = arith.constant 0 : i32
        scf.yield %scan3A_940 : i32
      }
      %scan3A_429 = arith.constant 16 : i32
      %dma_wait3A_430 = arith.constant 2 : i32
      %dma_wait3A_431 = arith.constant 0 : i32
      %dma_wait3A_432 = tpu.memref_slice %arg6[%dma_wait3A_430, %dma_wait3A_431] : memref<6x128xi32, #tpu.memory_space<vmem>> -> memref<1x128xi32, #tpu.memory_space<vmem>>
      %dma_wait3A_433 = tpu.memref_squeeze %dma_wait3A_432 : memref<1x128xi32, #tpu.memory_space<vmem>> -> memref<128xi32, #tpu.memory_space<vmem>>
      %dma_wait3A_434 = arith.constant 0 : i32
      %dma_wait3A_435 = tpu.memref_slice %arg2[%dma_wait3A_434] : memref<320000xi32, #tpu.memory_space<hbm>> -> memref<128xi32, #tpu.memory_space<hbm>>
      %dma_wait3A_436 = arith.constant 0 : i32
      %dma_wait3A_437 = tpu.memref_slice %arg6[%dma_wait3A_430, %dma_wait3A_436] : memref<6x128xi32, #tpu.memory_space<vmem>> -> memref<1x128xi32, #tpu.memory_space<vmem>>
      %dma_wait3A_438 = tpu.memref_squeeze %dma_wait3A_437 : memref<1x128xi32, #tpu.memory_space<vmem>> -> memref<128xi32, #tpu.memory_space<vmem>>
      %dma_wait3A_439 = arith.constant 0 : i32
      %dma_wait3A_440 = tpu.memref_slice %arg2[%dma_wait3A_439] : memref<320000xi32, #tpu.memory_space<hbm>> -> memref<128xi32, #tpu.memory_space<hbm>>
      tpu.wait_dma2 semaphore(%arg13 : memref<!tpu.dma_semaphore, #tpu.memory_space<semaphore_mem>>) src(%dma_wait3A_440 : memref<128xi32, #tpu.memory_space<hbm>>) dst(%dma_wait3A_438 : memref<128xi32, #tpu.memory_space<vmem>>)
      %dma_wait3A_441 = arith.constant 2 : i32
      %dma_wait3A_442 = arith.constant 0 : i32
      %dma_wait3A_443 = tpu.memref_slice %arg7[%dma_wait3A_441, %dma_wait3A_442] : memref<6x2048xbf16, #tpu.memory_space<vmem>> -> memref<1x2048xbf16, #tpu.memory_space<vmem>>
      %dma_wait3A_444 = tpu.memref_squeeze %dma_wait3A_443 : memref<1x2048xbf16, #tpu.memory_space<vmem>> -> memref<2048xbf16, #tpu.memory_space<vmem>>
      %dma_wait3A_445 = arith.constant 0 : i32
      %dma_wait3A_446 = tpu.memref_slice %arg3[%dma_wait3A_445] : memref<5120000xbf16, #tpu.memory_space<hbm>> -> memref<2048xbf16, #tpu.memory_space<hbm>>
      %dma_wait3A_447 = arith.constant 0 : i32
      %dma_wait3A_448 = tpu.memref_slice %arg7[%dma_wait3A_441, %dma_wait3A_447] : memref<6x2048xbf16, #tpu.memory_space<vmem>> -> memref<1x2048xbf16, #tpu.memory_space<vmem>>
      %dma_wait3A_449 = tpu.memref_squeeze %dma_wait3A_448 : memref<1x2048xbf16, #tpu.memory_space<vmem>> -> memref<2048xbf16, #tpu.memory_space<vmem>>
      %dma_wait3A_450 = arith.constant 0 : i32
      %dma_wait3A_451 = tpu.memref_slice %arg3[%dma_wait3A_450] : memref<5120000xbf16, #tpu.memory_space<hbm>> -> memref<2048xbf16, #tpu.memory_space<hbm>>
      tpu.wait_dma2 semaphore(%arg13 : memref<!tpu.dma_semaphore, #tpu.memory_space<semaphore_mem>>) src(%dma_wait3A_451 : memref<2048xbf16, #tpu.memory_space<hbm>>) dst(%dma_wait3A_449 : memref<2048xbf16, #tpu.memory_space<vmem>>)
      %scan3A_452 = arith.constant 0 : i32
      %scan3A_453 = arith.constant 0 : i32
      %scan3A_454 = arith.constant 16 : i32
      %scan3A_455 = arith.addi %scan3A_453, %scan3A_454 : i32
      %scan3A_456 = arith.constant 1 : i32
      %scan3A_457 = scf.for %scan3A_846 = %scan3A_453 to %scan3A_455 step %scan3A_456 iter_args(%scan3A_847 = %scan3A_452) -> (i32)  : i32 {
        %mul3A_848 = arith.constant 4 : i32
        %mul3A_849 = arith.muli %scan3A_846, %mul3A_848 : i32
        %add3A_850 = arith.constant 0 : i32
        %add3A_851 = arith.addi %mul3A_849, %add3A_850 : i32
        %mul3A_852 = arith.constant 2 : i32
        %mul3A_853 = arith.muli %add3A_851, %mul3A_852 : i32
        %mul3A_854 = arith.constant 16 : i32
        %mul3A_855 = arith.muli %mul3A_853, %mul3A_854 : i32
        %get3A_856 = arith.constant 2 : i32
        %get3A_857 = arith.index_cast %get3A_856 : i32 to index
        %get3A_858 = arith.index_cast %mul3A_855 : i32 to index
        %get3A_859 = tpu.vector_load %arg7[%get3A_857, %get3A_858] {strides = array<i32>} : memref<6x2048xbf16, #tpu.memory_space<vmem>>, vector<1x32xbf16>,
        %get3A_860 = vector.shape_cast %get3A_859 : vector<1x32xbf16> to vector<32xbf16>
        %reshape3A_861 = vector.shape_cast %get3A_860 : vector<32xbf16> to vector<2x16xbf16>
        %mul3A_862 = arith.constant 2 : i32
        %mul3A_863 = arith.muli %mul3A_862, %add3A_851 : i32
        %swap3A_864 = arith.constant 2 : i32
        %swap3A_865 = arith.index_cast %swap3A_864 : i32 to index
        %swap3A_866 = arith.index_cast %mul3A_863 : i32 to index
        %swap3A_867 = arith.constant 0 : index
        %swap3A_868 = tpu.vector_load %arg8[%swap3A_865, %swap3A_866, %swap3A_867] {strides = array<i32>} : memref<6x128x16xbf16, #tpu.memory_space<vmem>>, vector<1x2x16xbf16>,
        %swap3A_869 = vector.shape_cast %swap3A_868 : vector<1x2x16xbf16> to vector<2x16xbf16>
        %swap3A_870 = vector.shape_cast %reshape3A_861 : vector<2x16xbf16> to vector<1x2x16xbf16>
        tpu.vector_store %arg8[%swap3A_865, %swap3A_866, %swap3A_867], %swap3A_870 {strides = array<i32>} : memref<6x128x16xbf16, #tpu.memory_space<vmem>>, vector<1x2x16xbf16>,
        %mul3A_871 = arith.constant 4 : i32
        %mul3A_872 = arith.muli %scan3A_846, %mul3A_871 : i32
        %add3A_873 = arith.constant 1 : i32
        %add3A_874 = arith.addi %mul3A_872, %add3A_873 : i32
        %mul3A_875 = arith.constant 2 : i32
        %mul3A_876 = arith.muli %add3A_874, %mul3A_875 : i32
        %mul3A_877 = arith.constant 16 : i32
        %mul3A_878 = arith.muli %mul3A_876, %mul3A_877 : i32
        %get3A_879 = arith.constant 2 : i32
        %get3A_880 = arith.index_cast %get3A_879 : i32 to index
        %get3A_881 = arith.index_cast %mul3A_878 : i32 to index
        %get3A_882 = tpu.vector_load %arg7[%get3A_880, %get3A_881] {strides = array<i32>} : memref<6x2048xbf16, #tpu.memory_space<vmem>>, vector<1x32xbf16>,
        %get3A_883 = vector.shape_cast %get3A_882 : vector<1x32xbf16> to vector<32xbf16>
        %reshape3A_884 = vector.shape_cast %get3A_883 : vector<32xbf16> to vector<2x16xbf16>
        %mul3A_885 = arith.constant 2 : i32
        %mul3A_886 = arith.muli %mul3A_885, %add3A_874 : i32
        %swap3A_887 = arith.constant 2 : i32
        %swap3A_888 = arith.index_cast %swap3A_887 : i32 to index
        %swap3A_889 = arith.index_cast %mul3A_886 : i32 to index
        %swap3A_890 = arith.constant 0 : index
        %swap3A_891 = tpu.vector_load %arg8[%swap3A_888, %swap3A_889, %swap3A_890] {strides = array<i32>} : memref<6x128x16xbf16, #tpu.memory_space<vmem>>, vector<1x2x16xbf16>,
        %swap3A_892 = vector.shape_cast %swap3A_891 : vector<1x2x16xbf16> to vector<2x16xbf16>
        %swap3A_893 = vector.shape_cast %reshape3A_884 : vector<2x16xbf16> to vector<1x2x16xbf16>
        tpu.vector_store %arg8[%swap3A_888, %swap3A_889, %swap3A_890], %swap3A_893 {strides = array<i32>} : memref<6x128x16xbf16, #tpu.memory_space<vmem>>, vector<1x2x16xbf16>,
        %mul3A_894 = arith.constant 4 : i32
        %mul3A_895 = arith.muli %scan3A_846, %mul3A_894 : i32
        %add3A_896 = arith.constant 2 : i32
        %add3A_897 = arith.addi %mul3A_895, %add3A_896 : i32
        %mul3A_898 = arith.constant 2 : i32
        %mul3A_899 = arith.muli %add3A_897, %mul3A_898 : i32
        %mul3A_900 = arith.constant 16 : i32
        %mul3A_901 = arith.muli %mul3A_899, %mul3A_900 : i32
        %get3A_902 = arith.constant 2 : i32
        %get3A_903 = arith.index_cast %get3A_902 : i32 to index
        %get3A_904 = arith.index_cast %mul3A_901 : i32 to index
        %get3A_905 = tpu.vector_load %arg7[%get3A_903, %get3A_904] {strides = array<i32>} : memref<6x2048xbf16, #tpu.memory_space<vmem>>, vector<1x32xbf16>,
        %get3A_906 = vector.shape_cast %get3A_905 : vector<1x32xbf16> to vector<32xbf16>
        %reshape3A_907 = vector.shape_cast %get3A_906 : vector<32xbf16> to vector<2x16xbf16>
        %mul3A_908 = arith.constant 2 : i32
        %mul3A_909 = arith.muli %mul3A_908, %add3A_897 : i32
        %swap3A_910 = arith.constant 2 : i32
        %swap3A_911 = arith.index_cast %swap3A_910 : i32 to index
        %swap3A_912 = arith.index_cast %mul3A_909 : i32 to index
        %swap3A_913 = arith.constant 0 : index
        %swap3A_914 = tpu.vector_load %arg8[%swap3A_911, %swap3A_912, %swap3A_913] {strides = array<i32>} : memref<6x128x16xbf16, #tpu.memory_space<vmem>>, vector<1x2x16xbf16>,
        %swap3A_915 = vector.shape_cast %swap3A_914 : vector<1x2x16xbf16> to vector<2x16xbf16>
        %swap3A_916 = vector.shape_cast %reshape3A_907 : vector<2x16xbf16> to vector<1x2x16xbf16>
        tpu.vector_store %arg8[%swap3A_911, %swap3A_912, %swap3A_913], %swap3A_916 {strides = array<i32>} : memref<6x128x16xbf16, #tpu.memory_space<vmem>>, vector<1x2x16xbf16>,
        %mul3A_917 = arith.constant 4 : i32
        %mul3A_918 = arith.muli %scan3A_846, %mul3A_917 : i32
        %add3A_919 = arith.constant 3 : i32
        %add3A_920 = arith.addi %mul3A_918, %add3A_919 : i32
        %mul3A_921 = arith.constant 2 : i32
        %mul3A_922 = arith.muli %add3A_920, %mul3A_921 : i32
        %mul3A_923 = arith.constant 16 : i32
        %mul3A_924 = arith.muli %mul3A_922, %mul3A_923 : i32
        %get3A_925 = arith.constant 2 : i32
        %get3A_926 = arith.index_cast %get3A_925 : i32 to index
        %get3A_927 = arith.index_cast %mul3A_924 : i32 to index
        %get3A_928 = tpu.vector_load %arg7[%get3A_926, %get3A_927] {strides = array<i32>} : memref<6x2048xbf16, #tpu.memory_space<vmem>>, vector<1x32xbf16>,
        %get3A_929 = vector.shape_cast %get3A_928 : vector<1x32xbf16> to vector<32xbf16>
        %reshape3A_930 = vector.shape_cast %get3A_929 : vector<32xbf16> to vector<2x16xbf16>
        %mul3A_931 = arith.constant 2 : i32
        %mul3A_932 = arith.muli %mul3A_931, %add3A_920 : i32
        %swap3A_933 = arith.constant 2 : i32
        %swap3A_934 = arith.index_cast %swap3A_933 : i32 to index
        %swap3A_935 = arith.index_cast %mul3A_932 : i32 to index
        %swap3A_936 = arith.constant 0 : index
        %swap3A_937 = tpu.vector_load %arg8[%swap3A_934, %swap3A_935, %swap3A_936] {strides = array<i32>} : memref<6x128x16xbf16, #tpu.memory_space<vmem>>, vector<1x2x16xbf16>,
        %swap3A_938 = vector.shape_cast %swap3A_937 : vector<1x2x16xbf16> to vector<2x16xbf16>
        %swap3A_939 = vector.shape_cast %reshape3A_930 : vector<2x16xbf16> to vector<1x2x16xbf16>
        tpu.vector_store %arg8[%swap3A_934, %swap3A_935, %swap3A_936], %swap3A_939 {strides = array<i32>} : memref<6x128x16xbf16, #tpu.memory_space<vmem>>, vector<1x2x16xbf16>,
        %scan3A_940 = arith.constant 0 : i32
        scf.yield %scan3A_940 : i32
      }
      %scan3A_458 = arith.constant 16 : i32
      %dma_wait3A_459 = arith.constant 3 : i32
      %dma_wait3A_460 = arith.constant 0 : i32
      %dma_wait3A_461 = tpu.memref_slice %arg6[%dma_wait3A_459, %dma_wait3A_460] : memref<6x128xi32, #tpu.memory_space<vmem>> -> memref<1x128xi32, #tpu.memory_space<vmem>>
      %dma_wait3A_462 = tpu.memref_squeeze %dma_wait3A_461 : memref<1x128xi32, #tpu.memory_space<vmem>> -> memref<128xi32, #tpu.memory_space<vmem>>
      %dma_wait3A_463 = arith.constant 0 : i32
      %dma_wait3A_464 = tpu.memref_slice %arg2[%dma_wait3A_463] : memref<320000xi32, #tpu.memory_space<hbm>> -> memref<128xi32, #tpu.memory_space<hbm>>
      %dma_wait3A_465 = arith.constant 0 : i32
      %dma_wait3A_466 = tpu.memref_slice %arg6[%dma_wait3A_459, %dma_wait3A_465] : memref<6x128xi32, #tpu.memory_space<vmem>> -> memref<1x128xi32, #tpu.memory_space<vmem>>
      %dma_wait3A_467 = tpu.memref_squeeze %dma_wait3A_466 : memref<1x128xi32, #tpu.memory_space<vmem>> -> memref<128xi32, #tpu.memory_space<vmem>>
      %dma_wait3A_468 = arith.constant 0 : i32
      %dma_wait3A_469 = tpu.memref_slice %arg2[%dma_wait3A_468] : memref<320000xi32, #tpu.memory_space<hbm>> -> memref<128xi32, #tpu.memory_space<hbm>>
      tpu.wait_dma2 semaphore(%arg13 : memref<!tpu.dma_semaphore, #tpu.memory_space<semaphore_mem>>) src(%dma_wait3A_469 : memref<128xi32, #tpu.memory_space<hbm>>) dst(%dma_wait3A_467 : memref<128xi32, #tpu.memory_space<vmem>>)
      %dma_wait3A_470 = arith.constant 3 : i32
      %dma_wait3A_471 = arith.constant 0 : i32
      %dma_wait3A_472 = tpu.memref_slice %arg7[%dma_wait3A_470, %dma_wait3A_471] : memref<6x2048xbf16, #tpu.memory_space<vmem>> -> memref<1x2048xbf16, #tpu.memory_space<vmem>>
      %dma_wait3A_473 = tpu.memref_squeeze %dma_wait3A_472 : memref<1x2048xbf16, #tpu.memory_space<vmem>> -> memref<2048xbf16, #tpu.memory_space<vmem>>
      %dma_wait3A_474 = arith.constant 0 : i32
      %dma_wait3A_475 = tpu.memref_slice %arg3[%dma_wait3A_474] : memref<5120000xbf16, #tpu.memory_space<hbm>> -> memref<2048xbf16, #tpu.memory_space<hbm>>
      %dma_wait3A_476 = arith.constant 0 : i32
      %dma_wait3A_477 = tpu.memref_slice %arg7[%dma_wait3A_470, %dma_wait3A_476] : memref<6x2048xbf16, #tpu.memory_space<vmem>> -> memref<1x2048xbf16, #tpu.memory_space<vmem>>
      %dma_wait3A_478 = tpu.memref_squeeze %dma_wait3A_477 : memref<1x2048xbf16, #tpu.memory_space<vmem>> -> memref<2048xbf16, #tpu.memory_space<vmem>>
      %dma_wait3A_479 = arith.constant 0 : i32
      %dma_wait3A_480 = tpu.memref_slice %arg3[%dma_wait3A_479] : memref<5120000xbf16, #tpu.memory_space<hbm>> -> memref<2048xbf16, #tpu.memory_space<hbm>>
      tpu.wait_dma2 semaphore(%arg13 : memref<!tpu.dma_semaphore, #tpu.memory_space<semaphore_mem>>) src(%dma_wait3A_480 : memref<2048xbf16, #tpu.memory_space<hbm>>) dst(%dma_wait3A_478 : memref<2048xbf16, #tpu.memory_space<vmem>>)
      %scan3A_481 = arith.constant 0 : i32
      %scan3A_482 = arith.constant 0 : i32
      %scan3A_483 = arith.constant 16 : i32
      %scan3A_484 = arith.addi %scan3A_482, %scan3A_483 : i32
      %scan3A_485 = arith.constant 1 : i32
      %scan3A_486 = scf.for %scan3A_846 = %scan3A_482 to %scan3A_484 step %scan3A_485 iter_args(%scan3A_847 = %scan3A_481) -> (i32)  : i32 {
        %mul3A_848 = arith.constant 4 : i32
        %mul3A_849 = arith.muli %scan3A_846, %mul3A_848 : i32
        %add3A_850 = arith.constant 0 : i32
        %add3A_851 = arith.addi %mul3A_849, %add3A_850 : i32
        %mul3A_852 = arith.constant 2 : i32
        %mul3A_853 = arith.muli %add3A_851, %mul3A_852 : i32
        %mul3A_854 = arith.constant 16 : i32
        %mul3A_855 = arith.muli %mul3A_853, %mul3A_854 : i32
        %get3A_856 = arith.constant 3 : i32
        %get3A_857 = arith.index_cast %get3A_856 : i32 to index
        %get3A_858 = arith.index_cast %mul3A_855 : i32 to index
        %get3A_859 = tpu.vector_load %arg7[%get3A_857, %get3A_858] {strides = array<i32>} : memref<6x2048xbf16, #tpu.memory_space<vmem>>, vector<1x32xbf16>,
        %get3A_860 = vector.shape_cast %get3A_859 : vector<1x32xbf16> to vector<32xbf16>
        %reshape3A_861 = vector.shape_cast %get3A_860 : vector<32xbf16> to vector<2x16xbf16>
        %mul3A_862 = arith.constant 2 : i32
        %mul3A_863 = arith.muli %mul3A_862, %add3A_851 : i32
        %swap3A_864 = arith.constant 3 : i32
        %swap3A_865 = arith.index_cast %swap3A_864 : i32 to index
        %swap3A_866 = arith.index_cast %mul3A_863 : i32 to index
        %swap3A_867 = arith.constant 0 : index
        %swap3A_868 = tpu.vector_load %arg8[%swap3A_865, %swap3A_866, %swap3A_867] {strides = array<i32>} : memref<6x128x16xbf16, #tpu.memory_space<vmem>>, vector<1x2x16xbf16>,
        %swap3A_869 = vector.shape_cast %swap3A_868 : vector<1x2x16xbf16> to vector<2x16xbf16>
        %swap3A_870 = vector.shape_cast %reshape3A_861 : vector<2x16xbf16> to vector<1x2x16xbf16>
        tpu.vector_store %arg8[%swap3A_865, %swap3A_866, %swap3A_867], %swap3A_870 {strides = array<i32>} : memref<6x128x16xbf16, #tpu.memory_space<vmem>>, vector<1x2x16xbf16>,
        %mul3A_871 = arith.constant 4 : i32
        %mul3A_872 = arith.muli %scan3A_846, %mul3A_871 : i32
        %add3A_873 = arith.constant 1 : i32
        %add3A_874 = arith.addi %mul3A_872, %add3A_873 : i32
        %mul3A_875 = arith.constant 2 : i32
        %mul3A_876 = arith.muli %add3A_874, %mul3A_875 : i32
        %mul3A_877 = arith.constant 16 : i32
        %mul3A_878 = arith.muli %mul3A_876, %mul3A_877 : i32
        %get3A_879 = arith.constant 3 : i32
        %get3A_880 = arith.index_cast %get3A_879 : i32 to index
        %get3A_881 = arith.index_cast %mul3A_878 : i32 to index
        %get3A_882 = tpu.vector_load %arg7[%get3A_880, %get3A_881] {strides = array<i32>} : memref<6x2048xbf16, #tpu.memory_space<vmem>>, vector<1x32xbf16>,
        %get3A_883 = vector.shape_cast %get3A_882 : vector<1x32xbf16> to vector<32xbf16>
        %reshape3A_884 = vector.shape_cast %get3A_883 : vector<32xbf16> to vector<2x16xbf16>
        %mul3A_885 = arith.constant 2 : i32
        %mul3A_886 = arith.muli %mul3A_885, %add3A_874 : i32
        %swap3A_887 = arith.constant 3 : i32
        %swap3A_888 = arith.index_cast %swap3A_887 : i32 to index
        %swap3A_889 = arith.index_cast %mul3A_886 : i32 to index
        %swap3A_890 = arith.constant 0 : index
        %swap3A_891 = tpu.vector_load %arg8[%swap3A_888, %swap3A_889, %swap3A_890] {strides = array<i32>} : memref<6x128x16xbf16, #tpu.memory_space<vmem>>, vector<1x2x16xbf16>,
        %swap3A_892 = vector.shape_cast %swap3A_891 : vector<1x2x16xbf16> to vector<2x16xbf16>
        %swap3A_893 = vector.shape_cast %reshape3A_884 : vector<2x16xbf16> to vector<1x2x16xbf16>
        tpu.vector_store %arg8[%swap3A_888, %swap3A_889, %swap3A_890], %swap3A_893 {strides = array<i32>} : memref<6x128x16xbf16, #tpu.memory_space<vmem>>, vector<1x2x16xbf16>,
        %mul3A_894 = arith.constant 4 : i32
        %mul3A_895 = arith.muli %scan3A_846, %mul3A_894 : i32
        %add3A_896 = arith.constant 2 : i32
        %add3A_897 = arith.addi %mul3A_895, %add3A_896 : i32
        %mul3A_898 = arith.constant 2 : i32
        %mul3A_899 = arith.muli %add3A_897, %mul3A_898 : i32
        %mul3A_900 = arith.constant 16 : i32
        %mul3A_901 = arith.muli %mul3A_899, %mul3A_900 : i32
        %get3A_902 = arith.constant 3 : i32
        %get3A_903 = arith.index_cast %get3A_902 : i32 to index
        %get3A_904 = arith.index_cast %mul3A_901 : i32 to index
        %get3A_905 = tpu.vector_load %arg7[%get3A_903, %get3A_904] {strides = array<i32>} : memref<6x2048xbf16, #tpu.memory_space<vmem>>, vector<1x32xbf16>,
        %get3A_906 = vector.shape_cast %get3A_905 : vector<1x32xbf16> to vector<32xbf16>
        %reshape3A_907 = vector.shape_cast %get3A_906 : vector<32xbf16> to vector<2x16xbf16>
        %mul3A_908 = arith.constant 2 : i32
        %mul3A_909 = arith.muli %mul3A_908, %add3A_897 : i32
        %swap3A_910 = arith.constant 3 : i32
        %swap3A_911 = arith.index_cast %swap3A_910 : i32 to index
        %swap3A_912 = arith.index_cast %mul3A_909 : i32 to index
        %swap3A_913 = arith.constant 0 : index
        %swap3A_914 = tpu.vector_load %arg8[%swap3A_911, %swap3A_912, %swap3A_913] {strides = array<i32>} : memref<6x128x16xbf16, #tpu.memory_space<vmem>>, vector<1x2x16xbf16>,
        %swap3A_915 = vector.shape_cast %swap3A_914 : vector<1x2x16xbf16> to vector<2x16xbf16>
        %swap3A_916 = vector.shape_cast %reshape3A_907 : vector<2x16xbf16> to vector<1x2x16xbf16>
        tpu.vector_store %arg8[%swap3A_911, %swap3A_912, %swap3A_913], %swap3A_916 {strides = array<i32>} : memref<6x128x16xbf16, #tpu.memory_space<vmem>>, vector<1x2x16xbf16>,
        %mul3A_917 = arith.constant 4 : i32
        %mul3A_918 = arith.muli %scan3A_846, %mul3A_917 : i32
        %add3A_919 = arith.constant 3 : i32
        %add3A_920 = arith.addi %mul3A_918, %add3A_919 : i32
        %mul3A_921 = arith.constant 2 : i32
        %mul3A_922 = arith.muli %add3A_920, %mul3A_921 : i32
        %mul3A_923 = arith.constant 16 : i32
        %mul3A_924 = arith.muli %mul3A_922, %mul3A_923 : i32
        %get3A_925 = arith.constant 3 : i32
        %get3A_926 = arith.index_cast %get3A_925 : i32 to index
        %get3A_927 = arith.index_cast %mul3A_924 : i32 to index
        %get3A_928 = tpu.vector_load %arg7[%get3A_926, %get3A_927] {strides = array<i32>} : memref<6x2048xbf16, #tpu.memory_space<vmem>>, vector<1x32xbf16>,
        %get3A_929 = vector.shape_cast %get3A_928 : vector<1x32xbf16> to vector<32xbf16>
        %reshape3A_930 = vector.shape_cast %get3A_929 : vector<32xbf16> to vector<2x16xbf16>
        %mul3A_931 = arith.constant 2 : i32
        %mul3A_932 = arith.muli %mul3A_931, %add3A_920 : i32
        %swap3A_933 = arith.constant 3 : i32
        %swap3A_934 = arith.index_cast %swap3A_933 : i32 to index
        %swap3A_935 = arith.index_cast %mul3A_932 : i32 to index
        %swap3A_936 = arith.constant 0 : index
        %swap3A_937 = tpu.vector_load %arg8[%swap3A_934, %swap3A_935, %swap3A_936] {strides = array<i32>} : memref<6x128x16xbf16, #tpu.memory_space<vmem>>, vector<1x2x16xbf16>,
        %swap3A_938 = vector.shape_cast %swap3A_937 : vector<1x2x16xbf16> to vector<2x16xbf16>
        %swap3A_939 = vector.shape_cast %reshape3A_930 : vector<2x16xbf16> to vector<1x2x16xbf16>
        tpu.vector_store %arg8[%swap3A_934, %swap3A_935, %swap3A_936], %swap3A_939 {strides = array<i32>} : memref<6x128x16xbf16, #tpu.memory_space<vmem>>, vector<1x2x16xbf16>,
        %scan3A_940 = arith.constant 0 : i32
        scf.yield %scan3A_940 : i32
      }
      %scan3A_487 = arith.constant 16 : i32
      %dma_wait3A_488 = arith.constant 4 : i32
      %dma_wait3A_489 = arith.constant 0 : i32
      %dma_wait3A_490 = tpu.memref_slice %arg6[%dma_wait3A_488, %dma_wait3A_489] : memref<6x128xi32, #tpu.memory_space<vmem>> -> memref<1x128xi32, #tpu.memory_space<vmem>>
      %dma_wait3A_491 = tpu.memref_squeeze %dma_wait3A_490 : memref<1x128xi32, #tpu.memory_space<vmem>> -> memref<128xi32, #tpu.memory_space<vmem>>
      %dma_wait3A_492 = arith.constant 0 : i32
      %dma_wait3A_493 = tpu.memref_slice %arg2[%dma_wait3A_492] : memref<320000xi32, #tpu.memory_space<hbm>> -> memref<128xi32, #tpu.memory_space<hbm>>
      %dma_wait3A_494 = arith.constant 0 : i32
      %dma_wait3A_495 = tpu.memref_slice %arg6[%dma_wait3A_488, %dma_wait3A_494] : memref<6x128xi32, #tpu.memory_space<vmem>> -> memref<1x128xi32, #tpu.memory_space<vmem>>
      %dma_wait3A_496 = tpu.memref_squeeze %dma_wait3A_495 : memref<1x128xi32, #tpu.memory_space<vmem>> -> memref<128xi32, #tpu.memory_space<vmem>>
      %dma_wait3A_497 = arith.constant 0 : i32
      %dma_wait3A_498 = tpu.memref_slice %arg2[%dma_wait3A_497] : memref<320000xi32, #tpu.memory_space<hbm>> -> memref<128xi32, #tpu.memory_space<hbm>>
      tpu.wait_dma2 semaphore(%arg13 : memref<!tpu.dma_semaphore, #tpu.memory_space<semaphore_mem>>) src(%dma_wait3A_498 : memref<128xi32, #tpu.memory_space<hbm>>) dst(%dma_wait3A_496 : memref<128xi32, #tpu.memory_space<vmem>>)
      %dma_wait3A_499 = arith.constant 4 : i32
      %dma_wait3A_500 = arith.constant 0 : i32
      %dma_wait3A_501 = tpu.memref_slice %arg7[%dma_wait3A_499, %dma_wait3A_500] : memref<6x2048xbf16, #tpu.memory_space<vmem>> -> memref<1x2048xbf16, #tpu.memory_space<vmem>>
      %dma_wait3A_502 = tpu.memref_squeeze %dma_wait3A_501 : memref<1x2048xbf16, #tpu.memory_space<vmem>> -> memref<2048xbf16, #tpu.memory_space<vmem>>
      %dma_wait3A_503 = arith.constant 0 : i32
      %dma_wait3A_504 = tpu.memref_slice %arg3[%dma_wait3A_503] : memref<5120000xbf16, #tpu.memory_space<hbm>> -> memref<2048xbf16, #tpu.memory_space<hbm>>
      %dma_wait3A_505 = arith.constant 0 : i32
      %dma_wait3A_506 = tpu.memref_slice %arg7[%dma_wait3A_499, %dma_wait3A_505] : memref<6x2048xbf16, #tpu.memory_space<vmem>> -> memref<1x2048xbf16, #tpu.memory_space<vmem>>
      %dma_wait3A_507 = tpu.memref_squeeze %dma_wait3A_506 : memref<1x2048xbf16, #tpu.memory_space<vmem>> -> memref<2048xbf16, #tpu.memory_space<vmem>>
      %dma_wait3A_508 = arith.constant 0 : i32
      %dma_wait3A_509 = tpu.memref_slice %arg3[%dma_wait3A_508] : memref<5120000xbf16, #tpu.memory_space<hbm>> -> memref<2048xbf16, #tpu.memory_space<hbm>>
      tpu.wait_dma2 semaphore(%arg13 : memref<!tpu.dma_semaphore, #tpu.memory_space<semaphore_mem>>) src(%dma_wait3A_509 : memref<2048xbf16, #tpu.memory_space<hbm>>) dst(%dma_wait3A_507 : memref<2048xbf16, #tpu.memory_space<vmem>>)
      %scan3A_510 = arith.constant 0 : i32
      %scan3A_511 = arith.constant 0 : i32
      %scan3A_512 = arith.constant 16 : i32
      %scan3A_513 = arith.addi %scan3A_511, %scan3A_512 : i32
      %scan3A_514 = arith.constant 1 : i32
      %scan3A_515 = scf.for %scan3A_846 = %scan3A_511 to %scan3A_513 step %scan3A_514 iter_args(%scan3A_847 = %scan3A_510) -> (i32)  : i32 {
        %mul3A_848 = arith.constant 4 : i32
        %mul3A_849 = arith.muli %scan3A_846, %mul3A_848 : i32
        %add3A_850 = arith.constant 0 : i32
        %add3A_851 = arith.addi %mul3A_849, %add3A_850 : i32
        %mul3A_852 = arith.constant 2 : i32
        %mul3A_853 = arith.muli %add3A_851, %mul3A_852 : i32
        %mul3A_854 = arith.constant 16 : i32
        %mul3A_855 = arith.muli %mul3A_853, %mul3A_854 : i32
        %get3A_856 = arith.constant 4 : i32
        %get3A_857 = arith.index_cast %get3A_856 : i32 to index
        %get3A_858 = arith.index_cast %mul3A_855 : i32 to index
        %get3A_859 = tpu.vector_load %arg7[%get3A_857, %get3A_858] {strides = array<i32>} : memref<6x2048xbf16, #tpu.memory_space<vmem>>, vector<1x32xbf16>,
        %get3A_860 = vector.shape_cast %get3A_859 : vector<1x32xbf16> to vector<32xbf16>
        %reshape3A_861 = vector.shape_cast %get3A_860 : vector<32xbf16> to vector<2x16xbf16>
        %mul3A_862 = arith.constant 2 : i32
        %mul3A_863 = arith.muli %mul3A_862, %add3A_851 : i32
        %swap3A_864 = arith.constant 4 : i32
        %swap3A_865 = arith.index_cast %swap3A_864 : i32 to index
        %swap3A_866 = arith.index_cast %mul3A_863 : i32 to index
        %swap3A_867 = arith.constant 0 : index
        %swap3A_868 = tpu.vector_load %arg8[%swap3A_865, %swap3A_866, %swap3A_867] {strides = array<i32>} : memref<6x128x16xbf16, #tpu.memory_space<vmem>>, vector<1x2x16xbf16>,
        %swap3A_869 = vector.shape_cast %swap3A_868 : vector<1x2x16xbf16> to vector<2x16xbf16>
        %swap3A_870 = vector.shape_cast %reshape3A_861 : vector<2x16xbf16> to vector<1x2x16xbf16>
        tpu.vector_store %arg8[%swap3A_865, %swap3A_866, %swap3A_867], %swap3A_870 {strides = array<i32>} : memref<6x128x16xbf16, #tpu.memory_space<vmem>>, vector<1x2x16xbf16>,
        %mul3A_871 = arith.constant 4 : i32
        %mul3A_872 = arith.muli %scan3A_846, %mul3A_871 : i32
        %add3A_873 = arith.constant 1 : i32
        %add3A_874 = arith.addi %mul3A_872, %add3A_873 : i32
        %mul3A_875 = arith.constant 2 : i32
        %mul3A_876 = arith.muli %add3A_874, %mul3A_875 : i32
        %mul3A_877 = arith.constant 16 : i32
        %mul3A_878 = arith.muli %mul3A_876, %mul3A_877 : i32
        %get3A_879 = arith.constant 4 : i32
        %get3A_880 = arith.index_cast %get3A_879 : i32 to index
        %get3A_881 = arith.index_cast %mul3A_878 : i32 to index
        %get3A_882 = tpu.vector_load %arg7[%get3A_880, %get3A_881] {strides = array<i32>} : memref<6x2048xbf16, #tpu.memory_space<vmem>>, vector<1x32xbf16>,
        %get3A_883 = vector.shape_cast %get3A_882 : vector<1x32xbf16> to vector<32xbf16>
        %reshape3A_884 = vector.shape_cast %get3A_883 : vector<32xbf16> to vector<2x16xbf16>
        %mul3A_885 = arith.constant 2 : i32
        %mul3A_886 = arith.muli %mul3A_885, %add3A_874 : i32
        %swap3A_887 = arith.constant 4 : i32
        %swap3A_888 = arith.index_cast %swap3A_887 : i32 to index
        %swap3A_889 = arith.index_cast %mul3A_886 : i32 to index
        %swap3A_890 = arith.constant 0 : index
        %swap3A_891 = tpu.vector_load %arg8[%swap3A_888, %swap3A_889, %swap3A_890] {strides = array<i32>} : memref<6x128x16xbf16, #tpu.memory_space<vmem>>, vector<1x2x16xbf16>,
        %swap3A_892 = vector.shape_cast %swap3A_891 : vector<1x2x16xbf16> to vector<2x16xbf16>
        %swap3A_893 = vector.shape_cast %reshape3A_884 : vector<2x16xbf16> to vector<1x2x16xbf16>
        tpu.vector_store %arg8[%swap3A_888, %swap3A_889, %swap3A_890], %swap3A_893 {strides = array<i32>} : memref<6x128x16xbf16, #tpu.memory_space<vmem>>, vector<1x2x16xbf16>,
        %mul3A_894 = arith.constant 4 : i32
        %mul3A_895 = arith.muli %scan3A_846, %mul3A_894 : i32
        %add3A_896 = arith.constant 2 : i32
        %add3A_897 = arith.addi %mul3A_895, %add3A_896 : i32
        %mul3A_898 = arith.constant 2 : i32
        %mul3A_899 = arith.muli %add3A_897, %mul3A_898 : i32
        %mul3A_900 = arith.constant 16 : i32
        %mul3A_901 = arith.muli %mul3A_899, %mul3A_900 : i32
        %get3A_902 = arith.constant 4 : i32
        %get3A_903 = arith.index_cast %get3A_902 : i32 to index
        %get3A_904 = arith.index_cast %mul3A_901 : i32 to index
        %get3A_905 = tpu.vector_load %arg7[%get3A_903, %get3A_904] {strides = array<i32>} : memref<6x2048xbf16, #tpu.memory_space<vmem>>, vector<1x32xbf16>,
        %get3A_906 = vector.shape_cast %get3A_905 : vector<1x32xbf16> to vector<32xbf16>
        %reshape3A_907 = vector.shape_cast %get3A_906 : vector<32xbf16> to vector<2x16xbf16>
        %mul3A_908 = arith.constant 2 : i32
        %mul3A_909 = arith.muli %mul3A_908, %add3A_897 : i32
        %swap3A_910 = arith.constant 4 : i32
        %swap3A_911 = arith.index_cast %swap3A_910 : i32 to index
        %swap3A_912 = arith.index_cast %mul3A_909 : i32 to index
        %swap3A_913 = arith.constant 0 : index
        %swap3A_914 = tpu.vector_load %arg8[%swap3A_911, %swap3A_912, %swap3A_913] {strides = array<i32>} : memref<6x128x16xbf16, #tpu.memory_space<vmem>>, vector<1x2x16xbf16>,
        %swap3A_915 = vector.shape_cast %swap3A_914 : vector<1x2x16xbf16> to vector<2x16xbf16>
        %swap3A_916 = vector.shape_cast %reshape3A_907 : vector<2x16xbf16> to vector<1x2x16xbf16>
        tpu.vector_store %arg8[%swap3A_911, %swap3A_912, %swap3A_913], %swap3A_916 {strides = array<i32>} : memref<6x128x16xbf16, #tpu.memory_space<vmem>>, vector<1x2x16xbf16>,
        %mul3A_917 = arith.constant 4 : i32
        %mul3A_918 = arith.muli %scan3A_846, %mul3A_917 : i32
        %add3A_919 = arith.constant 3 : i32
        %add3A_920 = arith.addi %mul3A_918, %add3A_919 : i32
        %mul3A_921 = arith.constant 2 : i32
        %mul3A_922 = arith.muli %add3A_920, %mul3A_921 : i32
        %mul3A_923 = arith.constant 16 : i32
        %mul3A_924 = arith.muli %mul3A_922, %mul3A_923 : i32
        %get3A_925 = arith.constant 4 : i32
        %get3A_926 = arith.index_cast %get3A_925 : i32 to index
        %get3A_927 = arith.index_cast %mul3A_924 : i32 to index
        %get3A_928 = tpu.vector_load %arg7[%get3A_926, %get3A_927] {strides = array<i32>} : memref<6x2048xbf16, #tpu.memory_space<vmem>>, vector<1x32xbf16>,
        %get3A_929 = vector.shape_cast %get3A_928 : vector<1x32xbf16> to vector<32xbf16>
        %reshape3A_930 = vector.shape_cast %get3A_929 : vector<32xbf16> to vector<2x16xbf16>
        %mul3A_931 = arith.constant 2 : i32
        %mul3A_932 = arith.muli %mul3A_931, %add3A_920 : i32
        %swap3A_933 = arith.constant 4 : i32
        %swap3A_934 = arith.index_cast %swap3A_933 : i32 to index
        %swap3A_935 = arith.index_cast %mul3A_932 : i32 to index
        %swap3A_936 = arith.constant 0 : index
        %swap3A_937 = tpu.vector_load %arg8[%swap3A_934, %swap3A_935, %swap3A_936] {strides = array<i32>} : memref<6x128x16xbf16, #tpu.memory_space<vmem>>, vector<1x2x16xbf16>,
        %swap3A_938 = vector.shape_cast %swap3A_937 : vector<1x2x16xbf16> to vector<2x16xbf16>
        %swap3A_939 = vector.shape_cast %reshape3A_930 : vector<2x16xbf16> to vector<1x2x16xbf16>
        tpu.vector_store %arg8[%swap3A_934, %swap3A_935, %swap3A_936], %swap3A_939 {strides = array<i32>} : memref<6x128x16xbf16, #tpu.memory_space<vmem>>, vector<1x2x16xbf16>,
        %scan3A_940 = arith.constant 0 : i32
        scf.yield %scan3A_940 : i32
      }
      %scan3A_516 = arith.constant 16 : i32
      %dma_wait3A_517 = arith.constant 5 : i32
      %dma_wait3A_518 = arith.constant 0 : i32
      %dma_wait3A_519 = tpu.memref_slice %arg6[%dma_wait3A_517, %dma_wait3A_518] : memref<6x128xi32, #tpu.memory_space<vmem>> -> memref<1x128xi32, #tpu.memory_space<vmem>>
      %dma_wait3A_520 = tpu.memref_squeeze %dma_wait3A_519 : memref<1x128xi32, #tpu.memory_space<vmem>> -> memref<128xi32, #tpu.memory_space<vmem>>
      %dma_wait3A_521 = arith.constant 0 : i32
      %dma_wait3A_522 = tpu.memref_slice %arg2[%dma_wait3A_521] : memref<320000xi32, #tpu.memory_space<hbm>> -> memref<128xi32, #tpu.memory_space<hbm>>
      %dma_wait3A_523 = arith.constant 0 : i32
      %dma_wait3A_524 = tpu.memref_slice %arg6[%dma_wait3A_517, %dma_wait3A_523] : memref<6x128xi32, #tpu.memory_space<vmem>> -> memref<1x128xi32, #tpu.memory_space<vmem>>
      %dma_wait3A_525 = tpu.memref_squeeze %dma_wait3A_524 : memref<1x128xi32, #tpu.memory_space<vmem>> -> memref<128xi32, #tpu.memory_space<vmem>>
      %dma_wait3A_526 = arith.constant 0 : i32
      %dma_wait3A_527 = tpu.memref_slice %arg2[%dma_wait3A_526] : memref<320000xi32, #tpu.memory_space<hbm>> -> memref<128xi32, #tpu.memory_space<hbm>>
      tpu.wait_dma2 semaphore(%arg13 : memref<!tpu.dma_semaphore, #tpu.memory_space<semaphore_mem>>) src(%dma_wait3A_527 : memref<128xi32, #tpu.memory_space<hbm>>) dst(%dma_wait3A_525 : memref<128xi32, #tpu.memory_space<vmem>>)
      %dma_wait3A_528 = arith.constant 5 : i32
      %dma_wait3A_529 = arith.constant 0 : i32
      %dma_wait3A_530 = tpu.memref_slice %arg7[%dma_wait3A_528, %dma_wait3A_529] : memref<6x2048xbf16, #tpu.memory_space<vmem>> -> memref<1x2048xbf16, #tpu.memory_space<vmem>>
      %dma_wait3A_531 = tpu.memref_squeeze %dma_wait3A_530 : memref<1x2048xbf16, #tpu.memory_space<vmem>> -> memref<2048xbf16, #tpu.memory_space<vmem>>
      %dma_wait3A_532 = arith.constant 0 : i32
      %dma_wait3A_533 = tpu.memref_slice %arg3[%dma_wait3A_532] : memref<5120000xbf16, #tpu.memory_space<hbm>> -> memref<2048xbf16, #tpu.memory_space<hbm>>
      %dma_wait3A_534 = arith.constant 0 : i32
      %dma_wait3A_535 = tpu.memref_slice %arg7[%dma_wait3A_528, %dma_wait3A_534] : memref<6x2048xbf16, #tpu.memory_space<vmem>> -> memref<1x2048xbf16, #tpu.memory_space<vmem>>
      %dma_wait3A_536 = tpu.memref_squeeze %dma_wait3A_535 : memref<1x2048xbf16, #tpu.memory_space<vmem>> -> memref<2048xbf16, #tpu.memory_space<vmem>>
      %dma_wait3A_537 = arith.constant 0 : i32
      %dma_wait3A_538 = tpu.memref_slice %arg3[%dma_wait3A_537] : memref<5120000xbf16, #tpu.memory_space<hbm>> -> memref<2048xbf16, #tpu.memory_space<hbm>>
      tpu.wait_dma2 semaphore(%arg13 : memref<!tpu.dma_semaphore, #tpu.memory_space<semaphore_mem>>) src(%dma_wait3A_538 : memref<2048xbf16, #tpu.memory_space<hbm>>) dst(%dma_wait3A_536 : memref<2048xbf16, #tpu.memory_space<vmem>>)
      %scan3A_539 = arith.constant 0 : i32
      %scan3A_540 = arith.constant 0 : i32
      %scan3A_541 = arith.constant 16 : i32
      %scan3A_542 = arith.addi %scan3A_540, %scan3A_541 : i32
      %scan3A_543 = arith.constant 1 : i32
      %scan3A_544 = scf.for %scan3A_846 = %scan3A_540 to %scan3A_542 step %scan3A_543 iter_args(%scan3A_847 = %scan3A_539) -> (i32)  : i32 {
        %mul3A_848 = arith.constant 4 : i32
        %mul3A_849 = arith.muli %scan3A_846, %mul3A_848 : i32
        %add3A_850 = arith.constant 0 : i32
        %add3A_851 = arith.addi %mul3A_849, %add3A_850 : i32
        %mul3A_852 = arith.constant 2 : i32
        %mul3A_853 = arith.muli %add3A_851, %mul3A_852 : i32
        %mul3A_854 = arith.constant 16 : i32
        %mul3A_855 = arith.muli %mul3A_853, %mul3A_854 : i32
        %get3A_856 = arith.constant 5 : i32
        %get3A_857 = arith.index_cast %get3A_856 : i32 to index
        %get3A_858 = arith.index_cast %mul3A_855 : i32 to index
        %get3A_859 = tpu.vector_load %arg7[%get3A_857, %get3A_858] {strides = array<i32>} : memref<6x2048xbf16, #tpu.memory_space<vmem>>, vector<1x32xbf16>,
        %get3A_860 = vector.shape_cast %get3A_859 : vector<1x32xbf16> to vector<32xbf16>
        %reshape3A_861 = vector.shape_cast %get3A_860 : vector<32xbf16> to vector<2x16xbf16>
        %mul3A_862 = arith.constant 2 : i32
        %mul3A_863 = arith.muli %mul3A_862, %add3A_851 : i32
        %swap3A_864 = arith.constant 5 : i32
        %swap3A_865 = arith.index_cast %swap3A_864 : i32 to index
        %swap3A_866 = arith.index_cast %mul3A_863 : i32 to index
        %swap3A_867 = arith.constant 0 : index
        %swap3A_868 = tpu.vector_load %arg8[%swap3A_865, %swap3A_866, %swap3A_867] {strides = array<i32>} : memref<6x128x16xbf16, #tpu.memory_space<vmem>>, vector<1x2x16xbf16>,
        %swap3A_869 = vector.shape_cast %swap3A_868 : vector<1x2x16xbf16> to vector<2x16xbf16>
        %swap3A_870 = vector.shape_cast %reshape3A_861 : vector<2x16xbf16> to vector<1x2x16xbf16>
        tpu.vector_store %arg8[%swap3A_865, %swap3A_866, %swap3A_867], %swap3A_870 {strides = array<i32>} : memref<6x128x16xbf16, #tpu.memory_space<vmem>>, vector<1x2x16xbf16>,
        %mul3A_871 = arith.constant 4 : i32
        %mul3A_872 = arith.muli %scan3A_846, %mul3A_871 : i32
        %add3A_873 = arith.constant 1 : i32
        %add3A_874 = arith.addi %mul3A_872, %add3A_873 : i32
        %mul3A_875 = arith.constant 2 : i32
        %mul3A_876 = arith.muli %add3A_874, %mul3A_875 : i32
        %mul3A_877 = arith.constant 16 : i32
        %mul3A_878 = arith.muli %mul3A_876, %mul3A_877 : i32
        %get3A_879 = arith.constant 5 : i32
        %get3A_880 = arith.index_cast %get3A_879 : i32 to index
        %get3A_881 = arith.index_cast %mul3A_878 : i32 to index
        %get3A_882 = tpu.vector_load %arg7[%get3A_880, %get3A_881] {strides = array<i32>} : memref<6x2048xbf16, #tpu.memory_space<vmem>>, vector<1x32xbf16>,
        %get3A_883 = vector.shape_cast %get3A_882 : vector<1x32xbf16> to vector<32xbf16>
        %reshape3A_884 = vector.shape_cast %get3A_883 : vector<32xbf16> to vector<2x16xbf16>
        %mul3A_885 = arith.constant 2 : i32
        %mul3A_886 = arith.muli %mul3A_885, %add3A_874 : i32
        %swap3A_887 = arith.constant 5 : i32
        %swap3A_888 = arith.index_cast %swap3A_887 : i32 to index
        %swap3A_889 = arith.index_cast %mul3A_886 : i32 to index
        %swap3A_890 = arith.constant 0 : index
        %swap3A_891 = tpu.vector_load %arg8[%swap3A_888, %swap3A_889, %swap3A_890] {strides = array<i32>} : memref<6x128x16xbf16, #tpu.memory_space<vmem>>, vector<1x2x16xbf16>,
        %swap3A_892 = vector.shape_cast %swap3A_891 : vector<1x2x16xbf16> to vector<2x16xbf16>
        %swap3A_893 = vector.shape_cast %reshape3A_884 : vector<2x16xbf16> to vector<1x2x16xbf16>
        tpu.vector_store %arg8[%swap3A_888, %swap3A_889, %swap3A_890], %swap3A_893 {strides = array<i32>} : memref<6x128x16xbf16, #tpu.memory_space<vmem>>, vector<1x2x16xbf16>,
        %mul3A_894 = arith.constant 4 : i32
        %mul3A_895 = arith.muli %scan3A_846, %mul3A_894 : i32
        %add3A_896 = arith.constant 2 : i32
        %add3A_897 = arith.addi %mul3A_895, %add3A_896 : i32
        %mul3A_898 = arith.constant 2 : i32
        %mul3A_899 = arith.muli %add3A_897, %mul3A_898 : i32
        %mul3A_900 = arith.constant 16 : i32
        %mul3A_901 = arith.muli %mul3A_899, %mul3A_900 : i32
        %get3A_902 = arith.constant 5 : i32
        %get3A_903 = arith.index_cast %get3A_902 : i32 to index
        %get3A_904 = arith.index_cast %mul3A_901 : i32 to index
        %get3A_905 = tpu.vector_load %arg7[%get3A_903, %get3A_904] {strides = array<i32>} : memref<6x2048xbf16, #tpu.memory_space<vmem>>, vector<1x32xbf16>,
        %get3A_906 = vector.shape_cast %get3A_905 : vector<1x32xbf16> to vector<32xbf16>
        %reshape3A_907 = vector.shape_cast %get3A_906 : vector<32xbf16> to vector<2x16xbf16>
        %mul3A_908 = arith.constant 2 : i32
        %mul3A_909 = arith.muli %mul3A_908, %add3A_897 : i32
        %swap3A_910 = arith.constant 5 : i32
        %swap3A_911 = arith.index_cast %swap3A_910 : i32 to index
        %swap3A_912 = arith.index_cast %mul3A_909 : i32 to index
        %swap3A_913 = arith.constant 0 : index
        %swap3A_914 = tpu.vector_load %arg8[%swap3A_911, %swap3A_912, %swap3A_913] {strides = array<i32>} : memref<6x128x16xbf16, #tpu.memory_space<vmem>>, vector<1x2x16xbf16>,
        %swap3A_915 = vector.shape_cast %swap3A_914 : vector<1x2x16xbf16> to vector<2x16xbf16>
        %swap3A_916 = vector.shape_cast %reshape3A_907 : vector<2x16xbf16> to vector<1x2x16xbf16>
        tpu.vector_store %arg8[%swap3A_911, %swap3A_912, %swap3A_913], %swap3A_916 {strides = array<i32>} : memref<6x128x16xbf16, #tpu.memory_space<vmem>>, vector<1x2x16xbf16>,
        %mul3A_917 = arith.constant 4 : i32
        %mul3A_918 = arith.muli %scan3A_846, %mul3A_917 : i32
        %add3A_919 = arith.constant 3 : i32
        %add3A_920 = arith.addi %mul3A_918, %add3A_919 : i32
        %mul3A_921 = arith.constant 2 : i32
        %mul3A_922 = arith.muli %add3A_920, %mul3A_921 : i32
        %mul3A_923 = arith.constant 16 : i32
        %mul3A_924 = arith.muli %mul3A_922, %mul3A_923 : i32
        %get3A_925 = arith.constant 5 : i32
        %get3A_926 = arith.index_cast %get3A_925 : i32 to index
        %get3A_927 = arith.index_cast %mul3A_924 : i32 to index
        %get3A_928 = tpu.vector_load %arg7[%get3A_926, %get3A_927] {strides = array<i32>} : memref<6x2048xbf16, #tpu.memory_space<vmem>>, vector<1x32xbf16>,
        %get3A_929 = vector.shape_cast %get3A_928 : vector<1x32xbf16> to vector<32xbf16>
        %reshape3A_930 = vector.shape_cast %get3A_929 : vector<32xbf16> to vector<2x16xbf16>
        %mul3A_931 = arith.constant 2 : i32
        %mul3A_932 = arith.muli %mul3A_931, %add3A_920 : i32
        %swap3A_933 = arith.constant 5 : i32
        %swap3A_934 = arith.index_cast %swap3A_933 : i32 to index
        %swap3A_935 = arith.index_cast %mul3A_932 : i32 to index
        %swap3A_936 = arith.constant 0 : index
        %swap3A_937 = tpu.vector_load %arg8[%swap3A_934, %swap3A_935, %swap3A_936] {strides = array<i32>} : memref<6x128x16xbf16, #tpu.memory_space<vmem>>, vector<1x2x16xbf16>,
        %swap3A_938 = vector.shape_cast %swap3A_937 : vector<1x2x16xbf16> to vector<2x16xbf16>
        %swap3A_939 = vector.shape_cast %reshape3A_930 : vector<2x16xbf16> to vector<1x2x16xbf16>
        tpu.vector_store %arg8[%swap3A_934, %swap3A_935, %swap3A_936], %swap3A_939 {strides = array<i32>} : memref<6x128x16xbf16, #tpu.memory_space<vmem>>, vector<1x2x16xbf16>,
        %scan3A_940 = arith.constant 0 : i32
        scf.yield %scan3A_940 : i32
      }
      %scan3A_545 = arith.constant 16 : i32
      %dma_start3A_546 = arith.constant 0 : i32
      %dma_start3A_547 = arith.constant 0 : i32
      %dma_start3A_548 = arith.constant 0 : i32
      %dma_start3A_549 = arith.constant 0 : i32
      %dma_start3A_550 = tpu.memref_slice %arg8[%dma_start3A_546, %dma_start3A_548, %dma_start3A_549] : memref<6x128x16xbf16, #tpu.memory_space<vmem>> -> memref<1x128x16xbf16, #tpu.memory_space<vmem>>
      %dma_start3A_551 = tpu.memref_squeeze %dma_start3A_550 : memref<1x128x16xbf16, #tpu.memory_space<vmem>> -> memref<128x16xbf16, #tpu.memory_space<vmem>>
      %dma_start3A_552 = arith.constant 0 : i32
      %dma_start3A_553 = tpu.memref_slice %arg6[%dma_start3A_547, %dma_start3A_552] : memref<6x128xi32, #tpu.memory_space<vmem>> -> memref<1x128xi32, #tpu.memory_space<vmem>>
      %dma_start3A_554 = tpu.memref_squeeze %dma_start3A_553 : memref<1x128xi32, #tpu.memory_space<vmem>> -> memref<128xi32, #tpu.memory_space<vmem>>
      %dma_start3A_555 = arith.constant 0 : i32
      %dma_start3A_556 = arith.constant 0 : i32
      %dma_start3A_557 = tpu.memref_slice %arg12[%dma_start3A_555, %dma_start3A_556] : memref<10240x16xbf16, #tpu.memory_space<vmem_shared>> -> memref<10240x16xbf16, #tpu.memory_space<vmem_shared>>
      tpu.enqueue_indirect_dma source(%dma_start3A_551 : memref<128x16xbf16, #tpu.memory_space<vmem>>) target(%dma_start3A_557 : memref<10240x16xbf16, #tpu.memory_space<vmem_shared>>) offsets(%dma_start3A_554 : memref<128xi32, #tpu.memory_space<vmem>>) semaphore(%arg14 : memref<!tpu.dma_semaphore, #tpu.memory_space<semaphore_mem>>) {add = true}
      %dma_start3A_558 = arith.constant 1 : i32
      %dma_start3A_559 = arith.constant 1 : i32
      %dma_start3A_560 = arith.constant 0 : i32
      %dma_start3A_561 = arith.constant 0 : i32
      %dma_start3A_562 = tpu.memref_slice %arg8[%dma_start3A_558, %dma_start3A_560, %dma_start3A_561] : memref<6x128x16xbf16, #tpu.memory_space<vmem>> -> memref<1x128x16xbf16, #tpu.memory_space<vmem>>
      %dma_start3A_563 = tpu.memref_squeeze %dma_start3A_562 : memref<1x128x16xbf16, #tpu.memory_space<vmem>> -> memref<128x16xbf16, #tpu.memory_space<vmem>>
      %dma_start3A_564 = arith.constant 0 : i32
      %dma_start3A_565 = tpu.memref_slice %arg6[%dma_start3A_559, %dma_start3A_564] : memref<6x128xi32, #tpu.memory_space<vmem>> -> memref<1x128xi32, #tpu.memory_space<vmem>>
      %dma_start3A_566 = tpu.memref_squeeze %dma_start3A_565 : memref<1x128xi32, #tpu.memory_space<vmem>> -> memref<128xi32, #tpu.memory_space<vmem>>
      %dma_start3A_567 = arith.constant 0 : i32
      %dma_start3A_568 = arith.constant 0 : i32
      %dma_start3A_569 = tpu.memref_slice %arg12[%dma_start3A_567, %dma_start3A_568] : memref<10240x16xbf16, #tpu.memory_space<vmem_shared>> -> memref<10240x16xbf16, #tpu.memory_space<vmem_shared>>
      tpu.enqueue_indirect_dma source(%dma_start3A_563 : memref<128x16xbf16, #tpu.memory_space<vmem>>) target(%dma_start3A_569 : memref<10240x16xbf16, #tpu.memory_space<vmem_shared>>) offsets(%dma_start3A_566 : memref<128xi32, #tpu.memory_space<vmem>>) semaphore(%arg14 : memref<!tpu.dma_semaphore, #tpu.memory_space<semaphore_mem>>) {add = true}
      %dma_start3A_570 = arith.constant 2 : i32
      %dma_start3A_571 = arith.constant 2 : i32
      %dma_start3A_572 = arith.constant 0 : i32
      %dma_start3A_573 = arith.constant 0 : i32
      %dma_start3A_574 = tpu.memref_slice %arg8[%dma_start3A_570, %dma_start3A_572, %dma_start3A_573] : memref<6x128x16xbf16, #tpu.memory_space<vmem>> -> memref<1x128x16xbf16, #tpu.memory_space<vmem>>
      %dma_start3A_575 = tpu.memref_squeeze %dma_start3A_574 : memref<1x128x16xbf16, #tpu.memory_space<vmem>> -> memref<128x16xbf16, #tpu.memory_space<vmem>>
      %dma_start3A_576 = arith.constant 0 : i32
      %dma_start3A_577 = tpu.memref_slice %arg6[%dma_start3A_571, %dma_start3A_576] : memref<6x128xi32, #tpu.memory_space<vmem>> -> memref<1x128xi32, #tpu.memory_space<vmem>>
      %dma_start3A_578 = tpu.memref_squeeze %dma_start3A_577 : memref<1x128xi32, #tpu.memory_space<vmem>> -> memref<128xi32, #tpu.memory_space<vmem>>
      %dma_start3A_579 = arith.constant 0 : i32
      %dma_start3A_580 = arith.constant 0 : i32
      %dma_start3A_581 = tpu.memref_slice %arg12[%dma_start3A_579, %dma_start3A_580] : memref<10240x16xbf16, #tpu.memory_space<vmem_shared>> -> memref<10240x16xbf16, #tpu.memory_space<vmem_shared>>
      tpu.enqueue_indirect_dma source(%dma_start3A_575 : memref<128x16xbf16, #tpu.memory_space<vmem>>) target(%dma_start3A_581 : memref<10240x16xbf16, #tpu.memory_space<vmem_shared>>) offsets(%dma_start3A_578 : memref<128xi32, #tpu.memory_space<vmem>>) semaphore(%arg14 : memref<!tpu.dma_semaphore, #tpu.memory_space<semaphore_mem>>) {add = true}
      %dma_start3A_582 = arith.constant 3 : i32
      %dma_start3A_583 = arith.constant 3 : i32
      %dma_start3A_584 = arith.constant 0 : i32
      %dma_start3A_585 = arith.constant 0 : i32
      %dma_start3A_586 = tpu.memref_slice %arg8[%dma_start3A_582, %dma_start3A_584, %dma_start3A_585] : memref<6x128x16xbf16, #tpu.memory_space<vmem>> -> memref<1x128x16xbf16, #tpu.memory_space<vmem>>
      %dma_start3A_587 = tpu.memref_squeeze %dma_start3A_586 : memref<1x128x16xbf16, #tpu.memory_space<vmem>> -> memref<128x16xbf16, #tpu.memory_space<vmem>>
      %dma_start3A_588 = arith.constant 0 : i32
      %dma_start3A_589 = tpu.memref_slice %arg6[%dma_start3A_583, %dma_start3A_588] : memref<6x128xi32, #tpu.memory_space<vmem>> -> memref<1x128xi32, #tpu.memory_space<vmem>>
      %dma_start3A_590 = tpu.memref_squeeze %dma_start3A_589 : memref<1x128xi32, #tpu.memory_space<vmem>> -> memref<128xi32, #tpu.memory_space<vmem>>
      %dma_start3A_591 = arith.constant 0 : i32
      %dma_start3A_592 = arith.constant 0 : i32
      %dma_start3A_593 = tpu.memref_slice %arg12[%dma_start3A_591, %dma_start3A_592] : memref<10240x16xbf16, #tpu.memory_space<vmem_shared>> -> memref<10240x16xbf16, #tpu.memory_space<vmem_shared>>
      tpu.enqueue_indirect_dma source(%dma_start3A_587 : memref<128x16xbf16, #tpu.memory_space<vmem>>) target(%dma_start3A_593 : memref<10240x16xbf16, #tpu.memory_space<vmem_shared>>) offsets(%dma_start3A_590 : memref<128xi32, #tpu.memory_space<vmem>>) semaphore(%arg14 : memref<!tpu.dma_semaphore, #tpu.memory_space<semaphore_mem>>) {add = true}
      %dma_start3A_594 = arith.constant 4 : i32
      %dma_start3A_595 = arith.constant 4 : i32
      %dma_start3A_596 = arith.constant 0 : i32
      %dma_start3A_597 = arith.constant 0 : i32
      %dma_start3A_598 = tpu.memref_slice %arg8[%dma_start3A_594, %dma_start3A_596, %dma_start3A_597] : memref<6x128x16xbf16, #tpu.memory_space<vmem>> -> memref<1x128x16xbf16, #tpu.memory_space<vmem>>
      %dma_start3A_599 = tpu.memref_squeeze %dma_start3A_598 : memref<1x128x16xbf16, #tpu.memory_space<vmem>> -> memref<128x16xbf16, #tpu.memory_space<vmem>>
      %dma_start3A_600 = arith.constant 0 : i32
      %dma_start3A_601 = tpu.memref_slice %arg6[%dma_start3A_595, %dma_start3A_600] : memref<6x128xi32, #tpu.memory_space<vmem>> -> memref<1x128xi32, #tpu.memory_space<vmem>>
      %dma_start3A_602 = tpu.memref_squeeze %dma_start3A_601 : memref<1x128xi32, #tpu.memory_space<vmem>> -> memref<128xi32, #tpu.memory_space<vmem>>
      %dma_start3A_603 = arith.constant 0 : i32
      %dma_start3A_604 = arith.constant 0 : i32
      %dma_start3A_605 = tpu.memref_slice %arg12[%dma_start3A_603, %dma_start3A_604] : memref<10240x16xbf16, #tpu.memory_space<vmem_shared>> -> memref<10240x16xbf16, #tpu.memory_space<vmem_shared>>
      tpu.enqueue_indirect_dma source(%dma_start3A_599 : memref<128x16xbf16, #tpu.memory_space<vmem>>) target(%dma_start3A_605 : memref<10240x16xbf16, #tpu.memory_space<vmem_shared>>) offsets(%dma_start3A_602 : memref<128xi32, #tpu.memory_space<vmem>>) semaphore(%arg14 : memref<!tpu.dma_semaphore, #tpu.memory_space<semaphore_mem>>) {add = true}
      %dma_start3A_606 = arith.constant 5 : i32
      %dma_start3A_607 = arith.constant 5 : i32
      %dma_start3A_608 = arith.constant 0 : i32
      %dma_start3A_609 = arith.constant 0 : i32
      %dma_start3A_610 = tpu.memref_slice %arg8[%dma_start3A_606, %dma_start3A_608, %dma_start3A_609] : memref<6x128x16xbf16, #tpu.memory_space<vmem>> -> memref<1x128x16xbf16, #tpu.memory_space<vmem>>
      %dma_start3A_611 = tpu.memref_squeeze %dma_start3A_610 : memref<1x128x16xbf16, #tpu.memory_space<vmem>> -> memref<128x16xbf16, #tpu.memory_space<vmem>>
      %dma_start3A_612 = arith.constant 0 : i32
      %dma_start3A_613 = tpu.memref_slice %arg6[%dma_start3A_607, %dma_start3A_612] : memref<6x128xi32, #tpu.memory_space<vmem>> -> memref<1x128xi32, #tpu.memory_space<vmem>>
      %dma_start3A_614 = tpu.memref_squeeze %dma_start3A_613 : memref<1x128xi32, #tpu.memory_space<vmem>> -> memref<128xi32, #tpu.memory_space<vmem>>
      %dma_start3A_615 = arith.constant 0 : i32
      %dma_start3A_616 = arith.constant 0 : i32
      %dma_start3A_617 = tpu.memref_slice %arg12[%dma_start3A_615, %dma_start3A_616] : memref<10240x16xbf16, #tpu.memory_space<vmem_shared>> -> memref<10240x16xbf16, #tpu.memory_space<vmem_shared>>
      tpu.enqueue_indirect_dma source(%dma_start3A_611 : memref<128x16xbf16, #tpu.memory_space<vmem>>) target(%dma_start3A_617 : memref<10240x16xbf16, #tpu.memory_space<vmem_shared>>) offsets(%dma_start3A_614 : memref<128xi32, #tpu.memory_space<vmem>>) semaphore(%arg14 : memref<!tpu.dma_semaphore, #tpu.memory_space<semaphore_mem>>) {add = true}
      %dma_wait3A_618 = arith.constant 0 : i32
      %dma_wait3A_619 = arith.constant 0 : i32
      %dma_wait3A_620 = arith.constant 0 : i32
      %dma_wait3A_621 = arith.constant 0 : i32
      %dma_wait3A_622 = tpu.memref_slice %arg8[%dma_wait3A_618, %dma_wait3A_620, %dma_wait3A_621] : memref<6x128x16xbf16, #tpu.memory_space<vmem>> -> memref<1x128x16xbf16, #tpu.memory_space<vmem>>
      %dma_wait3A_623 = tpu.memref_squeeze %dma_wait3A_622 : memref<1x128x16xbf16, #tpu.memory_space<vmem>> -> memref<128x16xbf16, #tpu.memory_space<vmem>>
      %dma_wait3A_624 = arith.constant 0 : i32
      %dma_wait3A_625 = tpu.memref_slice %arg6[%dma_wait3A_619, %dma_wait3A_624] : memref<6x128xi32, #tpu.memory_space<vmem>> -> memref<1x128xi32, #tpu.memory_space<vmem>>
      %dma_wait3A_626 = tpu.memref_squeeze %dma_wait3A_625 : memref<1x128xi32, #tpu.memory_space<vmem>> -> memref<128xi32, #tpu.memory_space<vmem>>
      %dma_wait3A_627 = arith.constant 0 : i32
      %dma_wait3A_628 = arith.constant 0 : i32
      %dma_wait3A_629 = tpu.memref_slice %arg12[%dma_wait3A_627, %dma_wait3A_628] : memref<10240x16xbf16, #tpu.memory_space<vmem_shared>> -> memref<10240x16xbf16, #tpu.memory_space<vmem_shared>>
      tpu.wait_indirect_dma semaphore(%arg14 : memref<!tpu.dma_semaphore, #tpu.memory_space<semaphore_mem>>) src(%dma_wait3A_623 : memref<128x16xbf16, #tpu.memory_space<vmem>>) dst(%dma_wait3A_629 : memref<10240x16xbf16, #tpu.memory_space<vmem_shared>>)
      %dma_wait3A_630 = arith.constant 1 : i32
      %dma_wait3A_631 = arith.constant 1 : i32
      %dma_wait3A_632 = arith.constant 0 : i32
      %dma_wait3A_633 = arith.constant 0 : i32
      %dma_wait3A_634 = tpu.memref_slice %arg8[%dma_wait3A_630, %dma_wait3A_632, %dma_wait3A_633] : memref<6x128x16xbf16, #tpu.memory_space<vmem>> -> memref<1x128x16xbf16, #tpu.memory_space<vmem>>
      %dma_wait3A_635 = tpu.memref_squeeze %dma_wait3A_634 : memref<1x128x16xbf16, #tpu.memory_space<vmem>> -> memref<128x16xbf16, #tpu.memory_space<vmem>>
      %dma_wait3A_636 = arith.constant 0 : i32
      %dma_wait3A_637 = tpu.memref_slice %arg6[%dma_wait3A_631, %dma_wait3A_636] : memref<6x128xi32, #tpu.memory_space<vmem>> -> memref<1x128xi32, #tpu.memory_space<vmem>>
      %dma_wait3A_638 = tpu.memref_squeeze %dma_wait3A_637 : memref<1x128xi32, #tpu.memory_space<vmem>> -> memref<128xi32, #tpu.memory_space<vmem>>
      %dma_wait3A_639 = arith.constant 0 : i32
      %dma_wait3A_640 = arith.constant 0 : i32
      %dma_wait3A_641 = tpu.memref_slice %arg12[%dma_wait3A_639, %dma_wait3A_640] : memref<10240x16xbf16, #tpu.memory_space<vmem_shared>> -> memref<10240x16xbf16, #tpu.memory_space<vmem_shared>>
      tpu.wait_indirect_dma semaphore(%arg14 : memref<!tpu.dma_semaphore, #tpu.memory_space<semaphore_mem>>) src(%dma_wait3A_635 : memref<128x16xbf16, #tpu.memory_space<vmem>>) dst(%dma_wait3A_641 : memref<10240x16xbf16, #tpu.memory_space<vmem_shared>>)
      %dma_wait3A_642 = arith.constant 2 : i32
      %dma_wait3A_643 = arith.constant 2 : i32
      %dma_wait3A_644 = arith.constant 0 : i32
      %dma_wait3A_645 = arith.constant 0 : i32
      %dma_wait3A_646 = tpu.memref_slice %arg8[%dma_wait3A_642, %dma_wait3A_644, %dma_wait3A_645] : memref<6x128x16xbf16, #tpu.memory_space<vmem>> -> memref<1x128x16xbf16, #tpu.memory_space<vmem>>
      %dma_wait3A_647 = tpu.memref_squeeze %dma_wait3A_646 : memref<1x128x16xbf16, #tpu.memory_space<vmem>> -> memref<128x16xbf16, #tpu.memory_space<vmem>>
      %dma_wait3A_648 = arith.constant 0 : i32
      %dma_wait3A_649 = tpu.memref_slice %arg6[%dma_wait3A_643, %dma_wait3A_648] : memref<6x128xi32, #tpu.memory_space<vmem>> -> memref<1x128xi32, #tpu.memory_space<vmem>>
      %dma_wait3A_650 = tpu.memref_squeeze %dma_wait3A_649 : memref<1x128xi32, #tpu.memory_space<vmem>> -> memref<128xi32, #tpu.memory_space<vmem>>
      %dma_wait3A_651 = arith.constant 0 : i32
      %dma_wait3A_652 = arith.constant 0 : i32
      %dma_wait3A_653 = tpu.memref_slice %arg12[%dma_wait3A_651, %dma_wait3A_652] : memref<10240x16xbf16, #tpu.memory_space<vmem_shared>> -> memref<10240x16xbf16, #tpu.memory_space<vmem_shared>>
      tpu.wait_indirect_dma semaphore(%arg14 : memref<!tpu.dma_semaphore, #tpu.memory_space<semaphore_mem>>) src(%dma_wait3A_647 : memref<128x16xbf16, #tpu.memory_space<vmem>>) dst(%dma_wait3A_653 : memref<10240x16xbf16, #tpu.memory_space<vmem_shared>>)
      %dma_wait3A_654 = arith.constant 3 : i32
      %dma_wait3A_655 = arith.constant 3 : i32
      %dma_wait3A_656 = arith.constant 0 : i32
      %dma_wait3A_657 = arith.constant 0 : i32
      %dma_wait3A_658 = tpu.memref_slice %arg8[%dma_wait3A_654, %dma_wait3A_656, %dma_wait3A_657] : memref<6x128x16xbf16, #tpu.memory_space<vmem>> -> memref<1x128x16xbf16, #tpu.memory_space<vmem>>
      %dma_wait3A_659 = tpu.memref_squeeze %dma_wait3A_658 : memref<1x128x16xbf16, #tpu.memory_space<vmem>> -> memref<128x16xbf16, #tpu.memory_space<vmem>>
      %dma_wait3A_660 = arith.constant 0 : i32
      %dma_wait3A_661 = tpu.memref_slice %arg6[%dma_wait3A_655, %dma_wait3A_660] : memref<6x128xi32, #tpu.memory_space<vmem>> -> memref<1x128xi32, #tpu.memory_space<vmem>>
      %dma_wait3A_662 = tpu.memref_squeeze %dma_wait3A_661 : memref<1x128xi32, #tpu.memory_space<vmem>> -> memref<128xi32, #tpu.memory_space<vmem>>
      %dma_wait3A_663 = arith.constant 0 : i32
      %dma_wait3A_664 = arith.constant 0 : i32
      %dma_wait3A_665 = tpu.memref_slice %arg12[%dma_wait3A_663, %dma_wait3A_664] : memref<10240x16xbf16, #tpu.memory_space<vmem_shared>> -> memref<10240x16xbf16, #tpu.memory_space<vmem_shared>>
      tpu.wait_indirect_dma semaphore(%arg14 : memref<!tpu.dma_semaphore, #tpu.memory_space<semaphore_mem>>) src(%dma_wait3A_659 : memref<128x16xbf16, #tpu.memory_space<vmem>>) dst(%dma_wait3A_665 : memref<10240x16xbf16, #tpu.memory_space<vmem_shared>>)
      %dma_wait3A_666 = arith.constant 4 : i32
      %dma_wait3A_667 = arith.constant 4 : i32
      %dma_wait3A_668 = arith.constant 0 : i32
      %dma_wait3A_669 = arith.constant 0 : i32
      %dma_wait3A_670 = tpu.memref_slice %arg8[%dma_wait3A_666, %dma_wait3A_668, %dma_wait3A_669] : memref<6x128x16xbf16, #tpu.memory_space<vmem>> -> memref<1x128x16xbf16, #tpu.memory_space<vmem>>
      %dma_wait3A_671 = tpu.memref_squeeze %dma_wait3A_670 : memref<1x128x16xbf16, #tpu.memory_space<vmem>> -> memref<128x16xbf16, #tpu.memory_space<vmem>>
      %dma_wait3A_672 = arith.constant 0 : i32
      %dma_wait3A_673 = tpu.memref_slice %arg6[%dma_wait3A_667, %dma_wait3A_672] : memref<6x128xi32, #tpu.memory_space<vmem>> -> memref<1x128xi32, #tpu.memory_space<vmem>>
      %dma_wait3A_674 = tpu.memref_squeeze %dma_wait3A_673 : memref<1x128xi32, #tpu.memory_space<vmem>> -> memref<128xi32, #tpu.memory_space<vmem>>
      %dma_wait3A_675 = arith.constant 0 : i32
      %dma_wait3A_676 = arith.constant 0 : i32
      %dma_wait3A_677 = tpu.memref_slice %arg12[%dma_wait3A_675, %dma_wait3A_676] : memref<10240x16xbf16, #tpu.memory_space<vmem_shared>> -> memref<10240x16xbf16, #tpu.memory_space<vmem_shared>>
      tpu.wait_indirect_dma semaphore(%arg14 : memref<!tpu.dma_semaphore, #tpu.memory_space<semaphore_mem>>) src(%dma_wait3A_671 : memref<128x16xbf16, #tpu.memory_space<vmem>>) dst(%dma_wait3A_677 : memref<10240x16xbf16, #tpu.memory_space<vmem_shared>>)
      %dma_wait3A_678 = arith.constant 5 : i32
      %dma_wait3A_679 = arith.constant 5 : i32
      %dma_wait3A_680 = arith.constant 0 : i32
      %dma_wait3A_681 = arith.constant 0 : i32
      %dma_wait3A_682 = tpu.memref_slice %arg8[%dma_wait3A_678, %dma_wait3A_680, %dma_wait3A_681] : memref<6x128x16xbf16, #tpu.memory_space<vmem>> -> memref<1x128x16xbf16, #tpu.memory_space<vmem>>
      %dma_wait3A_683 = tpu.memref_squeeze %dma_wait3A_682 : memref<1x128x16xbf16, #tpu.memory_space<vmem>> -> memref<128x16xbf16, #tpu.memory_space<vmem>>
      %dma_wait3A_684 = arith.constant 0 : i32
      %dma_wait3A_685 = tpu.memref_slice %arg6[%dma_wait3A_679, %dma_wait3A_684] : memref<6x128xi32, #tpu.memory_space<vmem>> -> memref<1x128xi32, #tpu.memory_space<vmem>>
      %dma_wait3A_686 = tpu.memref_squeeze %dma_wait3A_685 : memref<1x128xi32, #tpu.memory_space<vmem>> -> memref<128xi32, #tpu.memory_space<vmem>>
      %dma_wait3A_687 = arith.constant 0 : i32
      %dma_wait3A_688 = arith.constant 0 : i32
      %dma_wait3A_689 = tpu.memref_slice %arg12[%dma_wait3A_687, %dma_wait3A_688] : memref<10240x16xbf16, #tpu.memory_space<vmem_shared>> -> memref<10240x16xbf16, #tpu.memory_space<vmem_shared>>
      tpu.wait_indirect_dma semaphore(%arg14 : memref<!tpu.dma_semaphore, #tpu.memory_space<semaphore_mem>>) src(%dma_wait3A_683 : memref<128x16xbf16, #tpu.memory_space<vmem>>) dst(%dma_wait3A_689 : memref<10240x16xbf16, #tpu.memory_space<vmem_shared>>)
      %add3A_690 = arith.constant 1 : i32
      %add3A_691 = arith.addi %scan3A_370, %add3A_690 : i32
      %mul3A_692 = arith.constant 6 : i32
      %mul3A_693 = arith.muli %add3A_691, %mul3A_692 : i32
      %min3A = arith.constant 72 : i32
      %min3A_694 = arith.minsi %mul3A_693, %min3A : i32
      %add3A_695 = arith.constant 0 : i32
      %add3A_696 = arith.addi %min3A_694, %add3A_695 : i32
      %mul3A_697 = arith.constant 128 : i32
      %mul3A_698 = arith.muli %add3A_696, %mul3A_697 : i32
      %add3A_699 = arith.addi %mul3A_4, %mul3A_698 : i32
      %dma_start3A_700 = arith.constant 0 : i32
      %dma_start3A_701 = arith.constant 0 : i32
      %dma_start3A_702 = tpu.memref_slice %arg6[%dma_start3A_700, %dma_start3A_701] : memref<6x128xi32, #tpu.memory_space<vmem>> -> memref<1x128xi32, #tpu.memory_space<vmem>>
      %dma_start3A_703 = tpu.memref_squeeze %dma_start3A_702 : memref<1x128xi32, #tpu.memory_space<vmem>> -> memref<128xi32, #tpu.memory_space<vmem>>
      %dma_start3A_704 = tpu.memref_slice %arg2[%add3A_699] : memref<320000xi32, #tpu.memory_space<hbm>> -> memref<128xi32, #tpu.memory_space<hbm>>
      %dma_start3A_705 = arith.constant 0 : i32
      %dma_start3A_706 = tpu.memref_slice %arg6[%dma_start3A_700, %dma_start3A_705] : memref<6x128xi32, #tpu.memory_space<vmem>> -> memref<1x128xi32, #tpu.memory_space<vmem>>
      %dma_start3A_707 = tpu.memref_squeeze %dma_start3A_706 : memref<1x128xi32, #tpu.memory_space<vmem>> -> memref<128xi32, #tpu.memory_space<vmem>>
      %dma_start3A_708 = tpu.memref_slice %arg2[%add3A_699] : memref<320000xi32, #tpu.memory_space<hbm>> -> memref<128xi32, #tpu.memory_space<hbm>>
      tpu.enqueue_dma source(%dma_start3A_708 : memref<128xi32, #tpu.memory_space<hbm>>) target(%dma_start3A_707 : memref<128xi32, #tpu.memory_space<vmem>>) target_semaphore(%arg13 : memref<!tpu.dma_semaphore, #tpu.memory_space<semaphore_mem>>)
      %mul3A_709 = arith.constant 16 : i32
      %mul3A_710 = arith.muli %add3A_699, %mul3A_709 : i32
      %dma_start3A_711 = arith.constant 0 : i32
      %dma_start3A_712 = arith.constant 0 : i32
      %dma_start3A_713 = tpu.memref_slice %arg7[%dma_start3A_711, %dma_start3A_712] : memref<6x2048xbf16, #tpu.memory_space<vmem>> -> memref<1x2048xbf16, #tpu.memory_space<vmem>>
      %dma_start3A_714 = tpu.memref_squeeze %dma_start3A_713 : memref<1x2048xbf16, #tpu.memory_space<vmem>> -> memref<2048xbf16, #tpu.memory_space<vmem>>
      %dma_start3A_715 = tpu.memref_slice %arg3[%mul3A_710] : memref<5120000xbf16, #tpu.memory_space<hbm>> -> memref<2048xbf16, #tpu.memory_space<hbm>>
      %dma_start3A_716 = arith.constant 0 : i32
      %dma_start3A_717 = tpu.memref_slice %arg7[%dma_start3A_711, %dma_start3A_716] : memref<6x2048xbf16, #tpu.memory_space<vmem>> -> memref<1x2048xbf16, #tpu.memory_space<vmem>>
      %dma_start3A_718 = tpu.memref_squeeze %dma_start3A_717 : memref<1x2048xbf16, #tpu.memory_space<vmem>> -> memref<2048xbf16, #tpu.memory_space<vmem>>
      %dma_start3A_719 = tpu.memref_slice %arg3[%mul3A_710] : memref<5120000xbf16, #tpu.memory_space<hbm>> -> memref<2048xbf16, #tpu.memory_space<hbm>>
      tpu.enqueue_dma source(%dma_start3A_719 : memref<2048xbf16, #tpu.memory_space<hbm>>) target(%dma_start3A_718 : memref<2048xbf16, #tpu.memory_space<vmem>>) target_semaphore(%arg13 : memref<!tpu.dma_semaphore, #tpu.memory_space<semaphore_mem>>)
      %add3A_720 = arith.constant 1 : i32
      %add3A_721 = arith.addi %min3A_694, %add3A_720 : i32
      %mul3A_722 = arith.constant 128 : i32
      %mul3A_723 = arith.muli %add3A_721, %mul3A_722 : i32
      %add3A_724 = arith.addi %mul3A_4, %mul3A_723 : i32
      %dma_start3A_725 = arith.constant 1 : i32
      %dma_start3A_726 = arith.constant 0 : i32
      %dma_start3A_727 = tpu.memref_slice %arg6[%dma_start3A_725, %dma_start3A_726] : memref<6x128xi32, #tpu.memory_space<vmem>> -> memref<1x128xi32, #tpu.memory_space<vmem>>
      %dma_start3A_728 = tpu.memref_squeeze %dma_start3A_727 : memref<1x128xi32, #tpu.memory_space<vmem>> -> memref<128xi32, #tpu.memory_space<vmem>>
      %dma_start3A_729 = tpu.memref_slice %arg2[%add3A_724] : memref<320000xi32, #tpu.memory_space<hbm>> -> memref<128xi32, #tpu.memory_space<hbm>>
      %dma_start3A_730 = arith.constant 0 : i32
      %dma_start3A_731 = tpu.memref_slice %arg6[%dma_start3A_725, %dma_start3A_730] : memref<6x128xi32, #tpu.memory_space<vmem>> -> memref<1x128xi32, #tpu.memory_space<vmem>>
      %dma_start3A_732 = tpu.memref_squeeze %dma_start3A_731 : memref<1x128xi32, #tpu.memory_space<vmem>> -> memref<128xi32, #tpu.memory_space<vmem>>
      %dma_start3A_733 = tpu.memref_slice %arg2[%add3A_724] : memref<320000xi32, #tpu.memory_space<hbm>> -> memref<128xi32, #tpu.memory_space<hbm>>
      tpu.enqueue_dma source(%dma_start3A_733 : memref<128xi32, #tpu.memory_space<hbm>>) target(%dma_start3A_732 : memref<128xi32, #tpu.memory_space<vmem>>) target_semaphore(%arg13 : memref<!tpu.dma_semaphore, #tpu.memory_space<semaphore_mem>>)
      %mul3A_734 = arith.constant 16 : i32
      %mul3A_735 = arith.muli %add3A_724, %mul3A_734 : i32
      %dma_start3A_736 = arith.constant 1 : i32
      %dma_start3A_737 = arith.constant 0 : i32
      %dma_start3A_738 = tpu.memref_slice %arg7[%dma_start3A_736, %dma_start3A_737] : memref<6x2048xbf16, #tpu.memory_space<vmem>> -> memref<1x2048xbf16, #tpu.memory_space<vmem>>
      %dma_start3A_739 = tpu.memref_squeeze %dma_start3A_738 : memref<1x2048xbf16, #tpu.memory_space<vmem>> -> memref<2048xbf16, #tpu.memory_space<vmem>>
      %dma_start3A_740 = tpu.memref_slice %arg3[%mul3A_735] : memref<5120000xbf16, #tpu.memory_space<hbm>> -> memref<2048xbf16, #tpu.memory_space<hbm>>
      %dma_start3A_741 = arith.constant 0 : i32
      %dma_start3A_742 = tpu.memref_slice %arg7[%dma_start3A_736, %dma_start3A_741] : memref<6x2048xbf16, #tpu.memory_space<vmem>> -> memref<1x2048xbf16, #tpu.memory_space<vmem>>
      %dma_start3A_743 = tpu.memref_squeeze %dma_start3A_742 : memref<1x2048xbf16, #tpu.memory_space<vmem>> -> memref<2048xbf16, #tpu.memory_space<vmem>>
      %dma_start3A_744 = tpu.memref_slice %arg3[%mul3A_735] : memref<5120000xbf16, #tpu.memory_space<hbm>> -> memref<2048xbf16, #tpu.memory_space<hbm>>
      tpu.enqueue_dma source(%dma_start3A_744 : memref<2048xbf16, #tpu.memory_space<hbm>>) target(%dma_start3A_743 : memref<2048xbf16, #tpu.memory_space<vmem>>) target_semaphore(%arg13 : memref<!tpu.dma_semaphore, #tpu.memory_space<semaphore_mem>>)
      %add3A_745 = arith.constant 2 : i32
      %add3A_746 = arith.addi %min3A_694, %add3A_745 : i32
      %mul3A_747 = arith.constant 128 : i32
      %mul3A_748 = arith.muli %add3A_746, %mul3A_747 : i32
      %add3A_749 = arith.addi %mul3A_4, %mul3A_748 : i32
      %dma_start3A_750 = arith.constant 2 : i32
      %dma_start3A_751 = arith.constant 0 : i32
      %dma_start3A_752 = tpu.memref_slice %arg6[%dma_start3A_750, %dma_start3A_751] : memref<6x128xi32, #tpu.memory_space<vmem>> -> memref<1x128xi32, #tpu.memory_space<vmem>>
      %dma_start3A_753 = tpu.memref_squeeze %dma_start3A_752 : memref<1x128xi32, #tpu.memory_space<vmem>> -> memref<128xi32, #tpu.memory_space<vmem>>
      %dma_start3A_754 = tpu.memref_slice %arg2[%add3A_749] : memref<320000xi32, #tpu.memory_space<hbm>> -> memref<128xi32, #tpu.memory_space<hbm>>
      %dma_start3A_755 = arith.constant 0 : i32
      %dma_start3A_756 = tpu.memref_slice %arg6[%dma_start3A_750, %dma_start3A_755] : memref<6x128xi32, #tpu.memory_space<vmem>> -> memref<1x128xi32, #tpu.memory_space<vmem>>
      %dma_start3A_757 = tpu.memref_squeeze %dma_start3A_756 : memref<1x128xi32, #tpu.memory_space<vmem>> -> memref<128xi32, #tpu.memory_space<vmem>>
      %dma_start3A_758 = tpu.memref_slice %arg2[%add3A_749] : memref<320000xi32, #tpu.memory_space<hbm>> -> memref<128xi32, #tpu.memory_space<hbm>>
      tpu.enqueue_dma source(%dma_start3A_758 : memref<128xi32, #tpu.memory_space<hbm>>) target(%dma_start3A_757 : memref<128xi32, #tpu.memory_space<vmem>>) target_semaphore(%arg13 : memref<!tpu.dma_semaphore, #tpu.memory_space<semaphore_mem>>)
      %mul3A_759 = arith.constant 16 : i32
      %mul3A_760 = arith.muli %add3A_749, %mul3A_759 : i32
      %dma_start3A_761 = arith.constant 2 : i32
      %dma_start3A_762 = arith.constant 0 : i32
      %dma_start3A_763 = tpu.memref_slice %arg7[%dma_start3A_761, %dma_start3A_762] : memref<6x2048xbf16, #tpu.memory_space<vmem>> -> memref<1x2048xbf16, #tpu.memory_space<vmem>>
      %dma_start3A_764 = tpu.memref_squeeze %dma_start3A_763 : memref<1x2048xbf16, #tpu.memory_space<vmem>> -> memref<2048xbf16, #tpu.memory_space<vmem>>
      %dma_start3A_765 = tpu.memref_slice %arg3[%mul3A_760] : memref<5120000xbf16, #tpu.memory_space<hbm>> -> memref<2048xbf16, #tpu.memory_space<hbm>>
      %dma_start3A_766 = arith.constant 0 : i32
      %dma_start3A_767 = tpu.memref_slice %arg7[%dma_start3A_761, %dma_start3A_766] : memref<6x2048xbf16, #tpu.memory_space<vmem>> -> memref<1x2048xbf16, #tpu.memory_space<vmem>>
      %dma_start3A_768 = tpu.memref_squeeze %dma_start3A_767 : memref<1x2048xbf16, #tpu.memory_space<vmem>> -> memref<2048xbf16, #tpu.memory_space<vmem>>
      %dma_start3A_769 = tpu.memref_slice %arg3[%mul3A_760] : memref<5120000xbf16, #tpu.memory_space<hbm>> -> memref<2048xbf16, #tpu.memory_space<hbm>>
      tpu.enqueue_dma source(%dma_start3A_769 : memref<2048xbf16, #tpu.memory_space<hbm>>) target(%dma_start3A_768 : memref<2048xbf16, #tpu.memory_space<vmem>>) target_semaphore(%arg13 : memref<!tpu.dma_semaphore, #tpu.memory_space<semaphore_mem>>)
      %add3A_770 = arith.constant 3 : i32
      %add3A_771 = arith.addi %min3A_694, %add3A_770 : i32
      %mul3A_772 = arith.constant 128 : i32
      %mul3A_773 = arith.muli %add3A_771, %mul3A_772 : i32
      %add3A_774 = arith.addi %mul3A_4, %mul3A_773 : i32
      %dma_start3A_775 = arith.constant 3 : i32
      %dma_start3A_776 = arith.constant 0 : i32
      %dma_start3A_777 = tpu.memref_slice %arg6[%dma_start3A_775, %dma_start3A_776] : memref<6x128xi32, #tpu.memory_space<vmem>> -> memref<1x128xi32, #tpu.memory_space<vmem>>
      %dma_start3A_778 = tpu.memref_squeeze %dma_start3A_777 : memref<1x128xi32, #tpu.memory_space<vmem>> -> memref<128xi32, #tpu.memory_space<vmem>>
      %dma_start3A_779 = tpu.memref_slice %arg2[%add3A_774] : memref<320000xi32, #tpu.memory_space<hbm>> -> memref<128xi32, #tpu.memory_space<hbm>>
      %dma_start3A_780 = arith.constant 0 : i32
      %dma_start3A_781 = tpu.memref_slice %arg6[%dma_start3A_775, %dma_start3A_780] : memref<6x128xi32, #tpu.memory_space<vmem>> -> memref<1x128xi32, #tpu.memory_space<vmem>>
      %dma_start3A_782 = tpu.memref_squeeze %dma_start3A_781 : memref<1x128xi32, #tpu.memory_space<vmem>> -> memref<128xi32, #tpu.memory_space<vmem>>
      %dma_start3A_783 = tpu.memref_slice %arg2[%add3A_774] : memref<320000xi32, #tpu.memory_space<hbm>> -> memref<128xi32, #tpu.memory_space<hbm>>
      tpu.enqueue_dma source(%dma_start3A_783 : memref<128xi32, #tpu.memory_space<hbm>>) target(%dma_start3A_782 : memref<128xi32, #tpu.memory_space<vmem>>) target_semaphore(%arg13 : memref<!tpu.dma_semaphore, #tpu.memory_space<semaphore_mem>>)
      %mul3A_784 = arith.constant 16 : i32
      %mul3A_785 = arith.muli %add3A_774, %mul3A_784 : i32
      %dma_start3A_786 = arith.constant 3 : i32
      %dma_start3A_787 = arith.constant 0 : i32
      %dma_start3A_788 = tpu.memref_slice %arg7[%dma_start3A_786, %dma_start3A_787] : memref<6x2048xbf16, #tpu.memory_space<vmem>> -> memref<1x2048xbf16, #tpu.memory_space<vmem>>
      %dma_start3A_789 = tpu.memref_squeeze %dma_start3A_788 : memref<1x2048xbf16, #tpu.memory_space<vmem>> -> memref<2048xbf16, #tpu.memory_space<vmem>>
      %dma_start3A_790 = tpu.memref_slice %arg3[%mul3A_785] : memref<5120000xbf16, #tpu.memory_space<hbm>> -> memref<2048xbf16, #tpu.memory_space<hbm>>
      %dma_start3A_791 = arith.constant 0 : i32
      %dma_start3A_792 = tpu.memref_slice %arg7[%dma_start3A_786, %dma_start3A_791] : memref<6x2048xbf16, #tpu.memory_space<vmem>> -> memref<1x2048xbf16, #tpu.memory_space<vmem>>
      %dma_start3A_793 = tpu.memref_squeeze %dma_start3A_792 : memref<1x2048xbf16, #tpu.memory_space<vmem>> -> memref<2048xbf16, #tpu.memory_space<vmem>>
      %dma_start3A_794 = tpu.memref_slice %arg3[%mul3A_785] : memref<5120000xbf16, #tpu.memory_space<hbm>> -> memref<2048xbf16, #tpu.memory_space<hbm>>
      tpu.enqueue_dma source(%dma_start3A_794 : memref<2048xbf16, #tpu.memory_space<hbm>>) target(%dma_start3A_793 : memref<2048xbf16, #tpu.memory_space<vmem>>) target_semaphore(%arg13 : memref<!tpu.dma_semaphore, #tpu.memory_space<semaphore_mem>>)
      %add3A_795 = arith.constant 4 : i32
      %add3A_796 = arith.addi %min3A_694, %add3A_795 : i32
      %mul3A_797 = arith.constant 128 : i32
      %mul3A_798 = arith.muli %add3A_796, %mul3A_797 : i32
      %add3A_799 = arith.addi %mul3A_4, %mul3A_798 : i32
      %dma_start3A_800 = arith.constant 4 : i32
      %dma_start3A_801 = arith.constant 0 : i32
      %dma_start3A_802 = tpu.memref_slice %arg6[%dma_start3A_800, %dma_start3A_801] : memref<6x128xi32, #tpu.memory_space<vmem>> -> memref<1x128xi32, #tpu.memory_space<vmem>>
      %dma_start3A_803 = tpu.memref_squeeze %dma_start3A_802 : memref<1x128xi32, #tpu.memory_space<vmem>> -> memref<128xi32, #tpu.memory_space<vmem>>
      %dma_start3A_804 = tpu.memref_slice %arg2[%add3A_799] : memref<320000xi32, #tpu.memory_space<hbm>> -> memref<128xi32, #tpu.memory_space<hbm>>
      %dma_start3A_805 = arith.constant 0 : i32
      %dma_start3A_806 = tpu.memref_slice %arg6[%dma_start3A_800, %dma_start3A_805] : memref<6x128xi32, #tpu.memory_space<vmem>> -> memref<1x128xi32, #tpu.memory_space<vmem>>
      %dma_start3A_807 = tpu.memref_squeeze %dma_start3A_806 : memref<1x128xi32, #tpu.memory_space<vmem>> -> memref<128xi32, #tpu.memory_space<vmem>>
      %dma_start3A_808 = tpu.memref_slice %arg2[%add3A_799] : memref<320000xi32, #tpu.memory_space<hbm>> -> memref<128xi32, #tpu.memory_space<hbm>>
      tpu.enqueue_dma source(%dma_start3A_808 : memref<128xi32, #tpu.memory_space<hbm>>) target(%dma_start3A_807 : memref<128xi32, #tpu.memory_space<vmem>>) target_semaphore(%arg13 : memref<!tpu.dma_semaphore, #tpu.memory_space<semaphore_mem>>)
      %mul3A_809 = arith.constant 16 : i32
      %mul3A_810 = arith.muli %add3A_799, %mul3A_809 : i32
      %dma_start3A_811 = arith.constant 4 : i32
      %dma_start3A_812 = arith.constant 0 : i32
      %dma_start3A_813 = tpu.memref_slice %arg7[%dma_start3A_811, %dma_start3A_812] : memref<6x2048xbf16, #tpu.memory_space<vmem>> -> memref<1x2048xbf16, #tpu.memory_space<vmem>>
      %dma_start3A_814 = tpu.memref_squeeze %dma_start3A_813 : memref<1x2048xbf16, #tpu.memory_space<vmem>> -> memref<2048xbf16, #tpu.memory_space<vmem>>
      %dma_start3A_815 = tpu.memref_slice %arg3[%mul3A_810] : memref<5120000xbf16, #tpu.memory_space<hbm>> -> memref<2048xbf16, #tpu.memory_space<hbm>>
      %dma_start3A_816 = arith.constant 0 : i32
      %dma_start3A_817 = tpu.memref_slice %arg7[%dma_start3A_811, %dma_start3A_816] : memref<6x2048xbf16, #tpu.memory_space<vmem>> -> memref<1x2048xbf16, #tpu.memory_space<vmem>>
      %dma_start3A_818 = tpu.memref_squeeze %dma_start3A_817 : memref<1x2048xbf16, #tpu.memory_space<vmem>> -> memref<2048xbf16, #tpu.memory_space<vmem>>
      %dma_start3A_819 = tpu.memref_slice %arg3[%mul3A_810] : memref<5120000xbf16, #tpu.memory_space<hbm>> -> memref<2048xbf16, #tpu.memory_space<hbm>>
      tpu.enqueue_dma source(%dma_start3A_819 : memref<2048xbf16, #tpu.memory_space<hbm>>) target(%dma_start3A_818 : memref<2048xbf16, #tpu.memory_space<vmem>>) target_semaphore(%arg13 : memref<!tpu.dma_semaphore, #tpu.memory_space<semaphore_mem>>)
      %add3A_820 = arith.constant 5 : i32
      %add3A_821 = arith.addi %min3A_694, %add3A_820 : i32
      %mul3A_822 = arith.constant 128 : i32
      %mul3A_823 = arith.muli %add3A_821, %mul3A_822 : i32
      %add3A_824 = arith.addi %mul3A_4, %mul3A_823 : i32
      %dma_start3A_825 = arith.constant 5 : i32
      %dma_start3A_826 = arith.constant 0 : i32
      %dma_start3A_827 = tpu.memref_slice %arg6[%dma_start3A_825, %dma_start3A_826] : memref<6x128xi32, #tpu.memory_space<vmem>> -> memref<1x128xi32, #tpu.memory_space<vmem>>
      %dma_start3A_828 = tpu.memref_squeeze %dma_start3A_827 : memref<1x128xi32, #tpu.memory_space<vmem>> -> memref<128xi32, #tpu.memory_space<vmem>>
      %dma_start3A_829 = tpu.memref_slice %arg2[%add3A_824] : memref<320000xi32, #tpu.memory_space<hbm>> -> memref<128xi32, #tpu.memory_space<hbm>>
      %dma_start3A_830 = arith.constant 0 : i32
      %dma_start3A_831 = tpu.memref_slice %arg6[%dma_start3A_825, %dma_start3A_830] : memref<6x128xi32, #tpu.memory_space<vmem>> -> memref<1x128xi32, #tpu.memory_space<vmem>>
      %dma_start3A_832 = tpu.memref_squeeze %dma_start3A_831 : memref<1x128xi32, #tpu.memory_space<vmem>> -> memref<128xi32, #tpu.memory_space<vmem>>
      %dma_start3A_833 = tpu.memref_slice %arg2[%add3A_824] : memref<320000xi32, #tpu.memory_space<hbm>> -> memref<128xi32, #tpu.memory_space<hbm>>
      tpu.enqueue_dma source(%dma_start3A_833 : memref<128xi32, #tpu.memory_space<hbm>>) target(%dma_start3A_832 : memref<128xi32, #tpu.memory_space<vmem>>) target_semaphore(%arg13 : memref<!tpu.dma_semaphore, #tpu.memory_space<semaphore_mem>>)
      %mul3A_834 = arith.constant 16 : i32
      %mul3A_835 = arith.muli %add3A_824, %mul3A_834 : i32
      %dma_start3A_836 = arith.constant 5 : i32
      %dma_start3A_837 = arith.constant 0 : i32
      %dma_start3A_838 = tpu.memref_slice %arg7[%dma_start3A_836, %dma_start3A_837] : memref<6x2048xbf16, #tpu.memory_space<vmem>> -> memref<1x2048xbf16, #tpu.memory_space<vmem>>
      %dma_start3A_839 = tpu.memref_squeeze %dma_start3A_838 : memref<1x2048xbf16, #tpu.memory_space<vmem>> -> memref<2048xbf16, #tpu.memory_space<vmem>>
      %dma_start3A_840 = tpu.memref_slice %arg3[%mul3A_835] : memref<5120000xbf16, #tpu.memory_space<hbm>> -> memref<2048xbf16, #tpu.memory_space<hbm>>
      %dma_start3A_841 = arith.constant 0 : i32
      %dma_start3A_842 = tpu.memref_slice %arg7[%dma_start3A_836, %dma_start3A_841] : memref<6x2048xbf16, #tpu.memory_space<vmem>> -> memref<1x2048xbf16, #tpu.memory_space<vmem>>
      %dma_start3A_843 = tpu.memref_squeeze %dma_start3A_842 : memref<1x2048xbf16, #tpu.memory_space<vmem>> -> memref<2048xbf16, #tpu.memory_space<vmem>>
      %dma_start3A_844 = tpu.memref_slice %arg3[%mul3A_835] : memref<5120000xbf16, #tpu.memory_space<hbm>> -> memref<2048xbf16, #tpu.memory_space<hbm>>
      tpu.enqueue_dma source(%dma_start3A_844 : memref<2048xbf16, #tpu.memory_space<hbm>>) target(%dma_start3A_843 : memref<2048xbf16, #tpu.memory_space<vmem>>) target_semaphore(%arg13 : memref<!tpu.dma_semaphore, #tpu.memory_space<semaphore_mem>>)
      %scan3A_845 = arith.constant 0 : i32
      scf.yield %scan3A_845 : i32
    }
    %scan3A_141 = arith.constant 13 : i32
    %dma_wait3A = arith.constant 0 : i32
    %dma_wait3A_142 = arith.constant 0 : i32
    %dma_wait3A_143 = tpu.memref_slice %arg6[%dma_wait3A, %dma_wait3A_142] : memref<6x128xi32, #tpu.memory_space<vmem>> -> memref<1x128xi32, #tpu.memory_space<vmem>>
    %dma_wait3A_144 = tpu.memref_squeeze %dma_wait3A_143 : memref<1x128xi32, #tpu.memory_space<vmem>> -> memref<128xi32, #tpu.memory_space<vmem>>
    %dma_wait3A_145 = arith.constant 0 : i32
    %dma_wait3A_146 = tpu.memref_slice %arg2[%dma_wait3A_145] : memref<320000xi32, #tpu.memory_space<hbm>> -> memref<128xi32, #tpu.memory_space<hbm>>
    %dma_wait3A_147 = arith.constant 0 : i32
    %dma_wait3A_148 = tpu.memref_slice %arg6[%dma_wait3A, %dma_wait3A_147] : memref<6x128xi32, #tpu.memory_space<vmem>> -> memref<1x128xi32, #tpu.memory_space<vmem>>
    %dma_wait3A_149 = tpu.memref_squeeze %dma_wait3A_148 : memref<1x128xi32, #tpu.memory_space<vmem>> -> memref<128xi32, #tpu.memory_space<vmem>>
    %dma_wait3A_150 = arith.constant 0 : i32
    %dma_wait3A_151 = tpu.memref_slice %arg2[%dma_wait3A_150] : memref<320000xi32, #tpu.memory_space<hbm>> -> memref<128xi32, #tpu.memory_space<hbm>>
    tpu.wait_dma2 semaphore(%arg13 : memref<!tpu.dma_semaphore, #tpu.memory_space<semaphore_mem>>) src(%dma_wait3A_151 : memref<128xi32, #tpu.memory_space<hbm>>) dst(%dma_wait3A_149 : memref<128xi32, #tpu.memory_space<vmem>>)
    %dma_wait3A_152 = arith.constant 0 : i32
    %dma_wait3A_153 = arith.constant 0 : i32
    %dma_wait3A_154 = tpu.memref_slice %arg7[%dma_wait3A_152, %dma_wait3A_153] : memref<6x2048xbf16, #tpu.memory_space<vmem>> -> memref<1x2048xbf16, #tpu.memory_space<vmem>>
    %dma_wait3A_155 = tpu.memref_squeeze %dma_wait3A_154 : memref<1x2048xbf16, #tpu.memory_space<vmem>> -> memref<2048xbf16, #tpu.memory_space<vmem>>
    %dma_wait3A_156 = arith.constant 0 : i32
    %dma_wait3A_157 = tpu.memref_slice %arg3[%dma_wait3A_156] : memref<5120000xbf16, #tpu.memory_space<hbm>> -> memref<2048xbf16, #tpu.memory_space<hbm>>
    %dma_wait3A_158 = arith.constant 0 : i32
    %dma_wait3A_159 = tpu.memref_slice %arg7[%dma_wait3A_152, %dma_wait3A_158] : memref<6x2048xbf16, #tpu.memory_space<vmem>> -> memref<1x2048xbf16, #tpu.memory_space<vmem>>
    %dma_wait3A_160 = tpu.memref_squeeze %dma_wait3A_159 : memref<1x2048xbf16, #tpu.memory_space<vmem>> -> memref<2048xbf16, #tpu.memory_space<vmem>>
    %dma_wait3A_161 = arith.constant 0 : i32
    %dma_wait3A_162 = tpu.memref_slice %arg3[%dma_wait3A_161] : memref<5120000xbf16, #tpu.memory_space<hbm>> -> memref<2048xbf16, #tpu.memory_space<hbm>>
    tpu.wait_dma2 semaphore(%arg13 : memref<!tpu.dma_semaphore, #tpu.memory_space<semaphore_mem>>) src(%dma_wait3A_162 : memref<2048xbf16, #tpu.memory_space<hbm>>) dst(%dma_wait3A_160 : memref<2048xbf16, #tpu.memory_space<vmem>>)
    %dma_wait3A_163 = arith.constant 1 : i32
    %dma_wait3A_164 = arith.constant 0 : i32
    %dma_wait3A_165 = tpu.memref_slice %arg6[%dma_wait3A_163, %dma_wait3A_164] : memref<6x128xi32, #tpu.memory_space<vmem>> -> memref<1x128xi32, #tpu.memory_space<vmem>>
    %dma_wait3A_166 = tpu.memref_squeeze %dma_wait3A_165 : memref<1x128xi32, #tpu.memory_space<vmem>> -> memref<128xi32, #tpu.memory_space<vmem>>
    %dma_wait3A_167 = arith.constant 0 : i32
    %dma_wait3A_168 = tpu.memref_slice %arg2[%dma_wait3A_167] : memref<320000xi32, #tpu.memory_space<hbm>> -> memref<128xi32, #tpu.memory_space<hbm>>
    %dma_wait3A_169 = arith.constant 0 : i32
    %dma_wait3A_170 = tpu.memref_slice %arg6[%dma_wait3A_163, %dma_wait3A_169] : memref<6x128xi32, #tpu.memory_space<vmem>> -> memref<1x128xi32, #tpu.memory_space<vmem>>
    %dma_wait3A_171 = tpu.memref_squeeze %dma_wait3A_170 : memref<1x128xi32, #tpu.memory_space<vmem>> -> memref<128xi32, #tpu.memory_space<vmem>>
    %dma_wait3A_172 = arith.constant 0 : i32
    %dma_wait3A_173 = tpu.memref_slice %arg2[%dma_wait3A_172] : memref<320000xi32, #tpu.memory_space<hbm>> -> memref<128xi32, #tpu.memory_space<hbm>>
    tpu.wait_dma2 semaphore(%arg13 : memref<!tpu.dma_semaphore, #tpu.memory_space<semaphore_mem>>) src(%dma_wait3A_173 : memref<128xi32, #tpu.memory_space<hbm>>) dst(%dma_wait3A_171 : memref<128xi32, #tpu.memory_space<vmem>>)
    %dma_wait3A_174 = arith.constant 1 : i32
    %dma_wait3A_175 = arith.constant 0 : i32
    %dma_wait3A_176 = tpu.memref_slice %arg7[%dma_wait3A_174, %dma_wait3A_175] : memref<6x2048xbf16, #tpu.memory_space<vmem>> -> memref<1x2048xbf16, #tpu.memory_space<vmem>>
    %dma_wait3A_177 = tpu.memref_squeeze %dma_wait3A_176 : memref<1x2048xbf16, #tpu.memory_space<vmem>> -> memref<2048xbf16, #tpu.memory_space<vmem>>
    %dma_wait3A_178 = arith.constant 0 : i32
    %dma_wait3A_179 = tpu.memref_slice %arg3[%dma_wait3A_178] : memref<5120000xbf16, #tpu.memory_space<hbm>> -> memref<2048xbf16, #tpu.memory_space<hbm>>
    %dma_wait3A_180 = arith.constant 0 : i32
    %dma_wait3A_181 = tpu.memref_slice %arg7[%dma_wait3A_174, %dma_wait3A_180] : memref<6x2048xbf16, #tpu.memory_space<vmem>> -> memref<1x2048xbf16, #tpu.memory_space<vmem>>
    %dma_wait3A_182 = tpu.memref_squeeze %dma_wait3A_181 : memref<1x2048xbf16, #tpu.memory_space<vmem>> -> memref<2048xbf16, #tpu.memory_space<vmem>>
    %dma_wait3A_183 = arith.constant 0 : i32
    %dma_wait3A_184 = tpu.memref_slice %arg3[%dma_wait3A_183] : memref<5120000xbf16, #tpu.memory_space<hbm>> -> memref<2048xbf16, #tpu.memory_space<hbm>>
    tpu.wait_dma2 semaphore(%arg13 : memref<!tpu.dma_semaphore, #tpu.memory_space<semaphore_mem>>) src(%dma_wait3A_184 : memref<2048xbf16, #tpu.memory_space<hbm>>) dst(%dma_wait3A_182 : memref<2048xbf16, #tpu.memory_space<vmem>>)
    %dma_wait3A_185 = arith.constant 2 : i32
    %dma_wait3A_186 = arith.constant 0 : i32
    %dma_wait3A_187 = tpu.memref_slice %arg6[%dma_wait3A_185, %dma_wait3A_186] : memref<6x128xi32, #tpu.memory_space<vmem>> -> memref<1x128xi32, #tpu.memory_space<vmem>>
    %dma_wait3A_188 = tpu.memref_squeeze %dma_wait3A_187 : memref<1x128xi32, #tpu.memory_space<vmem>> -> memref<128xi32, #tpu.memory_space<vmem>>
    %dma_wait3A_189 = arith.constant 0 : i32
    %dma_wait3A_190 = tpu.memref_slice %arg2[%dma_wait3A_189] : memref<320000xi32, #tpu.memory_space<hbm>> -> memref<128xi32, #tpu.memory_space<hbm>>
    %dma_wait3A_191 = arith.constant 0 : i32
    %dma_wait3A_192 = tpu.memref_slice %arg6[%dma_wait3A_185, %dma_wait3A_191] : memref<6x128xi32, #tpu.memory_space<vmem>> -> memref<1x128xi32, #tpu.memory_space<vmem>>
    %dma_wait3A_193 = tpu.memref_squeeze %dma_wait3A_192 : memref<1x128xi32, #tpu.memory_space<vmem>> -> memref<128xi32, #tpu.memory_space<vmem>>
    %dma_wait3A_194 = arith.constant 0 : i32
    %dma_wait3A_195 = tpu.memref_slice %arg2[%dma_wait3A_194] : memref<320000xi32, #tpu.memory_space<hbm>> -> memref<128xi32, #tpu.memory_space<hbm>>
    tpu.wait_dma2 semaphore(%arg13 : memref<!tpu.dma_semaphore, #tpu.memory_space<semaphore_mem>>) src(%dma_wait3A_195 : memref<128xi32, #tpu.memory_space<hbm>>) dst(%dma_wait3A_193 : memref<128xi32, #tpu.memory_space<vmem>>)
    %dma_wait3A_196 = arith.constant 2 : i32
    %dma_wait3A_197 = arith.constant 0 : i32
    %dma_wait3A_198 = tpu.memref_slice %arg7[%dma_wait3A_196, %dma_wait3A_197] : memref<6x2048xbf16, #tpu.memory_space<vmem>> -> memref<1x2048xbf16, #tpu.memory_space<vmem>>
    %dma_wait3A_199 = tpu.memref_squeeze %dma_wait3A_198 : memref<1x2048xbf16, #tpu.memory_space<vmem>> -> memref<2048xbf16, #tpu.memory_space<vmem>>
    %dma_wait3A_200 = arith.constant 0 : i32
    %dma_wait3A_201 = tpu.memref_slice %arg3[%dma_wait3A_200] : memref<5120000xbf16, #tpu.memory_space<hbm>> -> memref<2048xbf16, #tpu.memory_space<hbm>>
    %dma_wait3A_202 = arith.constant 0 : i32
    %dma_wait3A_203 = tpu.memref_slice %arg7[%dma_wait3A_196, %dma_wait3A_202] : memref<6x2048xbf16, #tpu.memory_space<vmem>> -> memref<1x2048xbf16, #tpu.memory_space<vmem>>
    %dma_wait3A_204 = tpu.memref_squeeze %dma_wait3A_203 : memref<1x2048xbf16, #tpu.memory_space<vmem>> -> memref<2048xbf16, #tpu.memory_space<vmem>>
    %dma_wait3A_205 = arith.constant 0 : i32
    %dma_wait3A_206 = tpu.memref_slice %arg3[%dma_wait3A_205] : memref<5120000xbf16, #tpu.memory_space<hbm>> -> memref<2048xbf16, #tpu.memory_space<hbm>>
    tpu.wait_dma2 semaphore(%arg13 : memref<!tpu.dma_semaphore, #tpu.memory_space<semaphore_mem>>) src(%dma_wait3A_206 : memref<2048xbf16, #tpu.memory_space<hbm>>) dst(%dma_wait3A_204 : memref<2048xbf16, #tpu.memory_space<vmem>>)
    %dma_wait3A_207 = arith.constant 3 : i32
    %dma_wait3A_208 = arith.constant 0 : i32
    %dma_wait3A_209 = tpu.memref_slice %arg6[%dma_wait3A_207, %dma_wait3A_208] : memref<6x128xi32, #tpu.memory_space<vmem>> -> memref<1x128xi32, #tpu.memory_space<vmem>>
    %dma_wait3A_210 = tpu.memref_squeeze %dma_wait3A_209 : memref<1x128xi32, #tpu.memory_space<vmem>> -> memref<128xi32, #tpu.memory_space<vmem>>
    %dma_wait3A_211 = arith.constant 0 : i32
    %dma_wait3A_212 = tpu.memref_slice %arg2[%dma_wait3A_211] : memref<320000xi32, #tpu.memory_space<hbm>> -> memref<128xi32, #tpu.memory_space<hbm>>
    %dma_wait3A_213 = arith.constant 0 : i32
    %dma_wait3A_214 = tpu.memref_slice %arg6[%dma_wait3A_207, %dma_wait3A_213] : memref<6x128xi32, #tpu.memory_space<vmem>> -> memref<1x128xi32, #tpu.memory_space<vmem>>
    %dma_wait3A_215 = tpu.memref_squeeze %dma_wait3A_214 : memref<1x128xi32, #tpu.memory_space<vmem>> -> memref<128xi32, #tpu.memory_space<vmem>>
    %dma_wait3A_216 = arith.constant 0 : i32
    %dma_wait3A_217 = tpu.memref_slice %arg2[%dma_wait3A_216] : memref<320000xi32, #tpu.memory_space<hbm>> -> memref<128xi32, #tpu.memory_space<hbm>>
    tpu.wait_dma2 semaphore(%arg13 : memref<!tpu.dma_semaphore, #tpu.memory_space<semaphore_mem>>) src(%dma_wait3A_217 : memref<128xi32, #tpu.memory_space<hbm>>) dst(%dma_wait3A_215 : memref<128xi32, #tpu.memory_space<vmem>>)
    %dma_wait3A_218 = arith.constant 3 : i32
    %dma_wait3A_219 = arith.constant 0 : i32
    %dma_wait3A_220 = tpu.memref_slice %arg7[%dma_wait3A_218, %dma_wait3A_219] : memref<6x2048xbf16, #tpu.memory_space<vmem>> -> memref<1x2048xbf16, #tpu.memory_space<vmem>>
    %dma_wait3A_221 = tpu.memref_squeeze %dma_wait3A_220 : memref<1x2048xbf16, #tpu.memory_space<vmem>> -> memref<2048xbf16, #tpu.memory_space<vmem>>
    %dma_wait3A_222 = arith.constant 0 : i32
    %dma_wait3A_223 = tpu.memref_slice %arg3[%dma_wait3A_222] : memref<5120000xbf16, #tpu.memory_space<hbm>> -> memref<2048xbf16, #tpu.memory_space<hbm>>
    %dma_wait3A_224 = arith.constant 0 : i32
    %dma_wait3A_225 = tpu.memref_slice %arg7[%dma_wait3A_218, %dma_wait3A_224] : memref<6x2048xbf16, #tpu.memory_space<vmem>> -> memref<1x2048xbf16, #tpu.memory_space<vmem>>
    %dma_wait3A_226 = tpu.memref_squeeze %dma_wait3A_225 : memref<1x2048xbf16, #tpu.memory_space<vmem>> -> memref<2048xbf16, #tpu.memory_space<vmem>>
    %dma_wait3A_227 = arith.constant 0 : i32
    %dma_wait3A_228 = tpu.memref_slice %arg3[%dma_wait3A_227] : memref<5120000xbf16, #tpu.memory_space<hbm>> -> memref<2048xbf16, #tpu.memory_space<hbm>>
    tpu.wait_dma2 semaphore(%arg13 : memref<!tpu.dma_semaphore, #tpu.memory_space<semaphore_mem>>) src(%dma_wait3A_228 : memref<2048xbf16, #tpu.memory_space<hbm>>) dst(%dma_wait3A_226 : memref<2048xbf16, #tpu.memory_space<vmem>>)
    %dma_wait3A_229 = arith.constant 4 : i32
    %dma_wait3A_230 = arith.constant 0 : i32
    %dma_wait3A_231 = tpu.memref_slice %arg6[%dma_wait3A_229, %dma_wait3A_230] : memref<6x128xi32, #tpu.memory_space<vmem>> -> memref<1x128xi32, #tpu.memory_space<vmem>>
    %dma_wait3A_232 = tpu.memref_squeeze %dma_wait3A_231 : memref<1x128xi32, #tpu.memory_space<vmem>> -> memref<128xi32, #tpu.memory_space<vmem>>
    %dma_wait3A_233 = arith.constant 0 : i32
    %dma_wait3A_234 = tpu.memref_slice %arg2[%dma_wait3A_233] : memref<320000xi32, #tpu.memory_space<hbm>> -> memref<128xi32, #tpu.memory_space<hbm>>
    %dma_wait3A_235 = arith.constant 0 : i32
    %dma_wait3A_236 = tpu.memref_slice %arg6[%dma_wait3A_229, %dma_wait3A_235] : memref<6x128xi32, #tpu.memory_space<vmem>> -> memref<1x128xi32, #tpu.memory_space<vmem>>
    %dma_wait3A_237 = tpu.memref_squeeze %dma_wait3A_236 : memref<1x128xi32, #tpu.memory_space<vmem>> -> memref<128xi32, #tpu.memory_space<vmem>>
    %dma_wait3A_238 = arith.constant 0 : i32
    %dma_wait3A_239 = tpu.memref_slice %arg2[%dma_wait3A_238] : memref<320000xi32, #tpu.memory_space<hbm>> -> memref<128xi32, #tpu.memory_space<hbm>>
    tpu.wait_dma2 semaphore(%arg13 : memref<!tpu.dma_semaphore, #tpu.memory_space<semaphore_mem>>) src(%dma_wait3A_239 : memref<128xi32, #tpu.memory_space<hbm>>) dst(%dma_wait3A_237 : memref<128xi32, #tpu.memory_space<vmem>>)
    %dma_wait3A_240 = arith.constant 4 : i32
    %dma_wait3A_241 = arith.constant 0 : i32
    %dma_wait3A_242 = tpu.memref_slice %arg7[%dma_wait3A_240, %dma_wait3A_241] : memref<6x2048xbf16, #tpu.memory_space<vmem>> -> memref<1x2048xbf16, #tpu.memory_space<vmem>>
    %dma_wait3A_243 = tpu.memref_squeeze %dma_wait3A_242 : memref<1x2048xbf16, #tpu.memory_space<vmem>> -> memref<2048xbf16, #tpu.memory_space<vmem>>
    %dma_wait3A_244 = arith.constant 0 : i32
    %dma_wait3A_245 = tpu.memref_slice %arg3[%dma_wait3A_244] : memref<5120000xbf16, #tpu.memory_space<hbm>> -> memref<2048xbf16, #tpu.memory_space<hbm>>
    %dma_wait3A_246 = arith.constant 0 : i32
    %dma_wait3A_247 = tpu.memref_slice %arg7[%dma_wait3A_240, %dma_wait3A_246] : memref<6x2048xbf16, #tpu.memory_space<vmem>> -> memref<1x2048xbf16, #tpu.memory_space<vmem>>
    %dma_wait3A_248 = tpu.memref_squeeze %dma_wait3A_247 : memref<1x2048xbf16, #tpu.memory_space<vmem>> -> memref<2048xbf16, #tpu.memory_space<vmem>>
    %dma_wait3A_249 = arith.constant 0 : i32
    %dma_wait3A_250 = tpu.memref_slice %arg3[%dma_wait3A_249] : memref<5120000xbf16, #tpu.memory_space<hbm>> -> memref<2048xbf16, #tpu.memory_space<hbm>>
    tpu.wait_dma2 semaphore(%arg13 : memref<!tpu.dma_semaphore, #tpu.memory_space<semaphore_mem>>) src(%dma_wait3A_250 : memref<2048xbf16, #tpu.memory_space<hbm>>) dst(%dma_wait3A_248 : memref<2048xbf16, #tpu.memory_space<vmem>>)
    %dma_wait3A_251 = arith.constant 5 : i32
    %dma_wait3A_252 = arith.constant 0 : i32
    %dma_wait3A_253 = tpu.memref_slice %arg6[%dma_wait3A_251, %dma_wait3A_252] : memref<6x128xi32, #tpu.memory_space<vmem>> -> memref<1x128xi32, #tpu.memory_space<vmem>>
    %dma_wait3A_254 = tpu.memref_squeeze %dma_wait3A_253 : memref<1x128xi32, #tpu.memory_space<vmem>> -> memref<128xi32, #tpu.memory_space<vmem>>
    %dma_wait3A_255 = arith.constant 0 : i32
    %dma_wait3A_256 = tpu.memref_slice %arg2[%dma_wait3A_255] : memref<320000xi32, #tpu.memory_space<hbm>> -> memref<128xi32, #tpu.memory_space<hbm>>
    %dma_wait3A_257 = arith.constant 0 : i32
    %dma_wait3A_258 = tpu.memref_slice %arg6[%dma_wait3A_251, %dma_wait3A_257] : memref<6x128xi32, #tpu.memory_space<vmem>> -> memref<1x128xi32, #tpu.memory_space<vmem>>
    %dma_wait3A_259 = tpu.memref_squeeze %dma_wait3A_258 : memref<1x128xi32, #tpu.memory_space<vmem>> -> memref<128xi32, #tpu.memory_space<vmem>>
    %dma_wait3A_260 = arith.constant 0 : i32
    %dma_wait3A_261 = tpu.memref_slice %arg2[%dma_wait3A_260] : memref<320000xi32, #tpu.memory_space<hbm>> -> memref<128xi32, #tpu.memory_space<hbm>>
    tpu.wait_dma2 semaphore(%arg13 : memref<!tpu.dma_semaphore, #tpu.memory_space<semaphore_mem>>) src(%dma_wait3A_261 : memref<128xi32, #tpu.memory_space<hbm>>) dst(%dma_wait3A_259 : memref<128xi32, #tpu.memory_space<vmem>>)
    %dma_wait3A_262 = arith.constant 5 : i32
    %dma_wait3A_263 = arith.constant 0 : i32
    %dma_wait3A_264 = tpu.memref_slice %arg7[%dma_wait3A_262, %dma_wait3A_263] : memref<6x2048xbf16, #tpu.memory_space<vmem>> -> memref<1x2048xbf16, #tpu.memory_space<vmem>>
    %dma_wait3A_265 = tpu.memref_squeeze %dma_wait3A_264 : memref<1x2048xbf16, #tpu.memory_space<vmem>> -> memref<2048xbf16, #tpu.memory_space<vmem>>
    %dma_wait3A_266 = arith.constant 0 : i32
    %dma_wait3A_267 = tpu.memref_slice %arg3[%dma_wait3A_266] : memref<5120000xbf16, #tpu.memory_space<hbm>> -> memref<2048xbf16, #tpu.memory_space<hbm>>
    %dma_wait3A_268 = arith.constant 0 : i32
    %dma_wait3A_269 = tpu.memref_slice %arg7[%dma_wait3A_262, %dma_wait3A_268] : memref<6x2048xbf16, #tpu.memory_space<vmem>> -> memref<1x2048xbf16, #tpu.memory_space<vmem>>
    %dma_wait3A_270 = tpu.memref_squeeze %dma_wait3A_269 : memref<1x2048xbf16, #tpu.memory_space<vmem>> -> memref<2048xbf16, #tpu.memory_space<vmem>>
    %dma_wait3A_271 = arith.constant 0 : i32
    %dma_wait3A_272 = tpu.memref_slice %arg3[%dma_wait3A_271] : memref<5120000xbf16, #tpu.memory_space<hbm>> -> memref<2048xbf16, #tpu.memory_space<hbm>>
    tpu.wait_dma2 semaphore(%arg13 : memref<!tpu.dma_semaphore, #tpu.memory_space<semaphore_mem>>) src(%dma_wait3A_272 : memref<2048xbf16, #tpu.memory_space<hbm>>) dst(%dma_wait3A_270 : memref<2048xbf16, #tpu.memory_space<vmem>>)
    %add3A_273 = arith.constant 9984 : i32
    %add3A_274 = arith.addi %mul3A_4, %add3A_273 : i32
    "tpu.region"() ({
      %run_scoped3A_370 = tpu.sem_alloc : memref<!tpu.dma_semaphore, #tpu.memory_space<semaphore_mem>>
      %dma_start3A_371 = tpu.memref_slice %arg2[%add3A_274] : memref<320000xi32, #tpu.memory_space<hbm>> -> memref<16xi32, #tpu.memory_space<hbm>>
      %dma_start3A_372 = tpu.memref_slice %arg2[%add3A_274] : memref<320000xi32, #tpu.memory_space<hbm>> -> memref<16xi32, #tpu.memory_space<hbm>>
      tpu.enqueue_dma source(%dma_start3A_372 : memref<16xi32, #tpu.memory_space<hbm>>) target(%arg9 : memref<16xi32, #tpu.memory_space<vmem>>) target_semaphore(%run_scoped3A_370 : memref<!tpu.dma_semaphore, #tpu.memory_space<semaphore_mem>>)
      %dma_wait3A_373 = tpu.memref_slice %arg2[%add3A_274] : memref<320000xi32, #tpu.memory_space<hbm>> -> memref<16xi32, #tpu.memory_space<hbm>>
      %dma_wait3A_374 = tpu.memref_slice %arg2[%add3A_274] : memref<320000xi32, #tpu.memory_space<hbm>> -> memref<16xi32, #tpu.memory_space<hbm>>
      tpu.wait_dma2 semaphore(%run_scoped3A_370 : memref<!tpu.dma_semaphore, #tpu.memory_space<semaphore_mem>>) src(%dma_wait3A_374 : memref<16xi32, #tpu.memory_space<hbm>>) dst(%arg9 : memref<16xi32, #tpu.memory_space<vmem>>)
      tpu.yield
    }) : () -> ()
    %mul3A_275 = arith.constant 16 : i32
    %mul3A_276 = arith.muli %add3A_274, %mul3A_275 : i32
    %run_scoped3A = arith.constant 0 : i32
    "tpu.region"() ({
      %run_scoped3A_370 = tpu.sem_alloc : memref<!tpu.dma_semaphore, #tpu.memory_space<semaphore_mem>>
      %dma_start3A_371 = arith.constant 0 : i32
      %dma_start3A_372 = tpu.memref_slice %arg7[%run_scoped3A, %dma_start3A_371] : memref<6x2048xbf16, #tpu.memory_space<vmem>> -> memref<1x256xbf16, #tpu.memory_space<vmem>>
      %dma_start3A_373 = tpu.memref_squeeze %dma_start3A_372 : memref<1x256xbf16, #tpu.memory_space<vmem>> -> memref<256xbf16, #tpu.memory_space<vmem>>
      %dma_start3A_374 = tpu.memref_slice %arg3[%mul3A_276] : memref<5120000xbf16, #tpu.memory_space<hbm>> -> memref<256xbf16, #tpu.memory_space<hbm>>
      %dma_start3A_375 = arith.constant 0 : i32
      %dma_start3A_376 = tpu.memref_slice %arg7[%run_scoped3A, %dma_start3A_375] : memref<6x2048xbf16, #tpu.memory_space<vmem>> -> memref<1x256xbf16, #tpu.memory_space<vmem>>
      %dma_start3A_377 = tpu.memref_squeeze %dma_start3A_376 : memref<1x256xbf16, #tpu.memory_space<vmem>> -> memref<256xbf16, #tpu.memory_space<vmem>>
      %dma_start3A_378 = tpu.memref_slice %arg3[%mul3A_276] : memref<5120000xbf16, #tpu.memory_space<hbm>> -> memref<256xbf16, #tpu.memory_space<hbm>>
      tpu.enqueue_dma source(%dma_start3A_378 : memref<256xbf16, #tpu.memory_space<hbm>>) target(%dma_start3A_377 : memref<256xbf16, #tpu.memory_space<vmem>>) target_semaphore(%run_scoped3A_370 : memref<!tpu.dma_semaphore, #tpu.memory_space<semaphore_mem>>)
      %dma_wait3A_379 = arith.constant 0 : i32
      %dma_wait3A_380 = tpu.memref_slice %arg7[%run_scoped3A, %dma_wait3A_379] : memref<6x2048xbf16, #tpu.memory_space<vmem>> -> memref<1x256xbf16, #tpu.memory_space<vmem>>
      %dma_wait3A_381 = tpu.memref_squeeze %dma_wait3A_380 : memref<1x256xbf16, #tpu.memory_space<vmem>> -> memref<256xbf16, #tpu.memory_space<vmem>>
      %dma_wait3A_382 = tpu.memref_slice %arg3[%mul3A_276] : memref<5120000xbf16, #tpu.memory_space<hbm>> -> memref<256xbf16, #tpu.memory_space<hbm>>
      %dma_wait3A_383 = arith.constant 0 : i32
      %dma_wait3A_384 = tpu.memref_slice %arg7[%run_scoped3A, %dma_wait3A_383] : memref<6x2048xbf16, #tpu.memory_space<vmem>> -> memref<1x256xbf16, #tpu.memory_space<vmem>>
      %dma_wait3A_385 = tpu.memref_squeeze %dma_wait3A_384 : memref<1x256xbf16, #tpu.memory_space<vmem>> -> memref<256xbf16, #tpu.memory_space<vmem>>
      %dma_wait3A_386 = tpu.memref_slice %arg3[%mul3A_276] : memref<5120000xbf16, #tpu.memory_space<hbm>> -> memref<256xbf16, #tpu.memory_space<hbm>>
      tpu.wait_dma2 semaphore(%run_scoped3A_370 : memref<!tpu.dma_semaphore, #tpu.memory_space<semaphore_mem>>) src(%dma_wait3A_386 : memref<256xbf16, #tpu.memory_space<hbm>>) dst(%dma_wait3A_385 : memref<256xbf16, #tpu.memory_space<vmem>>)
      tpu.yield
    }) : () -> ()
    %get3A = arith.constant 0 : i32
    %get3A_277 = arith.index_cast %get3A : i32 to index
    %get3A_278 = arith.constant 0 : index
    %get3A_279 = tpu.vector_load %arg7[%get3A_277, %get3A_278] {strides = array<i32>} : memref<6x2048xbf16, #tpu.memory_space<vmem>>, vector<1x32xbf16>,
    %get3A_280 = vector.shape_cast %get3A_279 : vector<1x32xbf16> to vector<32xbf16>
    %reshape3A = vector.shape_cast %get3A_280 : vector<32xbf16> to vector<2x16xbf16>
    %swap3A = arith.constant 0 : index
    %swap3A_281 = arith.constant 0 : index
    %swap3A_282 = tpu.vector_load %arg10[%swap3A, %swap3A_281] {strides = array<i32>} : memref<16x16xbf16, #tpu.memory_space<vmem>>, vector<2x16xbf16>,
    %swap3A_283 = vector.shape_cast %swap3A_282 : vector<2x16xbf16> to vector<2x16xbf16>
    %swap3A_284 = vector.shape_cast %reshape3A : vector<2x16xbf16> to vector<2x16xbf16>
    tpu.vector_store %arg10[%swap3A, %swap3A_281], %swap3A_284 {strides = array<i32>} : memref<16x16xbf16, #tpu.memory_space<vmem>>, vector<2x16xbf16>,
    %get3A_285 = arith.constant 0 : i32
    %get3A_286 = arith.index_cast %get3A_285 : i32 to index
    %get3A_287 = arith.constant 32 : index
    %get3A_288 = tpu.vector_load %arg7[%get3A_286, %get3A_287] {strides = array<i32>} : memref<6x2048xbf16, #tpu.memory_space<vmem>>, vector<1x32xbf16>,
    %get3A_289 = vector.shape_cast %get3A_288 : vector<1x32xbf16> to vector<32xbf16>
    %reshape3A_290 = vector.shape_cast %get3A_289 : vector<32xbf16> to vector<2x16xbf16>
    %swap3A_291 = arith.constant 2 : index
    %swap3A_292 = arith.constant 0 : index
    %swap3A_293 = tpu.vector_load %arg10[%swap3A_291, %swap3A_292] {strides = array<i32>} : memref<16x16xbf16, #tpu.memory_space<vmem>>, vector<2x16xbf16>,
    %swap3A_294 = vector.shape_cast %swap3A_293 : vector<2x16xbf16> to vector<2x16xbf16>
    %swap3A_295 = vector.shape_cast %reshape3A_290 : vector<2x16xbf16> to vector<2x16xbf16>
    tpu.vector_store %arg10[%swap3A_291, %swap3A_292], %swap3A_295 {strides = array<i32>} : memref<16x16xbf16, #tpu.memory_space<vmem>>, vector<2x16xbf16>,
    %get3A_296 = arith.constant 0 : i32
    %get3A_297 = arith.index_cast %get3A_296 : i32 to index
    %get3A_298 = arith.constant 64 : index
    %get3A_299 = tpu.vector_load %arg7[%get3A_297, %get3A_298] {strides = array<i32>} : memref<6x2048xbf16, #tpu.memory_space<vmem>>, vector<1x32xbf16>,
    %get3A_300 = vector.shape_cast %get3A_299 : vector<1x32xbf16> to vector<32xbf16>
    %reshape3A_301 = vector.shape_cast %get3A_300 : vector<32xbf16> to vector<2x16xbf16>
    %swap3A_302 = arith.constant 4 : index
    %swap3A_303 = arith.constant 0 : index
    %swap3A_304 = tpu.vector_load %arg10[%swap3A_302, %swap3A_303] {strides = array<i32>} : memref<16x16xbf16, #tpu.memory_space<vmem>>, vector<2x16xbf16>,
    %swap3A_305 = vector.shape_cast %swap3A_304 : vector<2x16xbf16> to vector<2x16xbf16>
    %swap3A_306 = vector.shape_cast %reshape3A_301 : vector<2x16xbf16> to vector<2x16xbf16>
    tpu.vector_store %arg10[%swap3A_302, %swap3A_303], %swap3A_306 {strides = array<i32>} : memref<16x16xbf16, #tpu.memory_space<vmem>>, vector<2x16xbf16>,
    %get3A_307 = arith.constant 0 : i32
    %get3A_308 = arith.index_cast %get3A_307 : i32 to index
    %get3A_309 = arith.constant 96 : index
    %get3A_310 = tpu.vector_load %arg7[%get3A_308, %get3A_309] {strides = array<i32>} : memref<6x2048xbf16, #tpu.memory_space<vmem>>, vector<1x32xbf16>,
    %get3A_311 = vector.shape_cast %get3A_310 : vector<1x32xbf16> to vector<32xbf16>
    %reshape3A_312 = vector.shape_cast %get3A_311 : vector<32xbf16> to vector<2x16xbf16>
    %swap3A_313 = arith.constant 6 : index
    %swap3A_314 = arith.constant 0 : index
    %swap3A_315 = tpu.vector_load %arg10[%swap3A_313, %swap3A_314] {strides = array<i32>} : memref<16x16xbf16, #tpu.memory_space<vmem>>, vector<2x16xbf16>,
    %swap3A_316 = vector.shape_cast %swap3A_315 : vector<2x16xbf16> to vector<2x16xbf16>
    %swap3A_317 = vector.shape_cast %reshape3A_312 : vector<2x16xbf16> to vector<2x16xbf16>
    tpu.vector_store %arg10[%swap3A_313, %swap3A_314], %swap3A_317 {strides = array<i32>} : memref<16x16xbf16, #tpu.memory_space<vmem>>, vector<2x16xbf16>,
    %get3A_318 = arith.constant 0 : i32
    %get3A_319 = arith.index_cast %get3A_318 : i32 to index
    %get3A_320 = arith.constant 128 : index
    %get3A_321 = tpu.vector_load %arg7[%get3A_319, %get3A_320] {strides = array<i32>} : memref<6x2048xbf16, #tpu.memory_space<vmem>>, vector<1x32xbf16>,
    %get3A_322 = vector.shape_cast %get3A_321 : vector<1x32xbf16> to vector<32xbf16>
    %reshape3A_323 = vector.shape_cast %get3A_322 : vector<32xbf16> to vector<2x16xbf16>
    %swap3A_324 = arith.constant 8 : index
    %swap3A_325 = arith.constant 0 : index
    %swap3A_326 = tpu.vector_load %arg10[%swap3A_324, %swap3A_325] {strides = array<i32>} : memref<16x16xbf16, #tpu.memory_space<vmem>>, vector<2x16xbf16>,
    %swap3A_327 = vector.shape_cast %swap3A_326 : vector<2x16xbf16> to vector<2x16xbf16>
    %swap3A_328 = vector.shape_cast %reshape3A_323 : vector<2x16xbf16> to vector<2x16xbf16>
    tpu.vector_store %arg10[%swap3A_324, %swap3A_325], %swap3A_328 {strides = array<i32>} : memref<16x16xbf16, #tpu.memory_space<vmem>>, vector<2x16xbf16>,
    %get3A_329 = arith.constant 0 : i32
    %get3A_330 = arith.index_cast %get3A_329 : i32 to index
    %get3A_331 = arith.constant 160 : index
    %get3A_332 = tpu.vector_load %arg7[%get3A_330, %get3A_331] {strides = array<i32>} : memref<6x2048xbf16, #tpu.memory_space<vmem>>, vector<1x32xbf16>,
    %get3A_333 = vector.shape_cast %get3A_332 : vector<1x32xbf16> to vector<32xbf16>
    %reshape3A_334 = vector.shape_cast %get3A_333 : vector<32xbf16> to vector<2x16xbf16>
    %swap3A_335 = arith.constant 10 : index
    %swap3A_336 = arith.constant 0 : index
    %swap3A_337 = tpu.vector_load %arg10[%swap3A_335, %swap3A_336] {strides = array<i32>} : memref<16x16xbf16, #tpu.memory_space<vmem>>, vector<2x16xbf16>,
    %swap3A_338 = vector.shape_cast %swap3A_337 : vector<2x16xbf16> to vector<2x16xbf16>
    %swap3A_339 = vector.shape_cast %reshape3A_334 : vector<2x16xbf16> to vector<2x16xbf16>
    tpu.vector_store %arg10[%swap3A_335, %swap3A_336], %swap3A_339 {strides = array<i32>} : memref<16x16xbf16, #tpu.memory_space<vmem>>, vector<2x16xbf16>,
    %get3A_340 = arith.constant 0 : i32
    %get3A_341 = arith.index_cast %get3A_340 : i32 to index
    %get3A_342 = arith.constant 192 : index
    %get3A_343 = tpu.vector_load %arg7[%get3A_341, %get3A_342] {strides = array<i32>} : memref<6x2048xbf16, #tpu.memory_space<vmem>>, vector<1x32xbf16>,
    %get3A_344 = vector.shape_cast %get3A_343 : vector<1x32xbf16> to vector<32xbf16>
    %reshape3A_345 = vector.shape_cast %get3A_344 : vector<32xbf16> to vector<2x16xbf16>
    %swap3A_346 = arith.constant 12 : index
    %swap3A_347 = arith.constant 0 : index
    %swap3A_348 = tpu.vector_load %arg10[%swap3A_346, %swap3A_347] {strides = array<i32>} : memref<16x16xbf16, #tpu.memory_space<vmem>>, vector<2x16xbf16>,
    %swap3A_349 = vector.shape_cast %swap3A_348 : vector<2x16xbf16> to vector<2x16xbf16>
    %swap3A_350 = vector.shape_cast %reshape3A_345 : vector<2x16xbf16> to vector<2x16xbf16>
    tpu.vector_store %arg10[%swap3A_346, %swap3A_347], %swap3A_350 {strides = array<i32>} : memref<16x16xbf16, #tpu.memory_space<vmem>>, vector<2x16xbf16>,
    %get3A_351 = arith.constant 0 : i32
    %get3A_352 = arith.index_cast %get3A_351 : i32 to index
    %get3A_353 = arith.constant 224 : index
    %get3A_354 = tpu.vector_load %arg7[%get3A_352, %get3A_353] {strides = array<i32>} : memref<6x2048xbf16, #tpu.memory_space<vmem>>, vector<1x32xbf16>,
    %get3A_355 = vector.shape_cast %get3A_354 : vector<1x32xbf16> to vector<32xbf16>
    %reshape3A_356 = vector.shape_cast %get3A_355 : vector<32xbf16> to vector<2x16xbf16>
    %swap3A_357 = arith.constant 14 : index
    %swap3A_358 = arith.constant 0 : index
    %swap3A_359 = tpu.vector_load %arg10[%swap3A_357, %swap3A_358] {strides = array<i32>} : memref<16x16xbf16, #tpu.memory_space<vmem>>, vector<2x16xbf16>,
    %swap3A_360 = vector.shape_cast %swap3A_359 : vector<2x16xbf16> to vector<2x16xbf16>
    %swap3A_361 = vector.shape_cast %reshape3A_356 : vector<2x16xbf16> to vector<2x16xbf16>
    tpu.vector_store %arg10[%swap3A_357, %swap3A_358], %swap3A_361 {strides = array<i32>} : memref<16x16xbf16, #tpu.memory_space<vmem>>, vector<2x16xbf16>,
    "tpu.region"() ({
      %run_scoped3A_370 = tpu.sem_alloc : memref<!tpu.dma_semaphore, #tpu.memory_space<semaphore_mem>>
      %dma_start3A_371 = arith.constant 0 : i32
      %dma_start3A_372 = arith.constant 0 : i32
      %dma_start3A_373 = tpu.memref_slice %arg12[%dma_start3A_371, %dma_start3A_372] : memref<10240x16xbf16, #tpu.memory_space<vmem_shared>> -> memref<10240x16xbf16, #tpu.memory_space<vmem_shared>>
      tpu.enqueue_indirect_dma source(%arg10 : memref<16x16xbf16, #tpu.memory_space<vmem>>) target(%dma_start3A_373 : memref<10240x16xbf16, #tpu.memory_space<vmem_shared>>) offsets(%arg9 : memref<16xi32, #tpu.memory_space<vmem>>) semaphore(%run_scoped3A_370 : memref<!tpu.dma_semaphore, #tpu.memory_space<semaphore_mem>>) {add = true}
      %dma_wait3A_374 = arith.constant 0 : i32
      %dma_wait3A_375 = arith.constant 0 : i32
      %dma_wait3A_376 = tpu.memref_slice %arg12[%dma_wait3A_374, %dma_wait3A_375] : memref<10240x16xbf16, #tpu.memory_space<vmem_shared>> -> memref<10240x16xbf16, #tpu.memory_space<vmem_shared>>
      tpu.wait_indirect_dma semaphore(%run_scoped3A_370 : memref<!tpu.dma_semaphore, #tpu.memory_space<semaphore_mem>>) src(%arg10 : memref<16x16xbf16, #tpu.memory_space<vmem>>) dst(%dma_wait3A_376 : memref<10240x16xbf16, #tpu.memory_space<vmem_shared>>)
      tpu.yield
    }) : () -> ()
    %barrier3A_362 = arith.constant 0 : index
    tpu.barrier barrier_id(%barrier3A_362)
    "tpu.region"() ({
      %run_scoped3A_370 = tpu.sem_alloc : memref<!tpu.dma_semaphore, #tpu.memory_space<semaphore_mem>>
      %dma_start3A_371 = arith.constant 0 : i32
      %dma_start3A_372 = tpu.memref_slice %arg12[%mul3A_2, %dma_start3A_371] : memref<10240x16xbf16, #tpu.memory_space<vmem_shared>> -> memref<640x16xbf16, #tpu.memory_space<vmem_shared>>
      %dma_start3A_373 = arith.constant 0 : i32
      %dma_start3A_374 = tpu.memref_slice %arg12[%mul3A_2, %dma_start3A_373] : memref<10240x16xbf16, #tpu.memory_space<vmem_shared>> -> memref<640x16xbf16, #tpu.memory_space<vmem_shared>>
      tpu.enqueue_dma source(%dma_start3A_374 : memref<640x16xbf16, #tpu.memory_space<vmem_shared>>) target(%arg11 : memref<640x16xbf16, #tpu.memory_space<vmem>>) target_semaphore(%run_scoped3A_370 : memref<!tpu.dma_semaphore, #tpu.memory_space<semaphore_mem>>)
      %dma_wait3A_375 = arith.constant 0 : i32
      %dma_wait3A_376 = tpu.memref_slice %arg12[%mul3A_2, %dma_wait3A_375] : memref<10240x16xbf16, #tpu.memory_space<vmem_shared>> -> memref<640x16xbf16, #tpu.memory_space<vmem_shared>>
      %dma_wait3A_377 = arith.constant 0 : i32
      %dma_wait3A_378 = tpu.memref_slice %arg12[%mul3A_2, %dma_wait3A_377] : memref<10240x16xbf16, #tpu.memory_space<vmem_shared>> -> memref<640x16xbf16, #tpu.memory_space<vmem_shared>>
      tpu.wait_dma2 semaphore(%run_scoped3A_370 : memref<!tpu.dma_semaphore, #tpu.memory_space<semaphore_mem>>) src(%dma_wait3A_378 : memref<640x16xbf16, #tpu.memory_space<vmem_shared>>) dst(%arg11 : memref<640x16xbf16, #tpu.memory_space<vmem>>)
      tpu.yield
    }) : () -> ()
    %eq3A = arith.constant 0 : i32
    %eq3A_363 = arith.cmpi eq, %arg0, %eq3A : i32
    %convert_element_type3A = arith.extui %eq3A_363 : i1 to i32
    %cond3A = arith.constant 0 : i32
    %cond3A_364 = arith.cmpi ne, %convert_element_type3A, %cond3A : i32
    scf.if %cond3A_364 {
      %run_scoped3A_370 = arith.constant 0 : i32
      "tpu.region"() ({
        %run_scoped3A_371 = tpu.sem_alloc : memref<!tpu.dma_semaphore, #tpu.memory_space<semaphore_mem>>
        %dma_start3A_372 = arith.constant 0 : i32
        %dma_start3A_373 = tpu.memref_slice %arg5[%run_scoped3A_370, %mul3A_2, %dma_start3A_372] : memref<2x10240x16xbf16, #tpu.memory_space<hbm>> -> memref<1x640x16xbf16, #tpu.memory_space<hbm>>
        %dma_start3A_374 = tpu.memref_squeeze %dma_start3A_373 : memref<1x640x16xbf16, #tpu.memory_space<hbm>> -> memref<640x16xbf16, #tpu.memory_space<hbm>>
        %dma_start3A_375 = arith.constant 0 : i32
        %dma_start3A_376 = tpu.memref_slice %arg5[%run_scoped3A_370, %mul3A_2, %dma_start3A_375] : memref<2x10240x16xbf16, #tpu.memory_space<hbm>> -> memref<1x640x16xbf16, #tpu.memory_space<hbm>>
        %dma_start3A_377 = tpu.memref_squeeze %dma_start3A_376 : memref<1x640x16xbf16, #tpu.memory_space<hbm>> -> memref<640x16xbf16, #tpu.memory_space<hbm>>
        tpu.enqueue_dma source(%arg11 : memref<640x16xbf16, #tpu.memory_space<vmem>>) target(%dma_start3A_377 : memref<640x16xbf16, #tpu.memory_space<hbm>>) target_semaphore(%run_scoped3A_371 : memref<!tpu.dma_semaphore, #tpu.memory_space<semaphore_mem>>)
        %dma_wait3A_378 = arith.constant 0 : i32
        %dma_wait3A_379 = tpu.memref_slice %arg5[%run_scoped3A_370, %mul3A_2, %dma_wait3A_378] : memref<2x10240x16xbf16, #tpu.memory_space<hbm>> -> memref<1x640x16xbf16, #tpu.memory_space<hbm>>
        %dma_wait3A_380 = tpu.memref_squeeze %dma_wait3A_379 : memref<1x640x16xbf16, #tpu.memory_space<hbm>> -> memref<640x16xbf16, #tpu.memory_space<hbm>>
        %dma_wait3A_381 = arith.constant 0 : i32
        %dma_wait3A_382 = tpu.memref_slice %arg5[%run_scoped3A_370, %mul3A_2, %dma_wait3A_381] : memref<2x10240x16xbf16, #tpu.memory_space<hbm>> -> memref<1x640x16xbf16, #tpu.memory_space<hbm>>
        %dma_wait3A_383 = tpu.memref_squeeze %dma_wait3A_382 : memref<1x640x16xbf16, #tpu.memory_space<hbm>> -> memref<640x16xbf16, #tpu.memory_space<hbm>>
        tpu.wait_dma2 semaphore(%run_scoped3A_371 : memref<!tpu.dma_semaphore, #tpu.memory_space<semaphore_mem>>) src(%arg11 : memref<640x16xbf16, #tpu.memory_space<vmem>>) dst(%dma_wait3A_383 : memref<640x16xbf16, #tpu.memory_space<hbm>>)
        tpu.yield
      }) : () -> ()
    } else {
    }
    %eq3A_365 = arith.constant 1 : i32
    %eq3A_366 = arith.cmpi eq, %arg0, %eq3A_365 : i32
    %convert_element_type3A_367 = arith.extui %eq3A_366 : i1 to i32
    %cond3A_368 = arith.constant 0 : i32
    %cond3A_369 = arith.cmpi ne, %convert_element_type3A_367, %cond3A_368 : i32
    scf.if %cond3A_369 {
      %run_scoped3A_370 = arith.constant 1 : i32
      "tpu.region"() ({
        %run_scoped3A_371 = tpu.sem_alloc : memref<!tpu.dma_semaphore, #tpu.memory_space<semaphore_mem>>
        %dma_start3A_372 = arith.constant 0 : i32
        %dma_start3A_373 = tpu.memref_slice %arg5[%run_scoped3A_370, %mul3A_2, %dma_start3A_372] : memref<2x10240x16xbf16, #tpu.memory_space<hbm>> -> memref<1x640x16xbf16, #tpu.memory_space<hbm>>
        %dma_start3A_374 = tpu.memref_squeeze %dma_start3A_373 : memref<1x640x16xbf16, #tpu.memory_space<hbm>> -> memref<640x16xbf16, #tpu.memory_space<hbm>>
        %dma_start3A_375 = arith.constant 0 : i32
        %dma_start3A_376 = tpu.memref_slice %arg5[%run_scoped3A_370, %mul3A_2, %dma_start3A_375] : memref<2x10240x16xbf16, #tpu.memory_space<hbm>> -> memref<1x640x16xbf16, #tpu.memory_space<hbm>>
        %dma_start3A_377 = tpu.memref_squeeze %dma_start3A_376 : memref<1x640x16xbf16, #tpu.memory_space<hbm>> -> memref<640x16xbf16, #tpu.memory_space<hbm>>
        tpu.enqueue_dma source(%arg11 : memref<640x16xbf16, #tpu.memory_space<vmem>>) target(%dma_start3A_377 : memref<640x16xbf16, #tpu.memory_space<hbm>>) target_semaphore(%run_scoped3A_371 : memref<!tpu.dma_semaphore, #tpu.memory_space<semaphore_mem>>)
        %dma_wait3A_378 = arith.constant 0 : i32
        %dma_wait3A_379 = tpu.memref_slice %arg5[%run_scoped3A_370, %mul3A_2, %dma_wait3A_378] : memref<2x10240x16xbf16, #tpu.memory_space<hbm>> -> memref<1x640x16xbf16, #tpu.memory_space<hbm>>
        %dma_wait3A_380 = tpu.memref_squeeze %dma_wait3A_379 : memref<1x640x16xbf16, #tpu.memory_space<hbm>> -> memref<640x16xbf16, #tpu.memory_space<hbm>>
        %dma_wait3A_381 = arith.constant 0 : i32
        %dma_wait3A_382 = tpu.memref_slice %arg5[%run_scoped3A_370, %mul3A_2, %dma_wait3A_381] : memref<2x10240x16xbf16, #tpu.memory_space<hbm>> -> memref<1x640x16xbf16, #tpu.memory_space<hbm>>
        %dma_wait3A_383 = tpu.memref_squeeze %dma_wait3A_382 : memref<1x640x16xbf16, #tpu.memory_space<hbm>> -> memref<640x16xbf16, #tpu.memory_space<hbm>>
        tpu.wait_dma2 semaphore(%run_scoped3A_371 : memref<!tpu.dma_semaphore, #tpu.memory_space<semaphore_mem>>) src(%arg11 : memref<640x16xbf16, #tpu.memory_space<vmem>>) dst(%dma_wait3A_383 : memref<640x16xbf16, #tpu.memory_space<hbm>>)
        tpu.yield
      }) : () -> ()
    } else {
    }
    return
  }
}

module attributes {stable_mosaic.version = 14 : i64} {
  func.func @_tc_body(%arg0: i32, %arg1: memref<1000x128xf32, #tpu.memory_space<vmem>>, %arg2: memref<1000x48xf32, #tpu.memory_space<vmem>>, %arg3: memref<2x1000x16xbf16, #tpu.memory_space<vmem>>, %arg4: memref<48x48xf32, #tpu.memory_space<vmem>>, %arg5: memref<48x16xf32, #tpu.memory_space<vmem>>, %arg6: memref<48x9xf32, #tpu.memory_space<vmem>>, %arg7: memref<9x27xf32, #tpu.memory_space<vmem>>, %arg8: memref<16x27xf32, #tpu.memory_space<vmem>>, %arg9: memref<128x128xf32, #tpu.memory_space<vmem>>, %arg10: memref<16x128xf32, #tpu.memory_space<vmem>>, %arg11: memref<9x128xf32, #tpu.memory_space<vmem>>, %arg12: memref<1x128xf32, #tpu.memory_space<vmem>>, %arg13: memref<48x48xf32, #tpu.memory_space<vmem>>, %arg14: memref<128x16xf32, #tpu.memory_space<vmem>>, %arg15: memref<1x16xf32, #tpu.memory_space<vmem>>, %arg16: memref<16x48xf32, #tpu.memory_space<vmem>>, %arg17: memref<1000x128xf32, #tpu.memory_space<vmem>>, %arg18: memref<1000x48xf32, #tpu.memory_space<vmem>>) attributes {dimension_semantics = [#tpu.dimension_semantics<arbitrary>], iteration_bounds = array<i64: 10>, scalar_prefetch = 0 : i64, scratch_operands = 0 : i64, tpu.core_type = #tpu.core_type<tc>, window_params = [{transform_indices = @transform_0, window_bounds = array<i64: 1000, 128>}, {transform_indices = @transform_1, window_bounds = array<i64: 1000, 48>}, {transform_indices = @transform_2, window_bounds = array<i64: 2, 1000, 16>}, {pipeline_mode = #tpu.pipeline_mode<synchronous>, transform_indices = @transform_3, window_bounds = array<i64: 48, 48>}, {pipeline_mode = #tpu.pipeline_mode<synchronous>, transform_indices = @transform_4, window_bounds = array<i64: 48, 16>}, {pipeline_mode = #tpu.pipeline_mode<synchronous>, transform_indices = @transform_5, window_bounds = array<i64: 48, 9>}, {pipeline_mode = #tpu.pipeline_mode<synchronous>, transform_indices = @transform_6, window_bounds = array<i64: 9, 27>}, {pipeline_mode = #tpu.pipeline_mode<synchronous>, transform_indices = @transform_7, window_bounds = array<i64: 16, 27>}, {pipeline_mode = #tpu.pipeline_mode<synchronous>, transform_indices = @transform_8, window_bounds = array<i64: 128, 128>}, {pipeline_mode = #tpu.pipeline_mode<synchronous>, transform_indices = @transform_9, window_bounds = array<i64: 16, 128>}, {pipeline_mode = #tpu.pipeline_mode<synchronous>, transform_indices = @transform_10, window_bounds = array<i64: 9, 128>}, {pipeline_mode = #tpu.pipeline_mode<synchronous>, transform_indices = @transform_11, window_bounds = array<i64: 1, 128>}, {pipeline_mode = #tpu.pipeline_mode<synchronous>, transform_indices = @transform_12, window_bounds = array<i64: 48, 48>}, {pipeline_mode = #tpu.pipeline_mode<synchronous>, transform_indices = @transform_13, window_bounds = array<i64: 128, 16>}, {pipeline_mode = #tpu.pipeline_mode<synchronous>, transform_indices = @transform_14, window_bounds = array<i64: 1, 16>}, {pipeline_mode = #tpu.pipeline_mode<synchronous>, transform_indices = @transform_15, window_bounds = array<i64: 16, 48>}, {transform_indices = @transform_16, window_bounds = array<i64: 1000, 128>}, {transform_indices = @transform_17, window_bounds = array<i64: 1000, 48>}]} {
    %get3A = arith.constant 0 : index
    %get3A_0 = arith.constant 0 : index
    %get3A_1 = vector.load %arg2[%get3A, %get3A_0] : memref<1000x48xf32, #tpu.memory_space<vmem>>, vector<1000x48xf32>
    %get3A_2 = arith.constant 0 : index
    %get3A_3 = arith.constant 0 : index
    %get3A_4 = vector.load %arg4[%get3A_2, %get3A_3] : memref<48x48xf32, #tpu.memory_space<vmem>>, vector<48x48xf32>
    %dot_general3A = arith.constant dense<0.000000e+00> : vector<1000x48xf32>
    %dot_general3A_5 = tpu.matmul %get3A_1, %get3A_4, %dot_general3A {dimension_numbers = #tpu.dot_dimension_numbers<[1], [0], [0], [1], [0, 0, 1, 1], [], []>, transpose_lhs_hint = false} : vector<1000x48xf32>, vector<48x48xf32>, vector<1000x48xf32> -> vector<1000x48xf32>
    %mul3A = arith.mulf %dot_general3A_5, %dot_general3A_5 : vector<1000x48xf32>
    %get3A_6 = arith.constant 0 : index
    %get3A_7 = arith.constant 0 : index
    %get3A_8 = vector.load %arg5[%get3A_6, %get3A_7] : memref<48x16xf32, #tpu.memory_space<vmem>>, vector<48x16xf32>
    %dot_general3A_9 = arith.constant dense<0.000000e+00> : vector<1000x16xf32>
    %dot_general3A_10 = tpu.matmul %mul3A, %get3A_8, %dot_general3A_9 {dimension_numbers = #tpu.dot_dimension_numbers<[1], [0], [0], [1], [0, 0, 1, 1], [], []>, transpose_lhs_hint = false} : vector<1000x48xf32>, vector<48x16xf32>, vector<1000x16xf32> -> vector<1000x16xf32>
    %add3A = arith.constant 9.99999993E-9 : f32
    %add3A_11 = vector.broadcast %add3A : f32 to vector<1000x16xf32>
    %add3A_12 = arith.addf %dot_general3A_10, %add3A_11 : vector<1000x16xf32>
    %sqrt3A = math.sqrt %add3A_12 : vector<1000x16xf32>
    %get3A_13 = arith.constant 0 : index
    %get3A_14 = arith.constant 0 : index
    %get3A_15 = vector.load %arg6[%get3A_13, %get3A_14] : memref<48x9xf32, #tpu.memory_space<vmem>>, vector<48x9xf32>
    %dot_general3A_16 = arith.constant dense<0.000000e+00> : vector<1000x9xf32>
    %dot_general3A_17 = tpu.matmul %get3A_1, %get3A_15, %dot_general3A_16 {dimension_numbers = #tpu.dot_dimension_numbers<[1], [0], [0], [1], [0, 0, 1, 1], [], []>, transpose_lhs_hint = false} : vector<1000x48xf32>, vector<48x9xf32>, vector<1000x9xf32> -> vector<1000x9xf32>
    %get3A_18 = arith.constant 0 : index
    %get3A_19 = arith.constant 0 : index
    %get3A_20 = arith.constant 0 : index
    %get3A_21 = vector.load %arg3[%get3A_18, %get3A_19, %get3A_20] : memref<2x1000x16xbf16, #tpu.memory_space<vmem>>, vector<1x1000x16xbf16>
    %get3A_22 = vector.shape_cast %get3A_21 : vector<1x1000x16xbf16> to vector<1000x16xbf16>
    %convert_element_type3A = arith.extf %get3A_22 : vector<1000x16xbf16> to vector<1000x16xf32>
    %get3A_23 = arith.constant 1 : index
    %get3A_24 = arith.constant 0 : index
    %get3A_25 = arith.constant 0 : index
    %get3A_26 = vector.load %arg3[%get3A_23, %get3A_24, %get3A_25] : memref<2x1000x16xbf16, #tpu.memory_space<vmem>>, vector<1x1000x16xbf16>
    %get3A_27 = vector.shape_cast %get3A_26 : vector<1x1000x16xbf16> to vector<1000x16xbf16>
    %convert_element_type3A_28 = arith.extf %get3A_27 : vector<1000x16xbf16> to vector<1000x16xf32>
    %add3A_29 = arith.addf %convert_element_type3A, %convert_element_type3A_28 : vector<1000x16xf32>
    %slice3A = vector.extract_strided_slice %add3A_29 {offsets = [0, 9], sizes = [1000, 1], strides = [1, 1]} : vector<1000x16xf32> to vector<1000x1xf32>
    %max3A = arith.constant 1.000000e+00 : f32
    %max3A_30 = vector.broadcast %max3A : f32 to vector<1000x1xf32>
    %max3A_31 = arith.maximumf %slice3A, %max3A_30 : vector<1000x1xf32>
    %get3A_32 = arith.constant 0 : index
    %get3A_33 = arith.constant 0 : index
    %get3A_34 = vector.load %arg7[%get3A_32, %get3A_33] : memref<9x27xf32, #tpu.memory_space<vmem>>, vector<9x27xf32>
    %dot_general3A_35 = arith.constant dense<0.000000e+00> : vector<1000x27xf32>
    %dot_general3A_36 = tpu.matmul %dot_general3A_17, %get3A_34, %dot_general3A_35 {dimension_numbers = #tpu.dot_dimension_numbers<[1], [0], [0], [1], [0, 0, 1, 1], [], []>, transpose_lhs_hint = false} : vector<1000x9xf32>, vector<9x27xf32>, vector<1000x27xf32> -> vector<1000x27xf32>
    %get3A_37 = arith.constant 0 : index
    %get3A_38 = arith.constant 0 : index
    %get3A_39 = vector.load %arg8[%get3A_37, %get3A_38] : memref<16x27xf32, #tpu.memory_space<vmem>>, vector<16x27xf32>
    %dot_general3A_40 = arith.constant dense<0.000000e+00> : vector<1000x27xf32>
    %dot_general3A_41 = tpu.matmul %add3A_29, %get3A_39, %dot_general3A_40 {dimension_numbers = #tpu.dot_dimension_numbers<[1], [0], [0], [1], [0, 0, 1, 1], [], []>, transpose_lhs_hint = false} : vector<1000x16xf32>, vector<16x27xf32>, vector<1000x27xf32> -> vector<1000x27xf32>
    %mul3A_42 = arith.mulf %dot_general3A_36, %dot_general3A_41 : vector<1000x27xf32>
    %slice3A_43 = vector.extract_strided_slice %mul3A_42 {offsets = [0, 0], sizes = [1000, 9], strides = [1, 1]} : vector<1000x27xf32> to vector<1000x9xf32>
    %slice3A_44 = vector.extract_strided_slice %mul3A_42 {offsets = [0, 9], sizes = [1000, 9], strides = [1, 1]} : vector<1000x27xf32> to vector<1000x9xf32>
    %add3A_45 = arith.addf %slice3A_43, %slice3A_44 : vector<1000x9xf32>
    %slice3A_46 = vector.extract_strided_slice %mul3A_42 {offsets = [0, 18], sizes = [1000, 9], strides = [1, 1]} : vector<1000x27xf32> to vector<1000x9xf32>
    %add3A_47 = arith.addf %add3A_45, %slice3A_46 : vector<1000x9xf32>
    %div3A = vector.broadcast %max3A_31 : vector<1000x1xf32> to vector<1000x9xf32>
    %div3A_48 = arith.divf %add3A_47, %div3A : vector<1000x9xf32>
    %get3A_49 = arith.constant 0 : index
    %get3A_50 = arith.constant 0 : index
    %get3A_51 = vector.load %arg1[%get3A_49, %get3A_50] : memref<1000x128xf32, #tpu.memory_space<vmem>>, vector<1000x128xf32>
    %get3A_52 = arith.constant 0 : index
    %get3A_53 = arith.constant 0 : index
    %get3A_54 = vector.load %arg9[%get3A_52, %get3A_53] : memref<128x128xf32, #tpu.memory_space<vmem>>, vector<128x128xf32>
    %dot_general3A_55 = arith.constant dense<0.000000e+00> : vector<1000x128xf32>
    %dot_general3A_56 = tpu.matmul %get3A_51, %get3A_54, %dot_general3A_55 {dimension_numbers = #tpu.dot_dimension_numbers<[1], [0], [0], [1], [0, 0, 1, 1], [], []>, transpose_lhs_hint = false} : vector<1000x128xf32>, vector<128x128xf32>, vector<1000x128xf32> -> vector<1000x128xf32>
    %get3A_57 = arith.constant 0 : index
    %get3A_58 = arith.constant 0 : index
    %get3A_59 = vector.load %arg10[%get3A_57, %get3A_58] : memref<16x128xf32, #tpu.memory_space<vmem>>, vector<16x128xf32>
    %dot_general3A_60 = arith.constant dense<0.000000e+00> : vector<1000x128xf32>
    %dot_general3A_61 = tpu.matmul %sqrt3A, %get3A_59, %dot_general3A_60 {dimension_numbers = #tpu.dot_dimension_numbers<[1], [0], [0], [1], [0, 0, 1, 1], [], []>, transpose_lhs_hint = false} : vector<1000x16xf32>, vector<16x128xf32>, vector<1000x128xf32> -> vector<1000x128xf32>
    %add3A_62 = arith.addf %dot_general3A_56, %dot_general3A_61 : vector<1000x128xf32>
    %get3A_63 = arith.constant 0 : index
    %get3A_64 = arith.constant 0 : index
    %get3A_65 = vector.load %arg11[%get3A_63, %get3A_64] : memref<9x128xf32, #tpu.memory_space<vmem>>, vector<9x128xf32>
    %dot_general3A_66 = arith.constant dense<0.000000e+00> : vector<1000x128xf32>
    %dot_general3A_67 = tpu.matmul %div3A_48, %get3A_65, %dot_general3A_66 {dimension_numbers = #tpu.dot_dimension_numbers<[1], [0], [0], [1], [0, 0, 1, 1], [], []>, transpose_lhs_hint = false} : vector<1000x9xf32>, vector<9x128xf32>, vector<1000x128xf32> -> vector<1000x128xf32>
    %add3A_68 = arith.addf %add3A_62, %dot_general3A_67 : vector<1000x128xf32>
    %get3A_69 = arith.constant 0 : index
    %get3A_70 = arith.constant 0 : index
    %get3A_71 = vector.load %arg12[%get3A_69, %get3A_70] : memref<1x128xf32, #tpu.memory_space<vmem>>, vector<1x128xf32>
    %add3A_72 = vector.broadcast %get3A_71 : vector<1x128xf32> to vector<1000x128xf32>
    %add3A_73 = arith.addf %add3A_68, %add3A_72 : vector<1000x128xf32>
    %logistic3A = arith.negf %add3A_73 : vector<1000x128xf32>
    %logistic3A_74 = math.exp %logistic3A : vector<1000x128xf32>
    %logistic3A_75 = arith.constant 1.000000e+00 : f32
    %logistic3A_76 = vector.broadcast %logistic3A_75 : f32 to vector<1000x128xf32>
    %logistic3A_77 = arith.addf %logistic3A_76, %logistic3A_74 : vector<1000x128xf32>
    %logistic3A_78 = arith.divf %logistic3A_76, %logistic3A_77 : vector<1000x128xf32>
    %mul3A_79 = arith.mulf %add3A_73, %logistic3A_78 : vector<1000x128xf32>
    %get3A_80 = arith.constant 0 : index
    %get3A_81 = arith.constant 0 : index
    %get3A_82 = vector.load %arg14[%get3A_80, %get3A_81] : memref<128x16xf32, #tpu.memory_space<vmem>>, vector<128x16xf32>
    %dot_general3A_83 = arith.constant dense<0.000000e+00> : vector<1000x16xf32>
    %dot_general3A_84 = tpu.matmul %mul3A_79, %get3A_82, %dot_general3A_83 {dimension_numbers = #tpu.dot_dimension_numbers<[1], [0], [0], [1], [0, 0, 1, 1], [], []>, transpose_lhs_hint = false} : vector<1000x128xf32>, vector<128x16xf32>, vector<1000x16xf32> -> vector<1000x16xf32>
    %get3A_85 = arith.constant 0 : index
    %get3A_86 = arith.constant 0 : index
    %get3A_87 = vector.load %arg15[%get3A_85, %get3A_86] : memref<1x16xf32, #tpu.memory_space<vmem>>, vector<1x16xf32>
    %add3A_88 = vector.broadcast %get3A_87 : vector<1x16xf32> to vector<1000x16xf32>
    %add3A_89 = arith.addf %dot_general3A_84, %add3A_88 : vector<1000x16xf32>
    %logistic3A_90 = arith.negf %add3A_89 : vector<1000x16xf32>
    %logistic3A_91 = math.exp %logistic3A_90 : vector<1000x16xf32>
    %logistic3A_92 = arith.constant 1.000000e+00 : f32
    %logistic3A_93 = vector.broadcast %logistic3A_92 : f32 to vector<1000x16xf32>
    %logistic3A_94 = arith.addf %logistic3A_93, %logistic3A_91 : vector<1000x16xf32>
    %logistic3A_95 = arith.divf %logistic3A_93, %logistic3A_94 : vector<1000x16xf32>
    %get3A_96 = arith.constant 0 : index
    %get3A_97 = arith.constant 0 : index
    %get3A_98 = vector.load %arg13[%get3A_96, %get3A_97] : memref<48x48xf32, #tpu.memory_space<vmem>>, vector<48x48xf32>
    %dot_general3A_99 = arith.constant dense<0.000000e+00> : vector<1000x48xf32>
    %dot_general3A_100 = tpu.matmul %dot_general3A_5, %get3A_98, %dot_general3A_99 {dimension_numbers = #tpu.dot_dimension_numbers<[1], [0], [0], [1], [0, 0, 1, 1], [], []>, transpose_lhs_hint = false} : vector<1000x48xf32>, vector<48x48xf32>, vector<1000x48xf32> -> vector<1000x48xf32>
    %get3A_101 = arith.constant 0 : index
    %get3A_102 = arith.constant 0 : index
    %get3A_103 = vector.load %arg16[%get3A_101, %get3A_102] : memref<16x48xf32, #tpu.memory_space<vmem>>, vector<16x48xf32>
    %dot_general3A_104 = arith.constant dense<0.000000e+00> : vector<1000x48xf32>
    %dot_general3A_105 = tpu.matmul %logistic3A_95, %get3A_103, %dot_general3A_104 {dimension_numbers = #tpu.dot_dimension_numbers<[1], [0], [0], [1], [0, 0, 1, 1], [], []>, transpose_lhs_hint = false} : vector<1000x16xf32>, vector<16x48xf32>, vector<1000x48xf32> -> vector<1000x48xf32>
    %swap3A = arith.constant 0 : index
    %swap3A_106 = arith.constant 0 : index
    %swap3A_107 = vector.load %arg17[%swap3A, %swap3A_106] : memref<1000x128xf32, #tpu.memory_space<vmem>>, vector<1000x128xf32>
    tpu.vector_store %arg17[%swap3A, %swap3A_106], %mul3A_79 {strides = array<i32>} : memref<1000x128xf32, #tpu.memory_space<vmem>>, vector<1000x128xf32>,
    %mul3A_108 = arith.mulf %dot_general3A_100, %dot_general3A_105 : vector<1000x48xf32>
    %swap3A_109 = arith.constant 0 : index
    %swap3A_110 = arith.constant 0 : index
    %swap3A_111 = vector.load %arg18[%swap3A_109, %swap3A_110] : memref<1000x48xf32, #tpu.memory_space<vmem>>, vector<1000x48xf32>
    tpu.vector_store %arg18[%swap3A_109, %swap3A_110], %mul3A_108 {strides = array<i32>} : memref<1000x48xf32, #tpu.memory_space<vmem>>, vector<1000x48xf32>,
    return
  }
  func.func @transform_0(%arg0: i32) -> (i32, i32) {
    %c0_i32 = arith.constant 0 : i32
    %c0_i32_0 = arith.constant 0 : i32
    return %arg0, %c0_i32 : i32, i32
  }
  func.func @transform_1(%arg0: i32) -> (i32, i32) {
    %c0_i32 = arith.constant 0 : i32
    %c0_i32_0 = arith.constant 0 : i32
    return %arg0, %c0_i32 : i32, i32
  }
  func.func @transform_2(%arg0: i32) -> (i32, i32, i32) {
    %c0_i32 = arith.constant 0 : i32
    %c0_i32_0 = arith.constant 0 : i32
    %c0_i32_1 = arith.constant 0 : i32
    return %c0_i32, %arg0, %c0_i32_0 : i32, i32, i32
  }
  func.func @transform_3(%arg0: i32) -> (i32, i32) {
    %c0_i32 = arith.constant 0 : i32
    %c0_i32_0 = arith.constant 0 : i32
    %c0_i32_1 = arith.constant 0 : i32
    return %c0_i32, %c0_i32_0 : i32, i32
  }
  func.func @transform_4(%arg0: i32) -> (i32, i32) {
    %c0_i32 = arith.constant 0 : i32
    %c0_i32_0 = arith.constant 0 : i32
    %c0_i32_1 = arith.constant 0 : i32
    return %c0_i32, %c0_i32_0 : i32, i32
  }
  func.func @transform_5(%arg0: i32) -> (i32, i32) {
    %c0_i32 = arith.constant 0 : i32
    %c0_i32_0 = arith.constant 0 : i32
    %c0_i32_1 = arith.constant 0 : i32
    return %c0_i32, %c0_i32_0 : i32, i32
  }
  func.func @transform_6(%arg0: i32) -> (i32, i32) {
    %c0_i32 = arith.constant 0 : i32
    %c0_i32_0 = arith.constant 0 : i32
    %c0_i32_1 = arith.constant 0 : i32
    return %c0_i32, %c0_i32_0 : i32, i32
  }
  func.func @transform_7(%arg0: i32) -> (i32, i32) {
    %c0_i32 = arith.constant 0 : i32
    %c0_i32_0 = arith.constant 0 : i32
    %c0_i32_1 = arith.constant 0 : i32
    return %c0_i32, %c0_i32_0 : i32, i32
  }
  func.func @transform_8(%arg0: i32) -> (i32, i32) {
    %c0_i32 = arith.constant 0 : i32
    %c0_i32_0 = arith.constant 0 : i32
    %c0_i32_1 = arith.constant 0 : i32
    return %c0_i32, %c0_i32_0 : i32, i32
  }
  func.func @transform_9(%arg0: i32) -> (i32, i32) {
    %c0_i32 = arith.constant 0 : i32
    %c0_i32_0 = arith.constant 0 : i32
    %c0_i32_1 = arith.constant 0 : i32
    return %c0_i32, %c0_i32_0 : i32, i32
  }
  func.func @transform_10(%arg0: i32) -> (i32, i32) {
    %c0_i32 = arith.constant 0 : i32
    %c0_i32_0 = arith.constant 0 : i32
    %c0_i32_1 = arith.constant 0 : i32
    return %c0_i32, %c0_i32_0 : i32, i32
  }
  func.func @transform_11(%arg0: i32) -> (i32, i32) {
    %c0_i32 = arith.constant 0 : i32
    %c0_i32_0 = arith.constant 0 : i32
    %c0_i32_1 = arith.constant 0 : i32
    return %c0_i32, %c0_i32_0 : i32, i32
  }
  func.func @transform_12(%arg0: i32) -> (i32, i32) {
    %c0_i32 = arith.constant 0 : i32
    %c0_i32_0 = arith.constant 0 : i32
    %c0_i32_1 = arith.constant 0 : i32
    return %c0_i32, %c0_i32_0 : i32, i32
  }
  func.func @transform_13(%arg0: i32) -> (i32, i32) {
    %c0_i32 = arith.constant 0 : i32
    %c0_i32_0 = arith.constant 0 : i32
    %c0_i32_1 = arith.constant 0 : i32
    return %c0_i32, %c0_i32_0 : i32, i32
  }
  func.func @transform_14(%arg0: i32) -> (i32, i32) {
    %c0_i32 = arith.constant 0 : i32
    %c0_i32_0 = arith.constant 0 : i32
    %c0_i32_1 = arith.constant 0 : i32
    return %c0_i32, %c0_i32_0 : i32, i32
  }
  func.func @transform_15(%arg0: i32) -> (i32, i32) {
    %c0_i32 = arith.constant 0 : i32
    %c0_i32_0 = arith.constant 0 : i32
    %c0_i32_1 = arith.constant 0 : i32
    return %c0_i32, %c0_i32_0 : i32, i32
  }
  func.func @transform_16(%arg0: i32) -> (i32, i32) {
    %c0_i32 = arith.constant 0 : i32
    %c0_i32_0 = arith.constant 0 : i32
    return %arg0, %c0_i32 : i32, i32
  }
  func.func @transform_17(%arg0: i32) -> (i32, i32) {
    %c0_i32 = arith.constant 0 : i32
    %c0_i32_0 = arith.constant 0 : i32
    return %arg0, %c0_i32 : i32, i32
  }
}

</mosaic_0001>

<sc_bundles>
// kernel: kernel.4.cloned.1.call-start
scs
__scs_entry_jumppad:
0x0: {  	(pc) =	sbr.rel $0x88, $3  }
0x1: {  	(tag) =	ssettag $0x0;
	lr =	simm.s32 $0x1  }
0x2: {  	[smem:$0x3F96] =	sst lr;
	_ =	strace $0xD0000000  }
0x3: {  	_ = 	snop  }
0x4: {  	_ = 	snop  }
0x5: {  	_ = 	snop  }
0x6: {  	_ = 	snop  }
0x7: {  	_ = 	snop  }
__scs_overlays_trampoline_lowered:
0x8: {  	[smem:$0x3FA5] =	sst s0  }
0x9: {  	[smem:$0x3FA6] =	sst s1  }
0xa: {  	[smem:$0x3FA7] =	sst s2  }
0xb: {  	[smem:$0x3FA8] =	sst s3  }
0xc: {  	[smem:$0x3FA9] =	sst s4  }
0xd: {  	[smem:$0x3FAA] =	sst s5  }
0xe: {  	[smem:$0x3FAB] =	sst s6  }
0xf: {  	[smem:$0x3FAC] =	sst s7  }
0x10: {  	[smem:$0x3FAD] =	sst s8  }
0x11: {  	[smem:$0x3FAE] =	sst s9;
	s0 =	simm.s32 @!p0 $0x0  }
0x12: {  	s1 =	sld [smem:$0x3F94];
	s0 =	simm.s32 @p0 $0x1  }
0x13: {  	[smem:$0x3FAF] =	sst s0;
	s0 =	simm.s32 @!p1 $0x0  }
0x14: {  	s2 =	sld [smem:$0x3F93];
	s0 =	simm.s32 @p1 $0x1  }
0x15: {  	[smem:$0x3FB0] =	sst s0;
	s0 =	simm.s32 @!p2 $0x0  }
0x16: {  	s3 =	sld [smem:$0x3FDB];
	s0 =	simm.s32 @p2 $0x1  }
0x17: {  	s4 =	simm.s32 $0x1BF5;
	[smem:$0x3FB2] =	sst s0  }
0x18: {  	s0 =	sld [smem:$0x3F95];
	_ =	swait.ge [sflag:s4], $0x0  }
0x19: {  	s7 =	sld [smem:$0x3F96]  }
0x1a: {  	s8 =	sadd.s32 $0xFFFFE003, lr  }
0x1b: {  	s9 =	sadd.s32 $0xFFFFFEF7, lr;
	s5 =	simm.s32 $0xFFFFFFFF;
	p2 =	slt.u32 s8, $0xFFFFF086  }
0x1c: {  	p1 =	slt.u32 s9, $0xF7A;
	s5 =	simm.s32 @!p2 $0x0  }
0x1d: {  	s5 =	simm.s32 @p1 $0x1;
	p0 =	seq.s32 s7, s2  }
0x1e: {  	s7 =	smul.u32 @!p0 $0xF7A, s2;
	p2 =	seq.s32 @!p0 s5, $0x0  }
0x1f: {  	s9 =	smul.u32 $0xF7A, s1;
	s8 =	simm.s32 @!p0 $0x1BF5;
	p2 =	por !p2, p0  }
0x20: {  	[sflag:s8] =	ssyncset.s32 @!p0 $0xFFFFF086;
	s6 =	sadd.s32 @!p0 s3, s7;
	s7 =	simm.s32 @!p0 $0x108  }
0x21: {  	s3 =	sadd.s32 s3, s9;
	s6 =	sadd.s32 @!p0 $0x88, s6;
	s7 =	simm.s32 @p2 $0x1082  }
0x22: {  	[simem:s7], [sflag:s8] =	dma.local @!p0 [hbm:s6], $0xF7A  }
0x23: {  	s9 =	sor.u32 $0xD0000000, s2;
	s6 =	simm.s32 $0x108;
	_ =	swait.ge @!p0 [sflag:s8], $0x0  }
0x24: {  	s3 =	sadd.s32 $0x88, s3;
	s6 =	simm.s32 @!p1 $0x1082;
	[sflag:s4] =	ssyncset.s32 $0xFFFFF086  }
0x25: {  	[simem:s6], [sflag:s4] =	dma.local [hbm:s3], $0xF7A  }
0x26: {  	[smem:$0x3F96] =	sst s1;
	(tag) =	ssettag s2;
	_ =	strace s9  }
0x27: {  	s1 =	sld [smem:$0x3FA6]  }
0x28: {  	s2 =	sld [smem:$0x3FA7]  }
0x29: {  	s4 =	sld [smem:$0x3FA9]  }
0x2a: {  	p0 =	seq.s32 s5, $0x0;
	s5 =	sld [smem:$0x3FAA]  }
0x2b: {  	s6 =	sld [smem:$0x3FAB]  }
0x2c: {  	s7 =	sld [smem:$0x3FAC]  }
0x2d: {  	s3 =	simm.s32 $0x108;
	s8 =	sld [smem:$0x3FAD]  }
0x2e: {  	s3 =	simm.s32 @!p0 $0x1082;
	s9 =	sld [smem:$0x3FAE]  }
0x2f: {  	lr =	sadd.s32 s0, s3;
	s0 =	sld [smem:$0x3FA5]  }
0x30: {  	s3 =	sld [smem:$0x3FA8]  }
0x31: {  	[smem:$0x3FB1] =	sst s10  }
0x32: {  	s10 =	sld [smem:$0x3FAF];
	_ =	sdelay $0x3  }
0x33: {  	p0 =	seq.s32 s10, $0x1;
	s10 =	sld [smem:$0x3FB1];
	_ =	sdelay $0x3  }
0x34: {  	[smem:$0x3FB1] =	sst s10  }
0x35: {  	s10 =	sld [smem:$0x3FB0];
	_ =	sdelay $0x3  }
0x36: {  	p1 =	seq.s32 s10, $0x1;
	s10 =	sld [smem:$0x3FB1];
	_ =	sdelay $0x3  }
0x37: {  	[smem:$0x3FB1] =	sst s10  }
0x38: {  	s10 =	sld [smem:$0x3FB2]  }
0x39: {  	_ = 	snop;
	(pc) =	sbr.ind lr, $3  }
0x3a: {  	_ = 	snop  }
0x3b: {  	_ = 	snop  }
0x3c: {  	p2 =	seq.s32 s10, $0x1;
	s10 =	sld [smem:$0x3FB1]  }
0x3d: {  	_ =	shalt  }
0x3e: {  	_ =	shalt  }
0x3f: {  	_ =	shalt  }
0x40: {  	_ =	shalt  }
0x41: {  	_ =	shalt  }
0x42: {  	_ =	shalt  }
0x43: {  	_ =	shalt  }
0x44: {  	_ =	shalt  }
0x45: {  	_ =	shalt  }
0x46: {  	_ =	shalt  }
0x47: {  	_ =	shalt  }
0x48: {  	_ =	shalt  }
0x49: {  	_ =	shalt  }
0x4a: {  	_ =	shalt  }
0x4b: {  	_ =	shalt  }
0x4c: {  	_ =	shalt  }
0x4d: {  	_ =	shalt  }
0x4e: {  	_ =	shalt  }
0x4f: {  	_ =	shalt  }
0x50: {  	_ =	shalt  }
0x51: {  	_ =	shalt  }
0x52: {  	_ =	shalt  }
0x53: {  	_ =	shalt  }
0x54: {  	_ =	shalt  }
0x55: {  	_ =	shalt  }
0x56: {  	_ =	shalt  }
0x57: {  	_ =	shalt  }
0x58: {  	_ =	shalt  }
0x59: {  	_ =	shalt  }
0x5a: {  	_ =	shalt  }
0x5b: {  	_ =	shalt  }
0x5c: {  	_ =	shalt  }
0x5d: {  	_ =	shalt  }
0x5e: {  	_ =	shalt  }
0x5f: {  	_ =	shalt  }
0x60: {  	_ =	shalt  }
0x61: {  	_ =	shalt  }
0x62: {  	_ =	shalt  }
0x63: {  	_ =	shalt  }
0x64: {  	_ =	shalt  }
0x65: {  	_ =	shalt  }
0x66: {  	_ =	shalt  }
0x67: {  	_ =	shalt  }
0x68: {  	_ =	shalt  }
0x69: {  	_ =	shalt  }
0x6a: {  	_ =	shalt  }
0x6b: {  	_ =	shalt  }
0x6c: {  	_ =	shalt  }
0x6d: {  	_ =	shalt  }
0x6e: {  	_ =	shalt  }
0x6f: {  	_ =	shalt  }
0x70: {  	_ =	shalt  }
0x71: {  	_ =	shalt  }
0x72: {  	_ =	shalt  }
0x73: {  	_ =	shalt  }
0x74: {  	_ =	shalt  }
0x75: {  	_ =	shalt  }
0x76: {  	_ =	shalt  }
0x77: {  	_ =	shalt  }
0x78: {  	_ =	shalt  }
0x79: {  	_ =	shalt  }
0x7a: {  	_ =	shalt  }
0x7b: {  	_ =	shalt  }
0x7c: {  	_ =	shalt  }
0x7d: {  	_ =	shalt  }
0x7e: {  	_ =	shalt  }
0x7f: {  	_ =	shalt  }
0x80: {  	_ =	shalt  }
0x81: {  	_ =	shalt  }
0x82: {  	_ =	shalt  }
0x83: {  	_ =	shalt  }
0x84: {  	_ =	shalt  }
0x85: {  	_ =	shalt  }
0x86: {  	_ =	shalt  }
0x87: {  	_ =	shalt  }
.Lfunc_end0:
.L_simem_size_0:
called_computation_lowered:
.L_overlay_start_0:
0x88: {  	s2 =	sld [smem:$0x3FD9]  }
0x89: {  	s3 =	sld [smem:$0x3FFE];
	_ =	sdelay $0x1  }
0x8a: {  	s1 =	srdreg.scid  }
0x8b: {  	s0 =	sand.u32 $0x1, s1  }
0x8c: {  	s14 =	sshll.u32 s0, $0xA;
	s2 =	sadd.s32 s3, s2  }
0x8d: {  	s2 =	sadd.s32 s2, s14  }
0x8e: {  	[smem:$0x3FBD] =	sst s2  }
0x8f: {  	_ = 	snop  }
0x90: {  	s2 =	sld [smem:$0x3FD0];
	_ =	sdelay $0x2  }
0x91: {  	s15 =	simm.s32 $0xA;
	s4 =	simm.s32 $0x10  }
0x92: {  	[smem:s4], [sflag:s15] =	dma.local [hbm:s2], $0x1  }
0x93: {  	_ =	swait.eq [sflag:s15], $0x1  }
0x94: {  	[sflag:s15] =	ssyncset.done $0x0  }
0x95: {  	s16 =	sld [smem:$0x10];
	[sflag:s15] =	ssyncadd.s32 $0xFFFFFFFF  }
0x96: {  	s17 =	sld [smem:$0x11];
	(tm) =	ssettm $0x1  }
0x97: {  	s18 =	sld [smem:$0x3FFB];
	_ =	sdelay $0x3  }
0x98: {  	_ =	strace s18  }
0x99: {  	s4 =	sld [smem:$0x3FFC];
	_ =	sdelay $0x3  }
0x9a: {  	_ =	strace s4  }
0x9b: {  	s4 =	sld [smem:$0x3FFD];
	_ =	sdelay $0x3  }
0x9c: {  	_ =	strace s4  }
0x9d: {  	_ =	strace $0x8FFFFFFF  }
0x9e: {  	s19 =	sld [smem:$0x3FDB];
	_ =	sdelay $0x1  }
0x9f: {  	s5 =	simm.s32 $_scs_section_size  }
0xa0: {  	s6 =	simm.s32 $_size__tile_overlayer_lowered;
	s7 =	simm.s32 $_tile_overlayer_lowered  }
0xa1: {  	s22 =	simm.s32 $0x1BFF;
	s21 =	sshll.u32 s7, $0x1;
	s4 =	sadd.s32 s5, s19  }
0xa2: {  	s8 =	simm.s32 $0x0;
	s20 =	sshll.u32 s6, $0x1;
	s6 =	sadd.s32 s21, s4  }
0xa3: {  	[timem:s8], [sflag:s22] =	dma.local [hbm:s6], s20  }
0xa4: {  	_ =	swait.ge [sflag:s22], s20  }
0xa5: {  	s5 =	ssub.s32 $0x0, s20;
	[sflag:s22] =	ssyncset.done $0x0  }
0xa6: {  	[sflag:s22] =	ssyncadd.s32 s5;
	_ =	sdelay $0x1  }
0xa7: {  	s23 =	simm.s32 $0x1B8B  }
0xa8: {  	_ =	swait.ge [sflag:s23], $0x1  }
0xa9: {  	[sflag:s23] =	ssyncset.done $0x0  }
0xaa: {  	s25 =	simm.s32 $0x1B8E;
	s24 =	sld [smem:$0x3FFE];
	[sflag:s23] =	ssyncadd.s32 $0xFFFFFFFF  }
0xab: {  	s26 =	simm.s32 $execute0_lowered;
	[smem:$0x3FD2] =	sst s25  }
0xac: {  	s6 =	sshll.u32 s26, $0x1;
	_ =	strace $0x80000046;
	[dreg:$0x1] =	wrdreg $0xFFFFFFFF  }
0xad: {  	s28 =	simm.s32 $_size_execute0_lowered;
	s4 =	sadd.s32 s4, s6;
	[dreg:$0x0] =	wrdreg $0x0  }
0xae: {  	s6 =	sshll.u32 s28, $0x1;
	[dreg:$0x2] =	wrdreg s4  }
0xaf: {  	[dreg:$0x3] =	wrdreg s6  }
0xb0: {  	[dreg:$0x4] =	wrdreg $0xC0  }
0xb1: {  	_ =	task [dreg:s8], $0x5FFFF  }
0xb2: {  	[dreg:$0x1] =	wrdreg $0xFFFFFFFF  }
0xb3: {  	[dreg:$0x0] =	wrdreg $0x60  }
0xb4: {  	[dreg:$0x2] =	wrdreg s17  }
0xb5: {  	[dreg:$0x3] =	wrdreg s24  }
0xb6: {  	[dreg:$0x4] =	wrdreg s16  }
0xb7: {  	[dreg:$0x5] =	wrdreg $0x47900  }
0xb8: {  	[dreg:$0x6] =	wrdreg $0x9  }
0xb9: {  	_ =	task.clear_ibuf [dreg:s8], $0x7FFFF;
	_ =	strace $0x90000046  }
0xba: {  	s29 =	simm.s32 $0x9;
	_ =	strace $0x80000048  }
0xbb: {  	_ =	swait.ge [sflag:s29], $0x1  }
0xbc: {  	[sflag:s29] =	ssyncadd.s32 $0xFFFFFFFF  }
0xbd: {  	_ =	strace $0x90000048  }
0xbe: {  	_ =	sfence  }
0xbf: {  	s30 =	sld [smem:$0x0];
	_ =	sdelay $0x2  }
0xc0: {  	s31 =	sshll.u32 s1, $0xD;
	s1 =	sshrl.u32 s1, $0x2  }
0xc1: {  	s3 =	sand.u32 $0x4000, s31;
	s1 =	sadd.s32 s1, s30  }
0xc2: {  	s0 =	sor.u32 s3, s0;
	s1 =	sshll.u32 s1, $0x11  }
0xc3: {  	s0 =	sor.u32 s1, s0  }
0xc4: {  	s0 =	sadd.s32 $0x8F2B, s0  }
0xc5: {  	[sflag:s0] =	ssyncadd.remote.s32 $0x1  }
0xc6: {  	_ =	sfence.sel $0xFFFF  }
0xc7: {  	[dreg:$0x0] =	wrdreg $0xFFFFFFFF;
	(pc) =	sbr.abs _section_cstart, $3  }
0xc8: {  	[dreg:$0x1] =	wrdreg $0xFFFFFFFF  }
0xc9: {  	_ =	task.clear_ibuf [dreg:s8], $0x2FFFF;
	_ =	strace $0x9FFFFFFF  }
0xca: {  	(tm) =	ssettm $0x7FFFFFFF  }
0xcb: {  	_ =	shalt  }
tec
execute0_lowered:
.L_overlay_start_1:
0x0: {  	(tag) =	ssettag $0x1  }
0x1: {  	s1 =	rddreg [dreg:$0x0]  }
0x2: {  	s0 =	rddreg [dreg:$0x1]  }
0x3: {  	s2 =	rddreg [dreg:$0x2]  }
0x4: {  	s3 =	rddreg [dreg:$0x3];
	s4 =	simm.s32 $0x0  }
0x5: {  	s5 =	srdreg.scid;
	s6 =	stileid.u32;
	s30 =	simm.s32 $0x3  }
0x6: {  	s28 =	simm.s32 $0x2F00;
	s29 =	simm.s32 $0x2;
	s31 =	simm.s32 $0x0  }
0x7: {  	[smem:$0x7FF] =	sst s4;
	s7 =	sand.u32 $0x1, s5;
	s19 =	sshll.u32 s6, $0x1  }
0x8: {  	s9 =	smul.u32 $0x2800, s6;
	s6 =	sadd.s32 $0x2200, s0;
	s0 =	sadd.s32 $0x50400, s0  }
0x9: {  	s8 =	ssub.s32 $0x2, s7;
	s5 =	sor.u32 s7, s19;
	_ =	strace $0x80000047  }
0xa: {  	[dreg:$0x5] =	wrdreg s0;
	p0 =	seq.s32 s7, $0x1;
	s10 =	sshrl.u32 s8, $0x1  }
0xb: {  	s5 =	smul.u32 $0x2710, s5;
	s20 =	sshrl.u32 s9, $0x1;
	s7 =	sadd.s32 $0x28000, s9  }
0xc: {  	s0 =	ssub.s32 s8, s10;
	s22 =	sadd.s32 s20, s3;
	s9 =	smov.u32 @p0 s7  }
0xd: {  	s7 =	simm.s32 $0x700;
	s21 =	sshrl.u32 s5, $0x3;
	s11 =	sadd.s32 $0x80, s5  }
0xe: {  	s25 =	sadd.s32 s6, s5;
	s12 =	sadd.s32 $0x100, s5;
	s14 =	sadd.s32 $0x180, s5  }
0xf: {  	s17 =	sadd.s32 $0x200, s5;
	s19 =	sadd.s32 $0x280, s5;
	s16 =	sadd.s32 $0x2700, s5  }
0x10: {  	s9 =	sshrl.u32 s9, $0x4;
	s0 =	smax.u32 s0, $0x1;
	[dreg:$0x6] =	wrdreg s22  }
0x11: {  	s23 =	sadd.s32 s1, s21;
	s24 =	sshrl.u32 s11, $0x3;
	[dreg:$0x8] =	wrdreg s25  }
0x12: {  	s26 =	sadd.s32 s6, s11;
	s10 =	sshrl.u32 s12, $0x3;
	[dreg:$0x13] =	wrdreg s0  }
0x13: {  	s11 =	sadd.s32 s6, s12;
	s13 =	sshrl.u32 s14, $0x3;
	[dreg:$0x7] =	wrdreg s23  }
0x14: {  	s15 =	sshrl.u32 s17, $0x3;
	s18 =	sshrl.u32 s19, $0x3;
	[dreg:$0xa] =	wrdreg s26  }
0x15: {  	s2 =	sadd.s32 s2, s9;
	s20 =	sshrl.u32 s16, $0x3;
	[dreg:$0xc] =	wrdreg s11  }
0x16: {  	s25 =	sadd.s32 s6, s17;
	s0 =	simm.s32 $0x300;
	[dreg:$0xe] =	wrdreg s2  }
0x17: {  	s9 =	simm.s32 $0x100;
	s8 =	sadd.s32 s1, s24;
	[dreg:$0x15] =	wrdreg s25  }
0x18: {  	s21 =	sadd.s32 s1, s18;
	s2 =	sadd.s32 s1, s20;
	[dreg:$0x9] =	wrdreg s8  }
0x19: {  	s23 =	sadd.s32 s6, s16;
	s24 =	sadd.s32 s6, s14;
	[dreg:$0x10] =	wrdreg s21  }
0x1a: {  	s26 =	sadd.s32 s6, s19;
	s11 =	simm.s32 $0x180;
	[dreg:$0x11] =	wrdreg s2  }
0x1b: {  	s16 =	simm.s32 $0x1300;
	s18 =	simm.s32 $0x280;
	[dreg:$0x12] =	wrdreg s23  }
0x1c: {  	s20 =	simm.s32 $0x1700;
	s25 =	simm.s32 $0x2700;
	[dreg:$0x14] =	wrdreg s24  }
0x1d: {  	s8 =	sadd.s32 s1, s10;
	[dreg:$0x16] =	wrdreg s26;
	s23 =	simm.s32 $0x3390  }
0x1e: {  	s2 =	simm.s32 $0x80;
	s10 =	simm.s32 $0xB00;
	s21 =	simm.s32 $0x1  }
0x1f: {  	s24 =	simm.s32 $0x2300;
	[dreg:$0xb] =	wrdreg s8;
	s8 =	sadd.s32 s1, s13  }
0x20: {  	s26 =	simm.s32 $0x2B00;
	[dreg:$0xd] =	wrdreg s8;
	s8 =	sadd.s32 s1, s15  }
0x21: {  	s13 =	simm.s32 $0xF00;
	s15 =	simm.s32 $0x200;
	[dreg:$0xf] =	wrdreg s8  }
.LBB2_1:
0x22: {  	[dreg:$0x17] =	wrdreg s31  }
0x23: {  	s8 =	rddreg [dreg:$0x5]  }
0x24: {  	[tilespmem:s23], [sflag:$0x3] =	stream.linear.gather [hbm4b:s8+s4], $0x1400, $0x38;
	[tilespmem:$0x5B90] =	vst v63  }
0x25: {  	_ =	swait.ge [sflag:s30], $0x1400  }
0x26: {  	[sflag:s30] =	ssyncset.done $0x0  }
0x27: {  	[sflag:s30] =	ssyncadd.s32 $0xFFFFEC00  }
0x28: {  	[spmem:s22] =	stream.linear.scatter [tilespmem:s23], [sflag:$0x3], $0x1400, $0x38;
	[tilespmem:$0x5B90] =	vst v63  }
0x29: {  	_ =	swait.ge [sflag:s30], $0x1400  }
0x2a: {  	[sflag:s30] =	ssyncset.done $0x0  }
0x2b: {  	[sflag:s30] =	ssyncadd.s32 $0xFFFFEC00  }
0x2c: {  	[bflag:$0x0] =	sbarrier.arrive $0xFFFF  }
0x2d: {  	s22 =	rddreg [dreg:$0x7]  }
0x2e: {  	[tilespmem:s4], [sflag:$0x1] =	stream.linear.gather [hbm4b:s22+s4], $0x80, $0x38;
	[tilespmem:$0x5B90] =	vst v63  }
0x2f: {  	s23 =	rddreg [dreg:$0x8]  }
0x30: {  	[tilespmem:s0], [sflag:$0x1] =	stream.linear.gather [hbm4b:s23+s4], $0x400, $0x38;
	[tilespmem:$0x5B90] =	vst v63  }
0x31: {  	s31 =	rddreg [dreg:$0x9]  }
0x32: {  	[tilespmem:s2], [sflag:$0x1] =	stream.linear.gather [hbm4b:s31+s4], $0x80, $0x38;
	[tilespmem:$0x5B90] =	vst v63  }
0x33: {  	s22 =	rddreg [dreg:$0xa]  }
0x34: {  	[tilespmem:s7], [sflag:$0x1] =	stream.linear.gather [hbm4b:s22+s4], $0x400, $0x38;
	[tilespmem:$0x5B90] =	vst v63  }
0x35: {  	s23 =	rddreg [dreg:$0xb]  }
0x36: {  	[tilespmem:s9], [sflag:$0x1] =	stream.linear.gather [hbm4b:s23+s4], $0x80, $0x38;
	[tilespmem:$0x5B90] =	vst v63  }
0x37: {  	s31 =	rddreg [dreg:$0xc]  }
0x38: {  	[tilespmem:s10], [sflag:$0x1] =	stream.linear.gather [hbm4b:s31+s4], $0x400, $0x38;
	[tilespmem:$0x5B90] =	vst v63  }
0x39: {  	s22 =	rddreg [dreg:$0xd]  }
0x3a: {  	[tilespmem:s11], [sflag:$0x1] =	stream.linear.gather [hbm4b:s22+s4], $0x80, $0x38;
	[tilespmem:$0x5B90] =	vst v63  }
0x3b: {  	s23 =	rddreg [dreg:$0x14]  }
0x3c: {  	[tilespmem:s13], [sflag:$0x1] =	stream.linear.gather [hbm4b:s23+s4], $0x400, $0x38;
	[tilespmem:$0x5B90] =	vst v63  }
0x3d: {  	s31 =	rddreg [dreg:$0xf]  }
0x3e: {  	[tilespmem:s15], [sflag:$0x1] =	stream.linear.gather [hbm4b:s31+s4], $0x80, $0x38;
	[tilespmem:$0x5B90] =	vst v63  }
0x3f: {  	s22 =	rddreg [dreg:$0x15]  }
0x40: {  	[tilespmem:s16], [sflag:$0x1] =	stream.linear.gather [hbm4b:s22+s4], $0x400, $0x38;
	[tilespmem:$0x5B90] =	vst v63  }
0x41: {  	s23 =	rddreg [dreg:$0x10]  }
0x42: {  	[tilespmem:s18], [sflag:$0x1] =	stream.linear.gather [hbm4b:s23+s4], $0x80, $0x38;
	[tilespmem:$0x5B90] =	vst v63  }
0x43: {  	s30 =	simm.s32 $0x0;
	s31 =	rddreg [dreg:$0x16]  }
0x44: {  	[tilespmem:s20], [sflag:$0x1] =	stream.linear.gather [hbm4b:s31+s4], $0x400, $0x38;
	[tilespmem:$0x5B90] =	vst v63  }
.LBB2_2:
0x45: {  	_ =	swait.ge [sflag:s21], $0x80  }
0x46: {  	[sflag:s21] =	ssyncset.done $0x0  }
0x47: {  	[sflag:s21] =	ssyncadd.s32 $0xFFFFFF80  }
0x48: {  	_ =	swait.ge [sflag:s21], $0x400  }
0x49: {  	[sflag:s21] =	ssyncset.done $0x0  }
0x4a: {  	s31 =	simm.s32 $0x0;
	[sflag:s21] =	ssyncadd.s32 $0xFFFFFC00  }
0x4b: {  	v0 =	vld [tilespmem:s31+$0x330];
	_ =	sdelay $0x1  }
0x4c: {  	v1 =	vld [tilespmem:s31+$0x300];
	_ =	sdelay $0x1  }
0x4d: {  	v2 =	vld [tilespmem:s31+$0x310]  }
0x4e: {  	v3 =	vunpack.c.u.s16.s32 v0  }
0x4f: {  	v4 =	vld [tilespmem:s31+$0x320]  }
0x50: {  	s8 =	simm.s32 $0x40;
	v5 =	vunpack.c.l.s16.s32 v1;
	v3 =	vpack.c.b32.b16 v3, v3  }
0x51: {  	v6 =	vld [tilespmem:s8+$0x330];
	v1 =	vunpack.c.u.s16.s32 v1  }
0x52: {  	v7 =	vld [tilespmem:s8+$0x300];
	v5 =	vpack.c.b32.b16 v5, v5;
	[tilespmem:s31+$0x1B38] =	vst.msk $0xff, v3;
	v3 =	vunpack.c.l.s16.s32 v2  }
0x53: {  	v9 =	vpack.c.b32.b16 v1, v1;
	v2 =	vunpack.c.u.s16.s32 v2  }
0x54: {  	v8 =	vld [tilespmem:s8+$0x310];
	[tilespmem:s31+$0x1B00] =	vst.msk $0xff, v5;
	v5 =	vunpack.c.l.s16.s32 v4;
	v3 =	vpack.c.b32.b16 v3, v3  }
0x55: {  	v0 =	vunpack.c.l.s16.s32 v0;
	v4 =	vunpack.c.u.s16.s32 v4;
	v1 =	vld [tilespmem:s8+$0x320];
	v10 =	vpack.c.b32.b16 v2, v2;
	[tilespmem:s31+$0x1B08] =	vst.msk $0xff, v9  }
0x56: {  	v5 =	vpack.c.b32.b16 v5, v5;
	[tilespmem:s31+$0x1B10] =	vst.msk $0xff, v3  }
0x57: {  	v11 =	vunpack.c.u.s16.s32 v6;
	v2 =	vpack.c.b32.b16 v0, v0;
	v63 =	vpack.c.b32.b16 v4, v4;
	[tilespmem:s31+$0x1B18] =	vst.msk $0xff, v10  }
0x58: {  	v0 =	vunpack.c.l.s16.s32 v6;
	v6 =	vunpack.c.l.s16.s32 v7;
	v3 =	vunpack.c.u.s16.s32 v7;
	[tilespmem:s31+$0x1B20] =	vst.msk $0xff, v5  }
0x59: {  	s22 =	simm.s32 $0x80;
	s23 =	simm.s32 $0x300;
	v7 =	vpack.c.b32.b16 v11, v11;
	[tilespmem:s31+$0x1B28] =	vst.msk $0xff, v63;
	v4 =	vunpack.c.u.s16.s32 v8;
	v5 =	vunpack.c.l.s16.s32 v8  }
.LBB2_3:
0x5a: {  	p0 =	sne.s32 s23, $0xF00;
	v8 =	vld [tilespmem:s22+$0x330];
	v6 =	vpack.c.b32.b16 v6, v6;
	v9 =	vunpack.c.u.s16.s32 v1;
	v1 =	vunpack.c.l.s16.s32 v1;
	[tilespmem:s31+$0x1B30] =	vst.msk $0xff, v2;
	s31 =	smov.u32 s8;
	s8 =	smov.u32 s22  }
0x5b: {  	v3 =	vpack.c.b32.b16 v3, v3;
	v10 =	vld [tilespmem:s8+$0x300];
	v5 =	vpack.c.b32.b16 v5, v5;
	v4 =	vpack.c.b32.b16 v4, v4;
	[tilespmem:s31+$0x1B38] =	vst.msk $0xff, v7  }
0x5c: {  	v2 =	vpack.c.b32.b16 v0, v0;
	v7 =	vld [tilespmem:s8+$0x310];
	[tilespmem:s31+$0x1B00] =	vst.msk $0xff, v6;
	v11 =	vpack.c.b32.b16 v1, v1;
	v9 =	vpack.c.b32.b16 v9, v9  }
.Ltmp0:
0x5d: {  	v1 =	vld [tilespmem:s8+$0x320];
	[tilespmem:s31+$0x1B08] =	vst.msk $0xff, v3;
	(pc) =	sbr.rel @p0 .LBB2_3-.Ltmp0, $4  }
0x5e: {  	[tilespmem:s31+$0x1B10] =	vst.msk $0xff, v5  }
0x5f: {  	v12 =	vunpack.c.u.s16.s32 v8;
	v0 =	vunpack.c.l.s16.s32 v8;
	[tilespmem:s31+$0x1B18] =	vst.msk $0xff, v4  }
0x60: {  	v3 =	vunpack.c.u.s16.s32 v10;
	v6 =	vunpack.c.l.s16.s32 v10;
	[tilespmem:s31+$0x1B20] =	vst.msk $0xff, v11  }
0x61: {  	s22 =	sshra.s32 s23, $0x2;
	s23 =	sadd.s32 $0x100, s23;
	v4 =	vunpack.c.u.s16.s32 v7;
	v5 =	vunpack.c.l.s16.s32 v7;
	v7 =	vpack.c.b32.b16 v12, v12;
	[tilespmem:s31+$0x1B28] =	vst.msk $0xff, v9  }
0x62: {  	v8 =	vld [tilespmem:s22+$0x330];
	[tilespmem:s31+$0x1B30] =	vst.msk $0xff, v2;
	v6 =	vpack.c.b32.b16 v6, v6  }
0x63: {  	v3 =	vpack.c.b32.b16 v3, v3;
	v2 =	vld [tilespmem:s22+$0x300];
	[tilespmem:s8+$0x1B38] =	vst.msk $0xff, v7  }
0x64: {  	v5 =	vpack.c.b32.b16 v5, v5;
	v7 =	vld [tilespmem:s22+$0x310];
	[tilespmem:s8+$0x1B00] =	vst.msk $0xff, v6  }
0x65: {  	v4 =	vpack.c.b32.b16 v4, v4;
	v6 =	vunpack.c.l.s16.s32 v1;
	v9 =	vld [tilespmem:s22+$0x320];
	[tilespmem:s8+$0x1B08] =	vst.msk $0xff, v3  }
0x66: {  	v0 =	vpack.c.b32.b16 v0, v0;
	v1 =	vunpack.c.u.s16.s32 v1;
	[tilespmem:s8+$0x1B10] =	vst.msk $0xff, v5  }
0x67: {  	[tilespmem:s8+$0x1B18] =	vst.msk $0xff, v4;
	v3 =	vpack.c.b32.b16 v6, v6;
	v5 =	vunpack.c.u.s16.s32 v8  }
0x68: {  	[tilespmem:s8+$0x1B30] =	vst.msk $0xff, v0;
	v1 =	vpack.c.b32.b16 v1, v1;
	v4 =	vunpack.c.l.s16.s32 v2  }
0x69: {  	[tilespmem:s8+$0x1B20] =	vst.msk $0xff, v3;
	v2 =	vunpack.c.u.s16.s32 v2;
	v3 =	vpack.c.b32.b16 v5, v5  }
0x6a: {  	[tilespmem:s8+$0x1B28] =	vst.msk $0xff, v1;
	v1 =	vunpack.c.l.s16.s32 v7;
	v4 =	vpack.c.b32.b16 v4, v4  }
0x6b: {  	v0 =	vunpack.c.u.s16.s32 v7;
	v2 =	vpack.c.b32.b16 v2, v2;
	[tilespmem:s22+$0x1B38] =	vst.msk $0xff, v3  }
0x6c: {  	v3 =	vunpack.c.l.s16.s32 v9;
	v1 =	vpack.c.b32.b16 v1, v1;
	[tilespmem:s22+$0x1B00] =	vst.msk $0xff, v4  }
0x6d: {  	v0 =	vpack.c.b32.b16 v0, v0;
	v4 =	vunpack.c.u.s16.s32 v9;
	[tilespmem:s22+$0x1B08] =	vst.msk $0xff, v2  }
0x6e: {  	v2 =	vunpack.c.l.s16.s32 v8;
	v3 =	vpack.c.b32.b16 v3, v3;
	[tilespmem:s22+$0x1B10] =	vst.msk $0xff, v1  }
0x6f: {  	[tilespmem:s22+$0x1B18] =	vst.msk $0xff, v0;
	v1 =	vpack.c.b32.b16 v4, v4  }
0x70: {  	v0 =	vpack.c.b32.b16 v2, v2;
	[tilespmem:s22+$0x1B20] =	vst.msk $0xff, v3  }
0x71: {  	[tilespmem:s22+$0x1B28] =	vst.msk $0xff, v1  }
0x72: {  	[tilespmem:s22+$0x1B30] =	vst.msk $0xff, v0  }
0x73: {  	_ =	swait.ge [sflag:s21], $0x80  }
0x74: {  	[sflag:s21] =	ssyncset.done $0x0  }
0x75: {  	[sflag:s21] =	ssyncadd.s32 $0xFFFFFF80  }
0x76: {  	_ =	swait.ge [sflag:s21], $0x400  }
0x77: {  	[sflag:s21] =	ssyncset.done $0x0  }
0x78: {  	s31 =	simm.s32 $0x0;
	[sflag:s21] =	ssyncadd.s32 $0xFFFFFC00  }
0x79: {  	v0 =	vld [tilespmem:s31+$0x730];
	_ =	sdelay $0x1  }
0x7a: {  	v1 =	vld [tilespmem:s31+$0x700];
	_ =	sdelay $0x1  }
0x7b: {  	v2 =	vld [tilespmem:s31+$0x710]  }
0x7c: {  	v3 =	vunpack.c.u.s16.s32 v0  }
0x7d: {  	v4 =	vld [tilespmem:s31+$0x720]  }
0x7e: {  	s8 =	simm.s32 $0x40;
	v5 =	vunpack.c.l.s16.s32 v1;
	v3 =	vpack.c.b32.b16 v3, v3  }
0x7f: {  	v6 =	vld [tilespmem:s8+$0x730];
	v1 =	vunpack.c.u.s16.s32 v1  }
0x80: {  	v7 =	vld [tilespmem:s8+$0x700];
	v5 =	vpack.c.b32.b16 v5, v5;
	[tilespmem:s31+$0x1F38] =	vst.msk $0xff, v3;
	v3 =	vunpack.c.l.s16.s32 v2  }
0x81: {  	v62 =	vpack.c.b32.b16 v1, v1;
	v2 =	vunpack.c.u.s16.s32 v2  }
0x82: {  	v8 =	vld [tilespmem:s8+$0x710];
	[tilespmem:s31+$0x1F00] =	vst.msk $0xff, v5;
	v5 =	vunpack.c.l.s16.s32 v4;
	v3 =	vpack.c.b32.b16 v3, v3  }
0x83: {  	v0 =	vunpack.c.l.s16.s32 v0;
	v4 =	vunpack.c.u.s16.s32 v4;
	v1 =	vld [tilespmem:s8+$0x720];
	v10 =	vpack.c.b32.b16 v2, v2;
	[tilespmem:s31+$0x1F08] =	vst.msk $0xff, v62  }
0x84: {  	v5 =	vpack.c.b32.b16 v5, v5;
	[tilespmem:s31+$0x1F10] =	vst.msk $0xff, v3  }
0x85: {  	v11 =	vunpack.c.u.s16.s32 v6;
	v2 =	vpack.c.b32.b16 v0, v0;
	v63 =	vpack.c.b32.b16 v4, v4;
	[tilespmem:s31+$0x1F18] =	vst.msk $0xff, v10  }
0x86: {  	v0 =	vunpack.c.l.s16.s32 v6;
	v6 =	vunpack.c.l.s16.s32 v7;
	v3 =	vunpack.c.u.s16.s32 v7;
	[tilespmem:s31+$0x1F20] =	vst.msk $0xff, v5  }
0x87: {  	s23 =	simm.s32 $0x300;
	s22 =	simm.s32 $0x80;
	v7 =	vpack.c.b32.b16 v11, v11;
	[tilespmem:s31+$0x1F28] =	vst.msk $0xff, v63;
	v4 =	vunpack.c.u.s16.s32 v8;
	v5 =	vunpack.c.l.s16.s32 v8  }
.LBB2_5:
0x88: {  	p0 =	sne.s32 s23, $0xF00;
	v8 =	vld [tilespmem:s22+$0x730];
	v6 =	vpack.c.b32.b16 v6, v6;
	v9 =	vunpack.c.u.s16.s32 v1;
	v1 =	vunpack.c.l.s16.s32 v1;
	[tilespmem:s31+$0x1F30] =	vst.msk $0xff, v2;
	s31 =	smov.u32 s8;
	s8 =	smov.u32 s22  }
0x89: {  	v3 =	vpack.c.b32.b16 v3, v3;
	v10 =	vld [tilespmem:s8+$0x700];
	v5 =	vpack.c.b32.b16 v5, v5;
	v4 =	vpack.c.b32.b16 v4, v4;
	[tilespmem:s31+$0x1F38] =	vst.msk $0xff, v7  }
0x8a: {  	v2 =	vpack.c.b32.b16 v0, v0;
	v7 =	vld [tilespmem:s8+$0x710];
	[tilespmem:s31+$0x1F00] =	vst.msk $0xff, v6;
	v11 =	vpack.c.b32.b16 v1, v1;
	v9 =	vpack.c.b32.b16 v9, v9  }
.Ltmp1:
0x8b: {  	v1 =	vld [tilespmem:s8+$0x720];
	[tilespmem:s31+$0x1F08] =	vst.msk $0xff, v3;
	(pc) =	sbr.rel @p0 .LBB2_5-.Ltmp1, $4  }
0x8c: {  	[tilespmem:s31+$0x1F10] =	vst.msk $0xff, v5  }
0x8d: {  	v12 =	vunpack.c.u.s16.s32 v8;
	v0 =	vunpack.c.l.s16.s32 v8;
	[tilespmem:s31+$0x1F18] =	vst.msk $0xff, v4  }
0x8e: {  	v3 =	vunpack.c.u.s16.s32 v10;
	v6 =	vunpack.c.l.s16.s32 v10;
	[tilespmem:s31+$0x1F20] =	vst.msk $0xff, v11  }
0x8f: {  	s22 =	sshra.s32 s23, $0x2;
	s23 =	sadd.s32 $0x100, s23;
	v4 =	vunpack.c.u.s16.s32 v7;
	v5 =	vunpack.c.l.s16.s32 v7;
	v7 =	vpack.c.b32.b16 v12, v12;
	[tilespmem:s31+$0x1F28] =	vst.msk $0xff, v9  }
0x90: {  	v8 =	vld [tilespmem:s22+$0x730];
	[tilespmem:s31+$0x1F30] =	vst.msk $0xff, v2;
	v6 =	vpack.c.b32.b16 v6, v6  }
0x91: {  	v3 =	vpack.c.b32.b16 v3, v3;
	v2 =	vld [tilespmem:s22+$0x700];
	[tilespmem:s8+$0x1F38] =	vst.msk $0xff, v7  }
0x92: {  	v5 =	vpack.c.b32.b16 v5, v5;
	v7 =	vld [tilespmem:s22+$0x710];
	[tilespmem:s8+$0x1F00] =	vst.msk $0xff, v6  }
0x93: {  	v4 =	vpack.c.b32.b16 v4, v4;
	v6 =	vunpack.c.l.s16.s32 v1;
	v9 =	vld [tilespmem:s22+$0x720];
	[tilespmem:s8+$0x1F08] =	vst.msk $0xff, v3  }
0x94: {  	v0 =	vpack.c.b32.b16 v0, v0;
	v1 =	vunpack.c.u.s16.s32 v1;
	[tilespmem:s8+$0x1F10] =	vst.msk $0xff, v5  }
0x95: {  	[tilespmem:s8+$0x1F18] =	vst.msk $0xff, v4;
	v3 =	vpack.c.b32.b16 v6, v6;
	v5 =	vunpack.c.u.s16.s32 v8  }
0x96: {  	[tilespmem:s8+$0x1F30] =	vst.msk $0xff, v0;
	v1 =	vpack.c.b32.b16 v1, v1;
	v4 =	vunpack.c.l.s16.s32 v2  }
0x97: {  	[tilespmem:s8+$0x1F20] =	vst.msk $0xff, v3;
	v2 =	vunpack.c.u.s16.s32 v2;
	v3 =	vpack.c.b32.b16 v5, v5  }
0x98: {  	[tilespmem:s8+$0x1F28] =	vst.msk $0xff, v1;
	v1 =	vunpack.c.l.s16.s32 v7;
	v4 =	vpack.c.b32.b16 v4, v4  }
0x99: {  	v0 =	vunpack.c.u.s16.s32 v7;
	v2 =	vpack.c.b32.b16 v2, v2;
	[tilespmem:s22+$0x1F38] =	vst.msk $0xff, v3  }
0x9a: {  	v3 =	vunpack.c.l.s16.s32 v9;
	v1 =	vpack.c.b32.b16 v1, v1;
	[tilespmem:s22+$0x1F00] =	vst.msk $0xff, v4  }
0x9b: {  	v0 =	vpack.c.b32.b16 v0, v0;
	v4 =	vunpack.c.u.s16.s32 v9;
	[tilespmem:s22+$0x1F08] =	vst.msk $0xff, v2  }
0x9c: {  	v2 =	vunpack.c.l.s16.s32 v8;
	v3 =	vpack.c.b32.b16 v3, v3;
	[tilespmem:s22+$0x1F10] =	vst.msk $0xff, v1  }
0x9d: {  	[tilespmem:s22+$0x1F18] =	vst.msk $0xff, v0;
	v1 =	vpack.c.b32.b16 v4, v4  }
0x9e: {  	v0 =	vpack.c.b32.b16 v2, v2;
	[tilespmem:s22+$0x1F20] =	vst.msk $0xff, v3  }
0x9f: {  	[tilespmem:s22+$0x1F28] =	vst.msk $0xff, v1  }
0xa0: {  	[tilespmem:s22+$0x1F30] =	vst.msk $0xff, v0  }
0xa1: {  	_ =	swait.ge [sflag:s21], $0x80  }
0xa2: {  	[sflag:s21] =	ssyncset.done $0x0  }
0xa3: {  	[sflag:s21] =	ssyncadd.s32 $0xFFFFFF80  }
0xa4: {  	_ =	swait.ge [sflag:s21], $0x400  }
0xa5: {  	[sflag:s21] =	ssyncset.done $0x0  }
0xa6: {  	s31 =	simm.s32 $0x0;
	[sflag:s21] =	ssyncadd.s32 $0xFFFFFC00  }
0xa7: {  	v0 =	vld [tilespmem:s31+$0xB30];
	_ =	sdelay $0x1  }
0xa8: {  	v1 =	vld [tilespmem:s31+$0xB00];
	_ =	sdelay $0x1  }
0xa9: {  	v2 =	vld [tilespmem:s31+$0xB10]  }
0xaa: {  	v3 =	vunpack.c.u.s16.s32 v0  }
0xab: {  	v4 =	vld [tilespmem:s31+$0xB20]  }
0xac: {  	s8 =	simm.s32 $0x40;
	v5 =	vunpack.c.l.s16.s32 v1;
	v3 =	vpack.c.b32.b16 v3, v3  }
0xad: {  	v6 =	vld [tilespmem:s8+$0xB30];
	v1 =	vunpack.c.u.s16.s32 v1  }
0xae: {  	v7 =	vld [tilespmem:s8+$0xB00];
	v5 =	vpack.c.b32.b16 v5, v5;
	[tilespmem:s31+$0x2338] =	vst.msk $0xff, v3;
	v3 =	vunpack.c.l.s16.s32 v2  }
0xaf: {  	v62 =	vpack.c.b32.b16 v1, v1;
	v2 =	vunpack.c.u.s16.s32 v2  }
0xb0: {  	v8 =	vld [tilespmem:s8+$0xB10];
	[tilespmem:s31+$0x2300] =	vst.msk $0xff, v5;
	v5 =	vunpack.c.l.s16.s32 v4;
	v3 =	vpack.c.b32.b16 v3, v3  }
0xb1: {  	v0 =	vunpack.c.l.s16.s32 v0;
	v4 =	vunpack.c.u.s16.s32 v4;
	v1 =	vld [tilespmem:s8+$0xB20];
	v10 =	vpack.c.b32.b16 v2, v2;
	[tilespmem:s31+$0x2308] =	vst.msk $0xff, v62  }
0xb2: {  	v5 =	vpack.c.b32.b16 v5, v5;
	[tilespmem:s31+$0x2310] =	vst.msk $0xff, v3  }
0xb3: {  	v11 =	vunpack.c.u.s16.s32 v6;
	v2 =	vpack.c.b32.b16 v0, v0;
	v63 =	vpack.c.b32.b16 v4, v4;
	[tilespmem:s31+$0x2318] =	vst.msk $0xff, v10  }
0xb4: {  	v0 =	vunpack.c.l.s16.s32 v6;
	v6 =	vunpack.c.l.s16.s32 v7;
	v3 =	vunpack.c.u.s16.s32 v7;
	[tilespmem:s31+$0x2320] =	vst.msk $0xff, v5  }
0xb5: {  	s23 =	simm.s32 $0x300;
	s22 =	simm.s32 $0x80;
	v7 =	vpack.c.b32.b16 v11, v11;
	[tilespmem:s31+$0x2328] =	vst.msk $0xff, v63;
	v4 =	vunpack.c.u.s16.s32 v8;
	v5 =	vunpack.c.l.s16.s32 v8  }
.LBB2_7:
0xb6: {  	p0 =	sne.s32 s23, $0xF00;
	v8 =	vld [tilespmem:s22+$0xB30];
	v6 =	vpack.c.b32.b16 v6, v6;
	v9 =	vunpack.c.u.s16.s32 v1;
	v1 =	vunpack.c.l.s16.s32 v1;
	[tilespmem:s31+$0x2330] =	vst.msk $0xff, v2;
	s31 =	smov.u32 s8;
	s8 =	smov.u32 s22  }
0xb7: {  	v3 =	vpack.c.b32.b16 v3, v3;
	v10 =	vld [tilespmem:s8+$0xB00];
	v5 =	vpack.c.b32.b16 v5, v5;
	v4 =	vpack.c.b32.b16 v4, v4;
	[tilespmem:s31+$0x2338] =	vst.msk $0xff, v7  }
0xb8: {  	v2 =	vpack.c.b32.b16 v0, v0;
	v7 =	vld [tilespmem:s8+$0xB10];
	[tilespmem:s31+$0x2300] =	vst.msk $0xff, v6;
	v11 =	vpack.c.b32.b16 v1, v1;
	v9 =	vpack.c.b32.b16 v9, v9  }
.Ltmp2:
0xb9: {  	v1 =	vld [tilespmem:s8+$0xB20];
	[tilespmem:s31+$0x2308] =	vst.msk $0xff, v3;
	(pc) =	sbr.rel @p0 .LBB2_7-.Ltmp2, $4  }
0xba: {  	[tilespmem:s31+$0x2310] =	vst.msk $0xff, v5  }
0xbb: {  	v12 =	vunpack.c.u.s16.s32 v8;
	v0 =	vunpack.c.l.s16.s32 v8;
	[tilespmem:s31+$0x2318] =	vst.msk $0xff, v4  }
0xbc: {  	v3 =	vunpack.c.u.s16.s32 v10;
	v6 =	vunpack.c.l.s16.s32 v10;
	[tilespmem:s31+$0x2320] =	vst.msk $0xff, v11  }
0xbd: {  	s22 =	sshra.s32 s23, $0x2;
	s23 =	sadd.s32 $0x100, s23;
	v4 =	vunpack.c.u.s16.s32 v7;
	v5 =	vunpack.c.l.s16.s32 v7;
	v7 =	vpack.c.b32.b16 v12, v12;
	[tilespmem:s31+$0x2328] =	vst.msk $0xff, v9  }
0xbe: {  	v8 =	vld [tilespmem:s22+$0xB30];
	[tilespmem:s31+$0x2330] =	vst.msk $0xff, v2;
	v6 =	vpack.c.b32.b16 v6, v6  }
0xbf: {  	v3 =	vpack.c.b32.b16 v3, v3;
	v2 =	vld [tilespmem:s22+$0xB00];
	[tilespmem:s8+$0x2338] =	vst.msk $0xff, v7  }
0xc0: {  	v5 =	vpack.c.b32.b16 v5, v5;
	v7 =	vld [tilespmem:s22+$0xB10];
	[tilespmem:s8+$0x2300] =	vst.msk $0xff, v6  }
0xc1: {  	v4 =	vpack.c.b32.b16 v4, v4;
	v6 =	vunpack.c.l.s16.s32 v1;
	v9 =	vld [tilespmem:s22+$0xB20];
	[tilespmem:s8+$0x2308] =	vst.msk $0xff, v3  }
0xc2: {  	v0 =	vpack.c.b32.b16 v0, v0;
	v1 =	vunpack.c.u.s16.s32 v1;
	[tilespmem:s8+$0x2310] =	vst.msk $0xff, v5  }
0xc3: {  	[tilespmem:s8+$0x2318] =	vst.msk $0xff, v4;
	v3 =	vpack.c.b32.b16 v6, v6;
	v5 =	vunpack.c.u.s16.s32 v8  }
0xc4: {  	[tilespmem:s8+$0x2330] =	vst.msk $0xff, v0;
	v1 =	vpack.c.b32.b16 v1, v1;
	v4 =	vunpack.c.l.s16.s32 v2  }
0xc5: {  	[tilespmem:s8+$0x2320] =	vst.msk $0xff, v3;
	v2 =	vunpack.c.u.s16.s32 v2;
	v3 =	vpack.c.b32.b16 v5, v5  }
0xc6: {  	[tilespmem:s8+$0x2328] =	vst.msk $0xff, v1;
	v1 =	vunpack.c.l.s16.s32 v7;
	v4 =	vpack.c.b32.b16 v4, v4  }
0xc7: {  	v0 =	vunpack.c.u.s16.s32 v7;
	v2 =	vpack.c.b32.b16 v2, v2;
	[tilespmem:s22+$0x2338] =	vst.msk $0xff, v3  }
0xc8: {  	v3 =	vunpack.c.l.s16.s32 v9;
	v1 =	vpack.c.b32.b16 v1, v1;
	[tilespmem:s22+$0x2300] =	vst.msk $0xff, v4  }
0xc9: {  	v0 =	vpack.c.b32.b16 v0, v0;
	v4 =	vunpack.c.u.s16.s32 v9;
	[tilespmem:s22+$0x2308] =	vst.msk $0xff, v2  }
0xca: {  	v2 =	vunpack.c.l.s16.s32 v8;
	v3 =	vpack.c.b32.b16 v3, v3;
	[tilespmem:s22+$0x2310] =	vst.msk $0xff, v1  }
0xcb: {  	[tilespmem:s22+$0x2318] =	vst.msk $0xff, v0;
	v1 =	vpack.c.b32.b16 v4, v4  }
0xcc: {  	v0 =	vpack.c.b32.b16 v2, v2;
	[tilespmem:s22+$0x2320] =	vst.msk $0xff, v3  }
0xcd: {  	[tilespmem:s22+$0x2328] =	vst.msk $0xff, v1  }
0xce: {  	[tilespmem:s22+$0x2330] =	vst.msk $0xff, v0  }
0xcf: {  	_ =	swait.ge [sflag:s21], $0x80  }
0xd0: {  	[sflag:s21] =	ssyncset.done $0x0  }
0xd1: {  	[sflag:s21] =	ssyncadd.s32 $0xFFFFFF80  }
0xd2: {  	_ =	swait.ge [sflag:s21], $0x400  }
0xd3: {  	[sflag:s21] =	ssyncset.done $0x0  }
0xd4: {  	s31 =	simm.s32 $0x0;
	[sflag:s21] =	ssyncadd.s32 $0xFFFFFC00  }
0xd5: {  	v0 =	vld [tilespmem:s31+$0xF30];
	_ =	sdelay $0x1  }
0xd6: {  	v1 =	vld [tilespmem:s31+$0xF00];
	_ =	sdelay $0x1  }
0xd7: {  	v2 =	vld [tilespmem:s31+$0xF10]  }
0xd8: {  	v3 =	vunpack.c.u.s16.s32 v0  }
0xd9: {  	v4 =	vld [tilespmem:s31+$0xF20]  }
0xda: {  	s8 =	simm.s32 $0x40;
	v5 =	vunpack.c.l.s16.s32 v1;
	v3 =	vpack.c.b32.b16 v3, v3  }
0xdb: {  	v6 =	vld [tilespmem:s8+$0xF30];
	v1 =	vunpack.c.u.s16.s32 v1  }
0xdc: {  	v7 =	vld [tilespmem:s8+$0xF00];
	v5 =	vpack.c.b32.b16 v5, v5;
	[tilespmem:s31+$0x2738] =	vst.msk $0xff, v3;
	v3 =	vunpack.c.l.s16.s32 v2  }
0xdd: {  	v62 =	vpack.c.b32.b16 v1, v1;
	v2 =	vunpack.c.u.s16.s32 v2  }
0xde: {  	v8 =	vld [tilespmem:s8+$0xF10];
	[tilespmem:s31+$0x2700] =	vst.msk $0xff, v5;
	v5 =	vunpack.c.l.s16.s32 v4;
	v3 =	vpack.c.b32.b16 v3, v3  }
0xdf: {  	v0 =	vunpack.c.l.s16.s32 v0;
	v4 =	vunpack.c.u.s16.s32 v4;
	v1 =	vld [tilespmem:s8+$0xF20];
	v10 =	vpack.c.b32.b16 v2, v2;
	[tilespmem:s31+$0x2708] =	vst.msk $0xff, v62  }
0xe0: {  	v5 =	vpack.c.b32.b16 v5, v5;
	[tilespmem:s31+$0x2710] =	vst.msk $0xff, v3  }
0xe1: {  	v11 =	vunpack.c.u.s16.s32 v6;
	v2 =	vpack.c.b32.b16 v0, v0;
	v63 =	vpack.c.b32.b16 v4, v4;
	[tilespmem:s31+$0x2718] =	vst.msk $0xff, v10  }
0xe2: {  	v0 =	vunpack.c.l.s16.s32 v6;
	v6 =	vunpack.c.l.s16.s32 v7;
	v3 =	vunpack.c.u.s16.s32 v7;
	[tilespmem:s31+$0x2720] =	vst.msk $0xff, v5  }
0xe3: {  	s23 =	simm.s32 $0x300;
	s22 =	simm.s32 $0x80;
	v7 =	vpack.c.b32.b16 v11, v11;
	[tilespmem:s31+$0x2728] =	vst.msk $0xff, v63;
	v4 =	vunpack.c.u.s16.s32 v8;
	v5 =	vunpack.c.l.s16.s32 v8  }
.LBB2_9:
0xe4: {  	p0 =	sne.s32 s23, $0xF00;
	v8 =	vld [tilespmem:s22+$0xF30];
	v6 =	vpack.c.b32.b16 v6, v6;
	v9 =	vunpack.c.u.s16.s32 v1;
	v1 =	vunpack.c.l.s16.s32 v1;
	[tilespmem:s31+$0x2730] =	vst.msk $0xff, v2;
	s31 =	smov.u32 s8;
	s8 =	smov.u32 s22  }
0xe5: {  	v3 =	vpack.c.b32.b16 v3, v3;
	v10 =	vld [tilespmem:s8+$0xF00];
	v5 =	vpack.c.b32.b16 v5, v5;
	v4 =	vpack.c.b32.b16 v4, v4;
	[tilespmem:s31+$0x2738] =	vst.msk $0xff, v7  }
0xe6: {  	v2 =	vpack.c.b32.b16 v0, v0;
	v7 =	vld [tilespmem:s8+$0xF10];
	[tilespmem:s31+$0x2700] =	vst.msk $0xff, v6;
	v11 =	vpack.c.b32.b16 v1, v1;
	v9 =	vpack.c.b32.b16 v9, v9  }
.Ltmp3:
0xe7: {  	v1 =	vld [tilespmem:s8+$0xF20];
	[tilespmem:s31+$0x2708] =	vst.msk $0xff, v3;
	(pc) =	sbr.rel @p0 .LBB2_9-.Ltmp3, $4  }
0xe8: {  	[tilespmem:s31+$0x2710] =	vst.msk $0xff, v5  }
0xe9: {  	v12 =	vunpack.c.u.s16.s32 v8;
	v0 =	vunpack.c.l.s16.s32 v8;
	[tilespmem:s31+$0x2718] =	vst.msk $0xff, v4  }
0xea: {  	v3 =	vunpack.c.u.s16.s32 v10;
	v6 =	vunpack.c.l.s16.s32 v10;
	[tilespmem:s31+$0x2720] =	vst.msk $0xff, v11  }
0xeb: {  	s22 =	sshra.s32 s23, $0x2;
	s23 =	sadd.s32 $0x100, s23;
	v4 =	vunpack.c.u.s16.s32 v7;
	v5 =	vunpack.c.l.s16.s32 v7;
	v7 =	vpack.c.b32.b16 v12, v12;
	[tilespmem:s31+$0x2728] =	vst.msk $0xff, v9  }
0xec: {  	v8 =	vld [tilespmem:s22+$0xF30];
	[tilespmem:s31+$0x2730] =	vst.msk $0xff, v2;
	v6 =	vpack.c.b32.b16 v6, v6  }
0xed: {  	v3 =	vpack.c.b32.b16 v3, v3;
	v2 =	vld [tilespmem:s22+$0xF00];
	[tilespmem:s8+$0x2738] =	vst.msk $0xff, v7  }
0xee: {  	v5 =	vpack.c.b32.b16 v5, v5;
	v7 =	vld [tilespmem:s22+$0xF10];
	[tilespmem:s8+$0x2700] =	vst.msk $0xff, v6  }
0xef: {  	v4 =	vpack.c.b32.b16 v4, v4;
	v6 =	vunpack.c.l.s16.s32 v1;
	v9 =	vld [tilespmem:s22+$0xF20];
	[tilespmem:s8+$0x2708] =	vst.msk $0xff, v3  }
0xf0: {  	v0 =	vpack.c.b32.b16 v0, v0;
	v1 =	vunpack.c.u.s16.s32 v1;
	[tilespmem:s8+$0x2710] =	vst.msk $0xff, v5  }
0xf1: {  	[tilespmem:s8+$0x2718] =	vst.msk $0xff, v4;
	v3 =	vpack.c.b32.b16 v6, v6;
	v5 =	vunpack.c.u.s16.s32 v8  }
0xf2: {  	[tilespmem:s8+$0x2730] =	vst.msk $0xff, v0;
	v1 =	vpack.c.b32.b16 v1, v1;
	v4 =	vunpack.c.l.s16.s32 v2  }
0xf3: {  	[tilespmem:s8+$0x2720] =	vst.msk $0xff, v3;
	v2 =	vunpack.c.u.s16.s32 v2;
	v3 =	vpack.c.b32.b16 v5, v5  }
0xf4: {  	[tilespmem:s8+$0x2728] =	vst.msk $0xff, v1;
	v1 =	vunpack.c.l.s16.s32 v7;
	v4 =	vpack.c.b32.b16 v4, v4  }
0xf5: {  	v0 =	vunpack.c.u.s16.s32 v7;
	v2 =	vpack.c.b32.b16 v2, v2;
	[tilespmem:s22+$0x2738] =	vst.msk $0xff, v3  }
0xf6: {  	v3 =	vunpack.c.l.s16.s32 v9;
	v1 =	vpack.c.b32.b16 v1, v1;
	[tilespmem:s22+$0x2700] =	vst.msk $0xff, v4  }
0xf7: {  	v0 =	vpack.c.b32.b16 v0, v0;
	v4 =	vunpack.c.u.s16.s32 v9;
	[tilespmem:s22+$0x2708] =	vst.msk $0xff, v2  }
0xf8: {  	v2 =	vunpack.c.l.s16.s32 v8;
	v3 =	vpack.c.b32.b16 v3, v3;
	[tilespmem:s22+$0x2710] =	vst.msk $0xff, v1  }
0xf9: {  	[tilespmem:s22+$0x2718] =	vst.msk $0xff, v0;
	v1 =	vpack.c.b32.b16 v4, v4  }
0xfa: {  	v0 =	vpack.c.b32.b16 v2, v2;
	[tilespmem:s22+$0x2720] =	vst.msk $0xff, v3  }
0xfb: {  	[tilespmem:s22+$0x2728] =	vst.msk $0xff, v1  }
0xfc: {  	[tilespmem:s22+$0x2730] =	vst.msk $0xff, v0  }
0xfd: {  	_ =	swait.ge [sflag:s21], $0x80  }
0xfe: {  	[sflag:s21] =	ssyncset.done $0x0  }
0xff: {  	[sflag:s21] =	ssyncadd.s32 $0xFFFFFF80  }
0x100: {  	_ =	swait.ge [sflag:s21], $0x400  }
0x101: {  	[sflag:s21] =	ssyncset.done $0x0  }
0x102: {  	s31 =	simm.s32 $0x0;
	[sflag:s21] =	ssyncadd.s32 $0xFFFFFC00  }
0x103: {  	v0 =	vld [tilespmem:s31+$0x1330];
	_ =	sdelay $0x1  }
0x104: {  	v1 =	vld [tilespmem:s31+$0x1300];
	_ =	sdelay $0x1  }
0x105: {  	v2 =	vld [tilespmem:s31+$0x1310]  }
0x106: {  	v3 =	vunpack.c.u.s16.s32 v0  }
0x107: {  	v4 =	vld [tilespmem:s31+$0x1320]  }
0x108: {  	s8 =	simm.s32 $0x40;
	v5 =	vunpack.c.l.s16.s32 v1;
	v3 =	vpack.c.b32.b16 v3, v3  }
0x109: {  	v6 =	vld [tilespmem:s8+$0x1330];
	v1 =	vunpack.c.u.s16.s32 v1  }
0x10a: {  	v7 =	vld [tilespmem:s8+$0x1300];
	v5 =	vpack.c.b32.b16 v5, v5;
	[tilespmem:s31+$0x2B38] =	vst.msk $0xff, v3;
	v3 =	vunpack.c.l.s16.s32 v2  }
0x10b: {  	v62 =	vpack.c.b32.b16 v1, v1;
	v2 =	vunpack.c.u.s16.s32 v2  }
0x10c: {  	v8 =	vld [tilespmem:s8+$0x1310];
	[tilespmem:s31+$0x2B00] =	vst.msk $0xff, v5;
	v5 =	vunpack.c.l.s16.s32 v4;
	v3 =	vpack.c.b32.b16 v3, v3  }
0x10d: {  	v0 =	vunpack.c.l.s16.s32 v0;
	v4 =	vunpack.c.u.s16.s32 v4;
	v1 =	vld [tilespmem:s8+$0x1320];
	v10 =	vpack.c.b32.b16 v2, v2;
	[tilespmem:s31+$0x2B08] =	vst.msk $0xff, v62  }
0x10e: {  	v5 =	vpack.c.b32.b16 v5, v5;
	[tilespmem:s31+$0x2B10] =	vst.msk $0xff, v3  }
0x10f: {  	v11 =	vunpack.c.u.s16.s32 v6;
	v2 =	vpack.c.b32.b16 v0, v0;
	v63 =	vpack.c.b32.b16 v4, v4;
	[tilespmem:s31+$0x2B18] =	vst.msk $0xff, v10  }
0x110: {  	v0 =	vunpack.c.l.s16.s32 v6;
	v6 =	vunpack.c.l.s16.s32 v7;
	v3 =	vunpack.c.u.s16.s32 v7;
	[tilespmem:s31+$0x2B20] =	vst.msk $0xff, v5  }
0x111: {  	s23 =	simm.s32 $0x300;
	s22 =	simm.s32 $0x80;
	v7 =	vpack.c.b32.b16 v11, v11;
	[tilespmem:s31+$0x2B28] =	vst.msk $0xff, v63;
	v4 =	vunpack.c.u.s16.s32 v8;
	v5 =	vunpack.c.l.s16.s32 v8  }
.LBB2_11:
0x112: {  	p0 =	sne.s32 s23, $0xF00;
	v8 =	vld [tilespmem:s22+$0x1330];
	v6 =	vpack.c.b32.b16 v6, v6;
	v9 =	vunpack.c.u.s16.s32 v1;
	v1 =	vunpack.c.l.s16.s32 v1;
	[tilespmem:s31+$0x2B30] =	vst.msk $0xff, v2;
	s31 =	smov.u32 s8;
	s8 =	smov.u32 s22  }
0x113: {  	v3 =	vpack.c.b32.b16 v3, v3;
	v10 =	vld [tilespmem:s8+$0x1300];
	v5 =	vpack.c.b32.b16 v5, v5;
	v4 =	vpack.c.b32.b16 v4, v4;
	[tilespmem:s31+$0x2B38] =	vst.msk $0xff, v7  }
0x114: {  	v2 =	vpack.c.b32.b16 v0, v0;
	v7 =	vld [tilespmem:s8+$0x1310];
	[tilespmem:s31+$0x2B00] =	vst.msk $0xff, v6;
	v11 =	vpack.c.b32.b16 v1, v1;
	v9 =	vpack.c.b32.b16 v9, v9  }
.Ltmp4:
0x115: {  	v1 =	vld [tilespmem:s8+$0x1320];
	[tilespmem:s31+$0x2B08] =	vst.msk $0xff, v3;
	(pc) =	sbr.rel @p0 .LBB2_11-.Ltmp4, $4  }
0x116: {  	[tilespmem:s31+$0x2B10] =	vst.msk $0xff, v5  }
0x117: {  	v12 =	vunpack.c.u.s16.s32 v8;
	v0 =	vunpack.c.l.s16.s32 v8;
	[tilespmem:s31+$0x2B18] =	vst.msk $0xff, v4  }
0x118: {  	v3 =	vunpack.c.u.s16.s32 v10;
	v6 =	vunpack.c.l.s16.s32 v10;
	[tilespmem:s31+$0x2B20] =	vst.msk $0xff, v11  }
0x119: {  	s22 =	sshra.s32 s23, $0x2;
	s23 =	sadd.s32 $0x100, s23;
	v4 =	vunpack.c.u.s16.s32 v7;
	v5 =	vunpack.c.l.s16.s32 v7;
	v7 =	vpack.c.b32.b16 v12, v12;
	[tilespmem:s31+$0x2B28] =	vst.msk $0xff, v9  }
0x11a: {  	v8 =	vld [tilespmem:s22+$0x1330];
	[tilespmem:s31+$0x2B30] =	vst.msk $0xff, v2;
	v6 =	vpack.c.b32.b16 v6, v6  }
0x11b: {  	v3 =	vpack.c.b32.b16 v3, v3;
	v2 =	vld [tilespmem:s22+$0x1300];
	[tilespmem:s8+$0x2B38] =	vst.msk $0xff, v7  }
0x11c: {  	v5 =	vpack.c.b32.b16 v5, v5;
	v7 =	vld [tilespmem:s22+$0x1310];
	[tilespmem:s8+$0x2B00] =	vst.msk $0xff, v6  }
0x11d: {  	v4 =	vpack.c.b32.b16 v4, v4;
	v6 =	vunpack.c.l.s16.s32 v1;
	v9 =	vld [tilespmem:s22+$0x1320];
	[tilespmem:s8+$0x2B08] =	vst.msk $0xff, v3  }
0x11e: {  	v0 =	vpack.c.b32.b16 v0, v0;
	v1 =	vunpack.c.u.s16.s32 v1;
	[tilespmem:s8+$0x2B10] =	vst.msk $0xff, v5  }
0x11f: {  	[tilespmem:s8+$0x2B18] =	vst.msk $0xff, v4;
	v3 =	vpack.c.b32.b16 v6, v6;
	v5 =	vunpack.c.u.s16.s32 v8  }
0x120: {  	[tilespmem:s8+$0x2B30] =	vst.msk $0xff, v0;
	v1 =	vpack.c.b32.b16 v1, v1;
	v4 =	vunpack.c.l.s16.s32 v2  }
0x121: {  	[tilespmem:s8+$0x2B20] =	vst.msk $0xff, v3;
	v2 =	vunpack.c.u.s16.s32 v2;
	v3 =	vpack.c.b32.b16 v5, v5  }
0x122: {  	[tilespmem:s8+$0x2B28] =	vst.msk $0xff, v1;
	v1 =	vunpack.c.l.s16.s32 v7;
	v4 =	vpack.c.b32.b16 v4, v4  }
0x123: {  	v0 =	vunpack.c.u.s16.s32 v7;
	v2 =	vpack.c.b32.b16 v2, v2;
	[tilespmem:s22+$0x2B38] =	vst.msk $0xff, v3  }
0x124: {  	v3 =	vunpack.c.l.s16.s32 v9;
	v1 =	vpack.c.b32.b16 v1, v1;
	[tilespmem:s22+$0x2B00] =	vst.msk $0xff, v4  }
0x125: {  	v0 =	vpack.c.b32.b16 v0, v0;
	v4 =	vunpack.c.u.s16.s32 v9;
	[tilespmem:s22+$0x2B08] =	vst.msk $0xff, v2  }
0x126: {  	v2 =	vunpack.c.l.s16.s32 v8;
	v3 =	vpack.c.b32.b16 v3, v3;
	[tilespmem:s22+$0x2B10] =	vst.msk $0xff, v1  }
0x127: {  	[tilespmem:s22+$0x2B18] =	vst.msk $0xff, v0;
	v1 =	vpack.c.b32.b16 v4, v4  }
0x128: {  	v0 =	vpack.c.b32.b16 v2, v2;
	[tilespmem:s22+$0x2B20] =	vst.msk $0xff, v3  }
0x129: {  	[tilespmem:s22+$0x2B28] =	vst.msk $0xff, v1  }
0x12a: {  	[tilespmem:s22+$0x2B30] =	vst.msk $0xff, v0  }
0x12b: {  	_ =	swait.ge [sflag:s21], $0x80  }
0x12c: {  	[sflag:s21] =	ssyncset.done $0x0  }
0x12d: {  	[sflag:s21] =	ssyncadd.s32 $0xFFFFFF80  }
0x12e: {  	_ =	swait.ge [sflag:s21], $0x400  }
0x12f: {  	[sflag:s21] =	ssyncset.done $0x0  }
0x130: {  	s31 =	simm.s32 $0x0;
	[sflag:s21] =	ssyncadd.s32 $0xFFFFFC00  }
0x131: {  	v0 =	vld [tilespmem:s31+$0x1730];
	_ =	sdelay $0x1  }
0x132: {  	v1 =	vld [tilespmem:s31+$0x1700];
	_ =	sdelay $0x1  }
0x133: {  	v2 =	vld [tilespmem:s31+$0x1710]  }
0x134: {  	v3 =	vunpack.c.u.s16.s32 v0  }
0x135: {  	v4 =	vld [tilespmem:s31+$0x1720]  }
0x136: {  	s8 =	simm.s32 $0x40;
	v5 =	vunpack.c.l.s16.s32 v1;
	v3 =	vpack.c.b32.b16 v3, v3  }
0x137: {  	v6 =	vld [tilespmem:s8+$0x1730];
	v1 =	vunpack.c.u.s16.s32 v1  }
0x138: {  	v7 =	vld [tilespmem:s8+$0x1700];
	v5 =	vpack.c.b32.b16 v5, v5;
	[tilespmem:s31+$0x2F38] =	vst.msk $0xff, v3;
	v3 =	vunpack.c.l.s16.s32 v2  }
0x139: {  	v62 =	vpack.c.b32.b16 v1, v1;
	v2 =	vunpack.c.u.s16.s32 v2  }
0x13a: {  	v8 =	vld [tilespmem:s8+$0x1710];
	[tilespmem:s31+$0x2F00] =	vst.msk $0xff, v5;
	v5 =	vunpack.c.l.s16.s32 v4;
	v3 =	vpack.c.b32.b16 v3, v3  }
0x13b: {  	v0 =	vunpack.c.l.s16.s32 v0;
	v4 =	vunpack.c.u.s16.s32 v4;
	v1 =	vld [tilespmem:s8+$0x1720];
	v10 =	vpack.c.b32.b16 v2, v2;
	[tilespmem:s31+$0x2F08] =	vst.msk $0xff, v62  }
0x13c: {  	v5 =	vpack.c.b32.b16 v5, v5;
	[tilespmem:s31+$0x2F10] =	vst.msk $0xff, v3  }
0x13d: {  	v11 =	vunpack.c.u.s16.s32 v6;
	v2 =	vpack.c.b32.b16 v0, v0;
	v63 =	vpack.c.b32.b16 v4, v4;
	[tilespmem:s31+$0x2F18] =	vst.msk $0xff, v10  }
0x13e: {  	v0 =	vunpack.c.l.s16.s32 v6;
	v6 =	vunpack.c.l.s16.s32 v7;
	v3 =	vunpack.c.u.s16.s32 v7;
	[tilespmem:s31+$0x2F20] =	vst.msk $0xff, v5  }
0x13f: {  	s23 =	simm.s32 $0x300;
	s22 =	simm.s32 $0x80;
	v7 =	vpack.c.b32.b16 v11, v11;
	[tilespmem:s31+$0x2F28] =	vst.msk $0xff, v63;
	v4 =	vunpack.c.u.s16.s32 v8;
	v5 =	vunpack.c.l.s16.s32 v8  }
.LBB2_13:
0x140: {  	p0 =	sne.s32 s23, $0xF00;
	v8 =	vld [tilespmem:s22+$0x1730];
	v6 =	vpack.c.b32.b16 v6, v6;
	v9 =	vunpack.c.u.s16.s32 v1;
	v1 =	vunpack.c.l.s16.s32 v1;
	[tilespmem:s31+$0x2F30] =	vst.msk $0xff, v2;
	s31 =	smov.u32 s8;
	s8 =	smov.u32 s22  }
0x141: {  	v3 =	vpack.c.b32.b16 v3, v3;
	v10 =	vld [tilespmem:s8+$0x1700];
	v5 =	vpack.c.b32.b16 v5, v5;
	v4 =	vpack.c.b32.b16 v4, v4;
	[tilespmem:s31+$0x2F38] =	vst.msk $0xff, v7  }
0x142: {  	v2 =	vpack.c.b32.b16 v0, v0;
	v7 =	vld [tilespmem:s8+$0x1710];
	[tilespmem:s31+$0x2F00] =	vst.msk $0xff, v6;
	v11 =	vpack.c.b32.b16 v1, v1;
	v9 =	vpack.c.b32.b16 v9, v9  }
.Ltmp5:
0x143: {  	v1 =	vld [tilespmem:s8+$0x1720];
	[tilespmem:s31+$0x2F08] =	vst.msk $0xff, v3;
	(pc) =	sbr.rel @p0 .LBB2_13-.Ltmp5, $4  }
0x144: {  	[tilespmem:s31+$0x2F10] =	vst.msk $0xff, v5  }
0x145: {  	v12 =	vunpack.c.u.s16.s32 v8;
	v0 =	vunpack.c.l.s16.s32 v8;
	[tilespmem:s31+$0x2F18] =	vst.msk $0xff, v4  }
0x146: {  	v3 =	vunpack.c.u.s16.s32 v10;
	v6 =	vunpack.c.l.s16.s32 v10;
	[tilespmem:s31+$0x2F20] =	vst.msk $0xff, v11  }
0x147: {  	s22 =	sshra.s32 s23, $0x2;
	s23 =	sadd.s32 $0x100, s23;
	v4 =	vunpack.c.u.s16.s32 v7;
	v5 =	vunpack.c.l.s16.s32 v7;
	v7 =	vpack.c.b32.b16 v12, v12;
	[tilespmem:s31+$0x2F28] =	vst.msk $0xff, v9  }
0x148: {  	v8 =	vld [tilespmem:s22+$0x1730];
	[tilespmem:s31+$0x2F30] =	vst.msk $0xff, v2;
	v6 =	vpack.c.b32.b16 v6, v6  }
0x149: {  	v3 =	vpack.c.b32.b16 v3, v3;
	v2 =	vld [tilespmem:s22+$0x1700];
	[tilespmem:s8+$0x2F38] =	vst.msk $0xff, v7  }
0x14a: {  	v5 =	vpack.c.b32.b16 v5, v5;
	v7 =	vld [tilespmem:s22+$0x1710];
	[tilespmem:s8+$0x2F00] =	vst.msk $0xff, v6  }
0x14b: {  	v51 =	vunpack.c.l.s16.s32 v1;
	v4 =	vpack.c.b32.b16 v4, v4;
	v9 =	vld [tilespmem:s22+$0x1720];
	[tilespmem:s8+$0x2F08] =	vst.msk $0xff, v3  }
0x14c: {  	v52 =	vunpack.c.u.s16.s32 v1;
	v0 =	vpack.c.b32.b16 v0, v0;
	[tilespmem:s8+$0x2F10] =	vst.msk $0xff, v5  }
0x14d: {  	v53 =	vpack.c.b32.b16 v51, v51;
	[tilespmem:s8+$0x2F18] =	vst.msk $0xff, v4;
	v54 =	vunpack.c.u.s16.s32 v8  }
0x14e: {  	v1 =	vpack.c.b32.b16 v52, v52;
	[tilespmem:s8+$0x2F30] =	vst.msk $0xff, v0;
	v61 =	vunpack.c.l.s16.s32 v8  }
0x14f: {  	[tilespmem:s8+$0x2F20] =	vst.msk $0xff, v53;
	v55 =	vunpack.c.l.s16.s32 v2;
	v56 =	vpack.c.b32.b16 v54, v54  }
0x150: {  	[tilespmem:s8+$0x2F28] =	vst.msk $0xff, v1;
	v2 =	vunpack.c.u.s16.s32 v2;
	v63 =	vpack.c.b32.b16 v61, v61  }
0x151: {  	v57 =	vunpack.c.l.s16.s32 v7;
	v4 =	vpack.c.b32.b16 v55, v55;
	[tilespmem:s22+$0x2F38] =	vst.msk $0xff, v56  }
0x152: {  	v58 =	vunpack.c.u.s16.s32 v7;
	v2 =	vpack.c.b32.b16 v2, v2;
	[tilespmem:s22+$0x2F30] =	vst.msk $0xff, v63  }
0x153: {  	v59 =	vunpack.c.l.s16.s32 v9;
	v1 =	vpack.c.b32.b16 v57, v57;
	[tilespmem:s22+$0x2F00] =	vst.msk $0xff, v4  }
0x154: {  	v60 =	vunpack.c.u.s16.s32 v9;
	v0 =	vpack.c.b32.b16 v58, v58;
	[tilespmem:s22+$0x2F08] =	vst.msk $0xff, v2  }
0x155: {  	v3 =	vpack.c.b32.b16 v59, v59;
	[tilespmem:s22+$0x2F10] =	vst.msk $0xff, v1  }
0x156: {  	v62 =	vpack.c.b32.b16 v60, v60;
	[tilespmem:s22+$0x2F18] =	vst.msk $0xff, v0  }
0x157: {  	[tilespmem:s22+$0x2F20] =	vst.msk $0xff, v3  }
0x158: {  	s31 =	simm.s32 $0x1B00;
	[tilespmem:s22+$0x2F28] =	vst.msk $0xff, v62  }
0x159: {  	[spmem:s3] =	stream.indirect.scatter.add.bf16 [tilespmem:s31], [sflag:$0x2], $0x8, s4, s2, $0xb8;
	[tilespmem:$0x5B90] =	vst v63  }
0x15a: {  	s22 =	simm.s32 $0x1F00  }
0x15b: {  	[spmem:s3] =	stream.indirect.scatter.add.bf16 [tilespmem:s22], [sflag:$0x2], $0x8, s2, s2, $0xb8;
	[tilespmem:$0x5B90] =	vst v63  }
0x15c: {  	_ = 	snop  }
0x15d: {  	[spmem:s3] =	stream.indirect.scatter.add.bf16 [tilespmem:s24], [sflag:$0x2], $0x8, s9, s2, $0xb8;
	[tilespmem:$0x5B90] =	vst v63  }
0x15e: {  	_ = 	snop  }
0x15f: {  	[spmem:s3] =	stream.indirect.scatter.add.bf16 [tilespmem:s25], [sflag:$0x2], $0x8, s11, s2, $0xb8;
	[tilespmem:$0x5B90] =	vst v63  }
0x160: {  	_ = 	snop  }
0x161: {  	[spmem:s3] =	stream.indirect.scatter.add.bf16 [tilespmem:s26], [sflag:$0x2], $0x8, s15, s2, $0xb8;
	[tilespmem:$0x5B90] =	vst v63  }
0x162: {  	_ = 	snop  }
0x163: {  	[spmem:s3] =	stream.indirect.scatter.add.bf16 [tilespmem:s28], [sflag:$0x2], $0x8, s18, s2, $0xb8;
	[tilespmem:$0x5B90] =	vst v63  }
0x164: {  	_ =	swait.ge [sflag:s29], $0x400  }
0x165: {  	[sflag:s29] =	ssyncset.done $0x0  }
0x166: {  	[sflag:s29] =	ssyncadd.s32 $0xFFFFFC00  }
0x167: {  	_ =	swait.ge [sflag:s29], $0x400  }
0x168: {  	[sflag:s29] =	ssyncset.done $0x0  }
0x169: {  	[sflag:s29] =	ssyncadd.s32 $0xFFFFFC00  }
0x16a: {  	_ =	swait.ge [sflag:s29], $0x400  }
0x16b: {  	[sflag:s29] =	ssyncset.done $0x0  }
0x16c: {  	[sflag:s29] =	ssyncadd.s32 $0xFFFFFC00  }
0x16d: {  	_ =	swait.ge [sflag:s29], $0x400  }
0x16e: {  	s30 =	sadd.s32 $0x1, s30;
	[sflag:s29] =	ssyncset.done $0x0  }
0x16f: {  	s23 =	smul.u32 $0x6, s30;
	[sflag:s29] =	ssyncadd.s32 $0xFFFFFC00  }
0x170: {  	_ =	swait.ge [sflag:s29], $0x400  }
0x171: {  	s8 =	smin.u32 s23, $0x48;
	[sflag:s29] =	ssyncset.done $0x0  }
0x172: {  	s8 =	sshll.u32 s8, $0x7;
	[sflag:s29] =	ssyncadd.s32 $0xFFFFFC00  }
0x173: {  	s22 =	sadd.s32 s5, s8;
	_ =	swait.ge [sflag:s29], $0x400  }
0x174: {  	s23 =	sshrl.u32 s22, $0x3;
	[sflag:s29] =	ssyncset.done $0x0  }
0x175: {  	s23 =	sadd.s32 s1, s23;
	[sflag:s29] =	ssyncadd.s32 $0xFFFFFC00  }
0x176: {  	[tilespmem:s4], [sflag:$0x1] =	stream.linear.gather [hbm4b:s23+s4], $0x80, $0x38;
	[tilespmem:$0x5B90] =	vst v63  }
0x177: {  	s31 =	sadd.s32 s6, s22;
	s22 =	sadd.s32 $0x80, s22  }
0x178: {  	[tilespmem:s0], [sflag:$0x1] =	stream.linear.gather [hbm4b:s31+s4], $0x400, $0x38;
	[tilespmem:$0x5B90] =	vst v63  }
0x179: {  	s31 =	sshrl.u32 s22, $0x3  }
0x17a: {  	s23 =	sadd.s32 s1, s31  }
0x17b: {  	[tilespmem:s2], [sflag:$0x1] =	stream.linear.gather [hbm4b:s23+s4], $0x80, $0x38;
	[tilespmem:$0x5B90] =	vst v63  }
0x17c: {  	s22 =	sadd.s32 s6, s22  }
0x17d: {  	[tilespmem:s7], [sflag:$0x1] =	stream.linear.gather [hbm4b:s22+s4], $0x400, $0x38;
	[tilespmem:$0x5B90] =	vst v63  }
0x17e: {  	s22 =	sadd.s32 s8, s12  }
0x17f: {  	s31 =	sshrl.u32 s22, $0x3  }
0x180: {  	s23 =	sadd.s32 s1, s31  }
0x181: {  	[tilespmem:s9], [sflag:$0x1] =	stream.linear.gather [hbm4b:s23+s4], $0x80, $0x38;
	[tilespmem:$0x5B90] =	vst v63  }
0x182: {  	s22 =	sadd.s32 s6, s22  }
0x183: {  	[tilespmem:s10], [sflag:$0x1] =	stream.linear.gather [hbm4b:s22+s4], $0x400, $0x38;
	[tilespmem:$0x5B90] =	vst v63  }
0x184: {  	s22 =	sadd.s32 s8, s14  }
0x185: {  	s31 =	sshrl.u32 s22, $0x3  }
0x186: {  	s23 =	sadd.s32 s1, s31  }
0x187: {  	[tilespmem:s11], [sflag:$0x1] =	stream.linear.gather [hbm4b:s23+s4], $0x80, $0x38;
	[tilespmem:$0x5B90] =	vst v63  }
0x188: {  	s22 =	sadd.s32 s6, s22  }
0x189: {  	[tilespmem:s13], [sflag:$0x1] =	stream.linear.gather [hbm4b:s22+s4], $0x400, $0x38;
	[tilespmem:$0x5B90] =	vst v63  }
0x18a: {  	s22 =	sadd.s32 s8, s17  }
0x18b: {  	s31 =	sshrl.u32 s22, $0x3  }
0x18c: {  	s23 =	sadd.s32 s1, s31  }
0x18d: {  	[tilespmem:s15], [sflag:$0x1] =	stream.linear.gather [hbm4b:s23+s4], $0x80, $0x38;
	[tilespmem:$0x5B90] =	vst v63  }
0x18e: {  	p0 =	sne.s32 s30, $0xD;
	s8 =	sadd.s32 s8, s19;
	s22 =	sadd.s32 s6, s22  }
0x18f: {  	[tilespmem:s16], [sflag:$0x1] =	stream.linear.gather [hbm4b:s22+s4], $0x400, $0x38;
	[tilespmem:$0x5B90] =	vst v63  }
.Ltmp6:
0x190: {  	s31 =	sshrl.u32 s8, $0x3;
	(pc) =	sbr.rel @p0 .LBB2_2-.Ltmp6, $4  }
0x191: {  	s22 =	sadd.s32 s1, s31  }
0x192: {  	[tilespmem:s18], [sflag:$0x1] =	stream.linear.gather [hbm4b:s22+s4], $0x80, $0x38;
	[tilespmem:$0x5B90] =	vst v63  }
0x193: {  	s8 =	sadd.s32 s6, s8  }
0x194: {  	[tilespmem:s20], [sflag:$0x1] =	stream.linear.gather [hbm4b:s8+s4], $0x400, $0x38;
	[tilespmem:$0x5B90] =	vst v63  }
0x195: {  	_ =	swait.ge [sflag:s21], $0x80  }
0x196: {  	[sflag:s21] =	ssyncset.done $0x0  }
0x197: {  	[sflag:s21] =	ssyncadd.s32 $0xFFFFFF80  }
0x198: {  	_ =	swait.ge [sflag:s21], $0x400  }
0x199: {  	[sflag:s21] =	ssyncset.done $0x0  }
0x19a: {  	[sflag:s21] =	ssyncadd.s32 $0xFFFFFC00  }
0x19b: {  	_ =	swait.ge [sflag:s21], $0x80  }
0x19c: {  	[sflag:s21] =	ssyncset.done $0x0  }
0x19d: {  	[sflag:s21] =	ssyncadd.s32 $0xFFFFFF80  }
0x19e: {  	_ =	swait.ge [sflag:s21], $0x400  }
0x19f: {  	[sflag:s21] =	ssyncset.done $0x0  }
0x1a0: {  	[sflag:s21] =	ssyncadd.s32 $0xFFFFFC00  }
0x1a1: {  	_ =	swait.ge [sflag:s21], $0x80  }
0x1a2: {  	[sflag:s21] =	ssyncset.done $0x0  }
0x1a3: {  	[sflag:s21] =	ssyncadd.s32 $0xFFFFFF80  }
0x1a4: {  	_ =	swait.ge [sflag:s21], $0x400  }
0x1a5: {  	[sflag:s21] =	ssyncset.done $0x0  }
0x1a6: {  	[sflag:s21] =	ssyncadd.s32 $0xFFFFFC00  }
0x1a7: {  	_ =	swait.ge [sflag:s21], $0x80  }
0x1a8: {  	[sflag:s21] =	ssyncset.done $0x0  }
0x1a9: {  	[sflag:s21] =	ssyncadd.s32 $0xFFFFFF80  }
0x1aa: {  	_ =	swait.ge [sflag:s21], $0x400  }
0x1ab: {  	[sflag:s21] =	ssyncset.done $0x0  }
0x1ac: {  	[sflag:s21] =	ssyncadd.s32 $0xFFFFFC00  }
0x1ad: {  	_ =	swait.ge [sflag:s21], $0x80  }
0x1ae: {  	[sflag:s21] =	ssyncset.done $0x0  }
0x1af: {  	[sflag:s21] =	ssyncadd.s32 $0xFFFFFF80  }
0x1b0: {  	_ =	swait.ge [sflag:s21], $0x400  }
0x1b1: {  	[sflag:s21] =	ssyncset.done $0x0  }
0x1b2: {  	[sflag:s21] =	ssyncadd.s32 $0xFFFFFC00  }
0x1b3: {  	_ =	swait.ge [sflag:s21], $0x80  }
0x1b4: {  	[sflag:s21] =	ssyncset.done $0x0  }
0x1b5: {  	[sflag:s21] =	ssyncadd.s32 $0xFFFFFF80  }
0x1b6: {  	_ =	swait.ge [sflag:s21], $0x400  }
0x1b7: {  	s22 =	simm.s32 $0x3300;
	[sflag:s21] =	ssyncset.done $0x0  }
0x1b8: {  	s30 =	simm.s32 $0x3;
	s8 =	rddreg [dreg:$0x11];
	[sflag:s21] =	ssyncadd.s32 $0xFFFFFC00  }
0x1b9: {  	[tilespmem:s22], [sflag:$0x3] =	stream.linear.gather [hbm4b:s8+s4], $0x10, $0x38;
	[tilespmem:$0x5B90] =	vst v63  }
0x1ba: {  	_ =	swait.ge [sflag:s30], $0x10  }
0x1bb: {  	[sflag:s30] =	ssyncset.done $0x0  }
0x1bc: {  	s23 =	rddreg [dreg:$0x12];
	[sflag:s30] =	ssyncadd.s32 $0xFFFFFFF0  }
0x1bd: {  	[tilespmem:s0], [sflag:$0x3] =	stream.linear.gather [hbm4b:s23+s4], $0x80, $0x38;
	[tilespmem:$0x5B90] =	vst v63  }
0x1be: {  	_ =	swait.ge [sflag:s30], $0x80  }
0x1bf: {  	[sflag:s30] =	ssyncset.done $0x0  }
0x1c0: {  	[sflag:s30] =	ssyncadd.s32 $0xFFFFFF80  }
0x1c1: {  	v0 =	vld [tilespmem:$0x300];
	_ =	sdelay $0x4  }
0x1c2: {  	v1 =	vunpack.c.l.s16.s32 v0  }
0x1c3: {  	v0 =	vunpack.c.u.s16.s32 v0  }
0x1c4: {  	v1 =	vpack.c.b32.b16 v1, v1  }
0x1c5: {  	s8 =	simm.s32 $0x3310;
	v0 =	vpack.c.b32.b16 v0, v0  }
0x1c6: {  	s23 =	simm.s32 $0x3318;
	[tilespmem:s8+$0x0] =	vst.msk $0xff, v1  }
0x1c7: {  	[tilespmem:s23+$0x0] =	vst.msk $0xff, v0  }
0x1c8: {  	v0 =	vld [tilespmem:$0x310];
	_ =	sdelay $0x4  }
0x1c9: {  	v57 =	vunpack.c.l.s16.s32 v0  }
0x1ca: {  	v0 =	vunpack.c.u.s16.s32 v0  }
0x1cb: {  	v1 =	vpack.c.b32.b16 v57, v57  }
0x1cc: {  	s23 =	simm.s32 $0x3320;
	v0 =	vpack.c.b32.b16 v0, v0  }
0x1cd: {  	[tilespmem:s23+$0x0] =	vst.msk $0xff, v1;
	s23 =	simm.s32 $0x3328  }
0x1ce: {  	[tilespmem:s23+$0x0] =	vst.msk $0xff, v0  }
0x1cf: {  	v0 =	vld [tilespmem:$0x320];
	_ =	sdelay $0x4  }
0x1d0: {  	v58 =	vunpack.c.l.s16.s32 v0  }
0x1d1: {  	v0 =	vunpack.c.u.s16.s32 v0  }
0x1d2: {  	v1 =	vpack.c.b32.b16 v58, v58  }
0x1d3: {  	s23 =	simm.s32 $0x3330;
	v0 =	vpack.c.b32.b16 v0, v0  }
0x1d4: {  	[tilespmem:s23+$0x0] =	vst.msk $0xff, v1;
	s23 =	simm.s32 $0x3338  }
0x1d5: {  	[tilespmem:s23+$0x0] =	vst.msk $0xff, v0  }
0x1d6: {  	v0 =	vld [tilespmem:$0x330];
	_ =	sdelay $0x4  }
0x1d7: {  	v59 =	vunpack.c.l.s16.s32 v0  }
0x1d8: {  	v0 =	vunpack.c.u.s16.s32 v0  }
0x1d9: {  	v1 =	vpack.c.b32.b16 v59, v59  }
0x1da: {  	s23 =	simm.s32 $0x3340;
	v0 =	vpack.c.b32.b16 v0, v0  }
0x1db: {  	[tilespmem:s23+$0x0] =	vst.msk $0xff, v1;
	s23 =	simm.s32 $0x3348  }
0x1dc: {  	[tilespmem:s23+$0x0] =	vst.msk $0xff, v0  }
0x1dd: {  	v0 =	vld [tilespmem:$0x340];
	_ =	sdelay $0x4  }
0x1de: {  	v60 =	vunpack.c.l.s16.s32 v0  }
0x1df: {  	v0 =	vunpack.c.u.s16.s32 v0  }
0x1e0: {  	v1 =	vpack.c.b32.b16 v60, v60  }
0x1e1: {  	s23 =	simm.s32 $0x3350;
	v0 =	vpack.c.b32.b16 v0, v0  }
0x1e2: {  	[tilespmem:s23+$0x0] =	vst.msk $0xff, v1;
	s23 =	simm.s32 $0x3358  }
0x1e3: {  	[tilespmem:s23+$0x0] =	vst.msk $0xff, v0  }
0x1e4: {  	v0 =	vld [tilespmem:$0x350];
	_ =	sdelay $0x4  }
0x1e5: {  	v61 =	vunpack.c.l.s16.s32 v0  }
0x1e6: {  	v0 =	vunpack.c.u.s16.s32 v0  }
0x1e7: {  	v1 =	vpack.c.b32.b16 v61, v61  }
0x1e8: {  	s23 =	simm.s32 $0x3360;
	v0 =	vpack.c.b32.b16 v0, v0  }
0x1e9: {  	[tilespmem:s23+$0x0] =	vst.msk $0xff, v1;
	s23 =	simm.s32 $0x3368  }
0x1ea: {  	[tilespmem:s23+$0x0] =	vst.msk $0xff, v0  }
0x1eb: {  	v0 =	vld [tilespmem:$0x360];
	_ =	sdelay $0x4  }
0x1ec: {  	v62 =	vunpack.c.l.s16.s32 v0  }
0x1ed: {  	v0 =	vunpack.c.u.s16.s32 v0  }
0x1ee: {  	v1 =	vpack.c.b32.b16 v62, v62  }
0x1ef: {  	s23 =	simm.s32 $0x3370;
	v0 =	vpack.c.b32.b16 v0, v0  }
0x1f0: {  	[tilespmem:s23+$0x0] =	vst.msk $0xff, v1;
	s23 =	simm.s32 $0x3378  }
0x1f1: {  	[tilespmem:s23+$0x0] =	vst.msk $0xff, v0  }
0x1f2: {  	v0 =	vld [tilespmem:$0x370];
	_ =	sdelay $0x4  }
0x1f3: {  	v63 =	vunpack.c.l.s16.s32 v0  }
0x1f4: {  	v0 =	vunpack.c.u.s16.s32 v0  }
0x1f5: {  	v1 =	vpack.c.b32.b16 v63, v63  }
0x1f6: {  	s23 =	simm.s32 $0x3380;
	v0 =	vpack.c.b32.b16 v0, v0  }
0x1f7: {  	[tilespmem:s23+$0x0] =	vst.msk $0xff, v1;
	s23 =	simm.s32 $0x3388  }
0x1f8: {  	[tilespmem:s23+$0x0] =	vst.msk $0xff, v0;
	s23 =	simm.s32 $0x10  }
0x1f9: {  	[spmem:s3] =	stream.indirect.scatter.add.bf16 [tilespmem:s8], [sflag:$0x3], $0x8, s22, s23, $0xb8;
	[tilespmem:$0x5B90] =	vst v63  }
0x1fa: {  	_ =	swait.ge [sflag:s30], $0x80  }
0x1fb: {  	[sflag:s30] =	ssyncset.done $0x0  }
0x1fc: {  	[sflag:s30] =	ssyncadd.s32 $0xFFFFFF80  }
0x1fd: {  	[bflag:$0x0] =	sbarrier.arrive $0xFFFF  }
0x1fe: {  	s23 =	simm.s32 $0x3390;
	s22 =	rddreg [dreg:$0x6]  }
0x1ff: {  	[tilespmem:s23], [sflag:$0x3] =	stream.linear.gather [spmem:s22], $0x1400, $0x38;
	[tilespmem:$0x5B90] =	vst v63  }
0x200: {  	_ =	swait.ge [sflag:s30], $0x1400  }
0x201: {  	[sflag:s30] =	ssyncset.done $0x0  }
0x202: {  	s8 =	rddreg [dreg:$0xe];
	[sflag:s30] =	ssyncadd.s32 $0xFFFFEC00  }
0x203: {  	[hbm4b:s8+s4] =	stream.linear.scatter [tilespmem:s23], [sflag:$0x3], $0x1400, $0x38;
	[tilespmem:$0x5B90] =	vst v63  }
0x204: {  	_ =	swait.ge [sflag:s30], $0x1400  }
0x205: {  	s31 =	rddreg [dreg:$0x17]  }
0x206: {  	s8 =	rddreg [dreg:$0x13];
	s31 =	sadd.s32 $0x1, s31  }
0x207: {  	p0 =	sne.s32 s31, s8  }
.Ltmp7:
0x208: {  	_ = 	snop;
	(pc) =	sbr.rel @p0 .LBB2_1-.Ltmp7, $3  }
0x209: {  	_ =	sdelay $0x1  }
0x20a: {  	[sflag:s30] =	ssyncset.done $0x0  }
0x20b: {  	[sflag:s30] =	ssyncadd.s32 $0xFFFFEC00  }
0x20c: {  	_ =	sfence.sel $0x180000  }
0x20d: {  	[bflag:$0x0] =	sbarrier.arrive $0xFFFF  }
0x20e: {  	_ =	strace $0x90000047  }
0x20f: {  	s0 =	stileid.u32;
	[bflag:$0x2] =	sbarrier.arrive $0xFFFF  }
0x210: {  	p0 =	sne.s32 s0, $0x0;
	s0 =	rddreg [dreg:$0x4]  }
0x211: {  	s0 =	sadd.s32 @!p0 $0x100000, s0  }
0x212: {  	[sflag:s0] =	ssyncadd.tile.s32 @!p0 $0x1;
	_ =	shalt  }
.Lfunc_end2:
_tile_overlayer_lowered:
.L_overlay_start_2:
0x213: {  	(tag) =	ssettag $0x2  }
0x214: {  	s0 =	rddreg [dreg:$0x0];
	s2 =	stileid.u32  }
0x215: {  	s1 =	rddreg [dreg:$0x1];
	p0 =	sne.s32 s2, $0x0  }
0x216: {  	s3 =	rddreg [dreg:$0x2];
	[bflag:$0x3] =	sbarrier.arrive $0xFFFF;
	s2 =	simm.s32 @!p0 $0x1C03  }
0x217: {  	[timem:s3], [sflag:s2] =	dma.local @!p0 [hbm:s0], s1  }
0x218: {  	s0 =	simm.s32 @!p0 $0x3  }
0x219: {  	_ =	swait.ge @!p0 [sflag:s0], s1  }
0x21a: {  	s1 =	ssub.s32 @!p0 $0x0, s1;
	[sflag:s0] =	ssyncset.done @!p0 $0x0  }
0x21b: {  	[sflag:s0] =	ssyncadd.s32 @!p0 s1  }
0x21c: {  	[bflag:$0x3] =	sbarrier.arrive $0xFFFF  }
0x21d: {  	_ =	shalt  }

</sc_bundles>
